<compile_context>
chip_gen: v7x
topology: tpu7x:2x2x1
jax: 0.10.2.dev20260603
libtpu: 0.0.44.dev20260713+nightly
codegen_flags: <defaults>
</compile_context>

<pallas_src>
import functools

import jax
import jax.numpy as jnp
from jax import lax
from jax.experimental import pallas as pl
from jax.experimental.pallas import tpu as pltpu
from jax.experimental.pallas import tpu_sc as plsc

N = 10000
E = 320000
D = 128

NC = 2
NS = 16
NHALF = 5120
NPADROWS = 128
NROWS = NHALF + NPADROWS
ZPS = NROWS // NS
WPS = NHALF // NS
BATCH = 128
NB = -(-E // (NS * BATCH))
EPS = NB * BATCH
EBUF = EPS + 160
CNT_W = 16
NPOOL = NC * NHALF


def _trash_vec(sid):
    return NHALF + sid * 8 + lax.rem(lax.iota(jnp.int32, 16), 8)


NSLOT = 2


def _gather_scatter_loop(first, nbk, x_hbm, src_v, dst_v, rows_v, ones_v,
                         acc_s, cnt_s, gsem, csem, ssem):
    def idx(ref, j):
        return ref.at[pl.ds(pl.multiple_of(j * BATCH, BATCH), BATCH)]

    @pl.when(nbk > 0)
    def _():
        pltpu.async_copy(x_hbm.at[idx(src_v, 0)], rows_v.at[0], gsem)

    @pl.loop(0, nbk)
    def _(j):
        s = lax.rem(j, NSLOT)
        pltpu.make_async_copy(x_hbm.at[idx(src_v, j)], rows_v.at[s],
                              gsem).wait()

        @pl.when(j + 1 < nbk)
        def _():
            pltpu.async_copy(x_hbm.at[idx(src_v, j + 1)],
                             rows_v.at[1 - s], gsem)

        if first:
            pltpu.async_copy(ones_v, cnt_s.at[idx(dst_v, j)], csem, add=True)

        def half(ref, t):
            base = pl.multiple_of(j * BATCH + t * (BATCH // 2), BATCH // 2)
            return ref.at[pl.ds(base, BATCH // 2)]

        for t in range(2):
            pltpu.async_copy(rows_v.at[s, pl.ds(t * (BATCH // 2), BATCH // 2)],
                             acc_s.at[half(dst_v, t)], ssem, add=True)
        for t in range(2):
            pltpu.make_async_copy(
                rows_v.at[s, pl.ds(t * (BATCH // 2), BATCH // 2)],
                acc_s.at[half(dst_v, t)], ssem).wait()
        if first:
            @pl.when(j >= 1)
            def _():
                pltpu.make_async_copy(ones_v, cnt_s.at[idx(dst_v, j - 1)],
                                      csem).wait()

    if first:
        @pl.when(nbk > 0)
        def _():
            pltpu.make_async_copy(ones_v, cnt_s.at[idx(dst_v, nbk - 1)],
                                  csem).wait()


def _sc_scatter_body(first, *refs):
    if first:
        (src_hbm, dst_hbm, x_hbm,
         acc_out, cnt_out, srcc_out, dstc_out, kcnt_out,
         src_v, dst_v, rows_v, ones_v, zc_v, kv,
         acc_s, cnt_s, gsem, csem, ssem) = refs
    else:
        (srcc_hbm, dstc_hbm, kcnt_hbm, x_hbm, acc_out,
         src_v, dst_v, rows_v, kv2, acc_s, gsem, ssem) = refs
        csem = None
    cid = lax.axis_index("c")
    sid = lax.axis_index("s")
    trash = _trash_vec(sid)

    @pl.loop(0, BATCH)
    def _(i):
        @pl.loop(0, D, step=16)
        def _(j):
            rows_v[0, i, pl.ds(j, 16)] = jnp.zeros((16,), jnp.float32)

    if first:
        @pl.loop(0, BATCH)
        def _(i):
            ones_v[i, pl.ds(0, CNT_W)] = jnp.ones((CNT_W,), jnp.float32)

        @pl.loop(0, ZPS)
        def _(i):
            zc_v[i, pl.ds(0, CNT_W)] = jnp.zeros((CNT_W,), jnp.float32)

    zbase = sid * ZPS
    zspans = ((0, BATCH), (BATCH, BATCH), (2 * BATCH, ZPS - 2 * BATCH))
    for off, size in zspans:
        pltpu.async_copy(rows_v.at[0, pl.ds(0, size), :],
                         acc_s.at[pl.ds(zbase + off, size), :], gsem)
    if first:
        pltpu.async_copy(zc_v, cnt_s.at[pl.ds(zbase, ZPS), :], gsem)

    full = jnp.ones((16,), jnp.bool_)
    if first:
        pltpu.sync_copy(src_hbm.at[sid], src_v.at[pl.ds(0, EPS)])
        pltpu.sync_copy(dst_hbm.at[sid], dst_v.at[pl.ds(0, EPS)])

        def step(t, w):
            r = t * 16
            s = src_v[pl.ds(r, 16)]
            d = dst_v[pl.ds(r, 16)] - cid * NHALF
            ok = (d >= 0) & (d < NHALF)
            plsc.store_compressed(src_v.at[pl.ds(w, 16)], s, mask=ok)
            plsc.store_compressed(dst_v.at[pl.ds(w, 16)], d, mask=ok)
            return w + jnp.sum(ok.astype(jnp.int32))

        k = lax.fori_loop(0, EPS // 16, step, 0)

        for t in range(BATCH // 16):
            plsc.store_compressed(src_v.at[pl.ds(k + t * 16, 16)],
                                  jnp.zeros((16,), jnp.int32), mask=full)
            plsc.store_compressed(dst_v.at[pl.ds(k + t * 16, 16)],
                                  trash, mask=full)

        pltpu.sync_copy(src_v.at[pl.ds(0, EPS)], srcc_out.at[cid, sid])
        pltpu.sync_copy(dst_v.at[pl.ds(0, EPS)], dstc_out.at[cid, sid])
        kv[pl.ds(0, 16)] = jnp.full((16,), k, jnp.int32)
        pltpu.sync_copy(kv, kcnt_out.at[cid, sid])
    else:
        pltpu.sync_copy(srcc_hbm.at[cid, sid], src_v.at[pl.ds(0, EPS)])
        pltpu.sync_copy(dstc_hbm.at[cid, sid], dst_v.at[pl.ds(0, EPS)])
        pltpu.sync_copy(kcnt_hbm.at[cid, sid], kv2)
        k = lax.div(jnp.sum(kv2[pl.ds(0, 16)]), 16)
        for t in range(BATCH // 16):
            plsc.store_compressed(src_v.at[pl.ds(k + t * 16, 16)],
                                  jnp.zeros((16,), jnp.int32), mask=full)
            plsc.store_compressed(dst_v.at[pl.ds(k + t * 16, 16)],
                                  trash, mask=full)

    for off, size in zspans:
        pltpu.make_async_copy(rows_v.at[0, pl.ds(0, size), :],
                              acc_s.at[pl.ds(zbase + off, size), :],
                              gsem).wait()
    if first:
        pltpu.make_async_copy(zc_v, cnt_s.at[pl.ds(zbase, ZPS), :],
                              gsem).wait()

    plsc.subcore_barrier()

    nbk = lax.div(k + BATCH - 1, BATCH)
    _gather_scatter_loop(first, nbk, x_hbm, src_v, dst_v, rows_v,
                         ones_v if first else None, acc_s,
                         cnt_s if first else None, gsem, csem, ssem)

    plsc.subcore_barrier()

    wbase = sid * WPS
    pltpu.sync_copy(acc_s.at[pl.ds(wbase, WPS), :],
                    acc_out.at[cid, pl.ds(wbase, WPS), :])
    if first:
        pltpu.sync_copy(cnt_s.at[pl.ds(wbase, WPS), :],
                        cnt_out.at[cid, pl.ds(wbase, WPS), :])


def _make_sc_scatter(first):
    mesh = plsc.VectorSubcoreMesh(core_axis_name="c", subcore_axis_name="s")
    out_type = [jax.ShapeDtypeStruct((NC, NHALF, D), jnp.float32)]
    scratch = [
        pltpu.VMEM((EBUF,), jnp.int32),
        pltpu.VMEM((EBUF,), jnp.int32),
        pltpu.VMEM((NSLOT, BATCH, D), jnp.float32),
    ]
    if first:
        out_type += [
            jax.ShapeDtypeStruct((NC, NHALF, CNT_W), jnp.float32),
            jax.ShapeDtypeStruct((NC, NS, EPS), jnp.int32),
            jax.ShapeDtypeStruct((NC, NS, EPS), jnp.int32),
            jax.ShapeDtypeStruct((NC, NS, 16), jnp.int32),
        ]
        scratch += [
            pltpu.VMEM((BATCH, CNT_W), jnp.float32),
            pltpu.VMEM((ZPS, CNT_W), jnp.float32),
            pltpu.VMEM((16,), jnp.int32),
        ]
    else:
        scratch.append(pltpu.VMEM((16,), jnp.int32))
    scratch.append(pltpu.VMEM_SHARED((NROWS, D), jnp.float32))
    if first:
        scratch.append(pltpu.VMEM_SHARED((NROWS, CNT_W), jnp.float32))
    scratch.append(pltpu.SemaphoreType.DMA)
    if first:
        scratch.append(pltpu.SemaphoreType.DMA)
    scratch.append(pltpu.SemaphoreType.DMA)
    return pl.kernel(functools.partial(_sc_scatter_body, first),
                     out_type=out_type, mesh=mesh, scratch_types=scratch,
                     compiler_params=pltpu.CompilerParams(
                         use_tc_tiling_on_sc=False,
                         needs_layout_passes=False))


def _tc_body(p_ref, c_ref, x_ref, wl_ref, bl_ref, wr_ref, o_ref):
    cnt = c_ref[0, :, 0:1]
    mean = p_ref[0] / jnp.maximum(cnt, 1.0)
    dn = (((1,), (1,)), ((), ()))
    acc = lax.dot_general(mean, wl_ref[...], dn,
                          preferred_element_type=jnp.float32)
    acc += lax.dot_general(x_ref[...], wr_ref[...], dn,
                           preferred_element_type=jnp.float32)
    o_ref[...] = jnp.maximum(acc + bl_ref[...], 0.0)


def _tc_layer(p, c, x, Wl, bl, Wr):
    BLK = 1280
    nblk = NHALF // BLK
    return pl.pallas_call(
        _tc_body,
        grid=(NPOOL // BLK,),
        in_specs=[
            pl.BlockSpec((1, BLK, D), lambda i: (i // nblk, i % nblk, 0)),
            pl.BlockSpec((1, BLK, CNT_W), lambda i: (i // nblk, i % nblk, 0)),
            pl.BlockSpec((BLK, D), lambda i: (i, 0)),
            pl.BlockSpec((D, D), lambda i: (0, 0)),
            pl.BlockSpec((1, D), lambda i: (0, 0)),
            pl.BlockSpec((D, D), lambda i: (0, 0)),
        ],
        out_specs=pl.BlockSpec((BLK, D), lambda i: (i, 0)),
        out_shape=jax.ShapeDtypeStruct((N, D), jnp.float32),
    )(p, c, x, Wl, bl, Wr)


def kernel(x, edge_index, W1l, b1l, W1r, W2l, b2l, W2r):
    src = edge_index[0].astype(jnp.int32)
    dst = edge_index[1].astype(jnp.int32)
    pad = NS * EPS - E
    src_p = jnp.concatenate([src, jnp.zeros((pad,), jnp.int32)])
    dst_p = jnp.concatenate([dst, jnp.full((pad,), NPOOL, jnp.int32)])
    src_p = src_p.reshape(NS, EPS)
    dst_p = dst_p.reshape(NS, EPS)
    b1 = b1l.reshape(1, D)
    b2 = b2l.reshape(1, D)

    p1, cnt, srcc, dstc, kcnt = _make_sc_scatter(True)(src_p, dst_p, x)
    h = _tc_layer(p1, cnt, x, W1l, b1, W1r)
    (p2,) = _make_sc_scatter(False)(srcc, dstc, kcnt, h)
    return _tc_layer(p2, cnt, h, W2l, b2, W2r)

# --- scband reference (transcript-rebuilt; emitter-appended) ---
"""Pipeline reference for scband-gnnencoder-28630251995475 (READ-ONLY COPY).

The authoritative reference and input builder live on the scoring server;
editing this copy changes nothing except your own understanding.
"""

import jax, jax.numpy as jnp
import numpy as np

N = 10000
E = 320000
D_IN = 128
D_H = 128
D_OUT = 128


def setup_inputs(seed: int = 0) -> dict:
    key = jax.random.key(seed)
    ks = jax.random.split(key, 8)
    x = jax.random.normal(ks[0], (N, D_IN), dtype=jnp.float32)
    edge_index = jax.random.randint(ks[1], (2, E), 0, N, dtype=jnp.int32).astype(jnp.int64)
    # SAGEConv layer 1: lin_l (aggregated neighbors, with bias), lin_r (root, no bias)
    W1l = jax.random.normal(ks[2], (D_H, D_IN), dtype=jnp.float32) * (1.0 / np.sqrt(D_IN))
    b1l = jnp.zeros((D_H,), dtype=jnp.float32)
    W1r = jax.random.normal(ks[3], (D_H, D_IN), dtype=jnp.float32) * (1.0 / np.sqrt(D_IN))
    # SAGEConv layer 2
    W2l = jax.random.normal(ks[4], (D_OUT, D_H), dtype=jnp.float32) * (1.0 / np.sqrt(D_H))
    b2l = jnp.zeros((D_OUT,), dtype=jnp.float32)
    W2r = jax.random.normal(ks[5], (D_OUT, D_H), dtype=jnp.float32) * (1.0 / np.sqrt(D_H))
    return {"x": x, "edge_index": edge_index, "W1l": W1l, "b1l": b1l, "W1r": W1r,
            "W2l": W2l, "b2l": b2l, "W2r": W2r}


def _sage_conv(x, src, dst, Wl, bl, Wr):
    # message: gather source node features
    msg = jnp.take(x, src, axis=0)
    # mean aggregation at destination nodes (scatter-add + count)
    agg = jax.ops.segment_sum(msg, dst, num_segments=N)
    cnt = jax.ops.segment_sum(jnp.ones((src.shape[0],), dtype=x.dtype), dst, num_segments=N)
    mean = agg / jnp.clip(cnt, 1.0)[:, None]
    # out = lin_l(aggr) + lin_r(x)
    return mean @ Wl.T + bl + x @ Wr.T


def reference(x, edge_index, W1l, b1l, W1r, W2l, b2l, W2r):
    src = edge_index[0]
    dst = edge_index[1]
    h = jax.nn.relu(_sage_conv(x, src, dst, W1l, b1l, W1r))
    out = jax.nn.relu(_sage_conv(h, src, dst, W2l, b2l, W2r))
    return out

if __name__ == "__main__":
    import jax
    _d = setup_inputs()
    print(jax.jit(kernel)(*tuple(_d.values())))

</pallas_src>

<mosaic_0001>
#map = affine_map<(d0, d1) -> (0, 0, 0)>
#map1 = affine_map<(d0, d1) -> (0, 0)>
module attributes {stable_mosaic.version = 14 : i64} {
  func.func @_sc_scatter_body(%arg0: i32, %arg1: i32, %arg2: memref<2x16x20096xi32, #tpu.memory_space<hbm>>, %arg3: memref<2x16x20096xi32, #tpu.memory_space<hbm>>, %arg4: memref<2x16x16xi32, #tpu.memory_space<hbm>>, %arg5: memref<10000x128xf32, #tpu.memory_space<hbm>>, %arg6: memref<2x5120x128xf32, #tpu.memory_space<hbm>>, %arg7: memref<20256xi32, #tpu.memory_space<vmem>>, %arg8: memref<20256xi32, #tpu.memory_space<vmem>>, %arg9: memref<2x128x128xf32, #tpu.memory_space<vmem>>, %arg10: memref<16xi32, #tpu.memory_space<vmem>>, %arg11: memref<5248x128xf32, #tpu.memory_space<vmem_shared>>, %arg12: memref<!tpu.dma_semaphore, #tpu.memory_space<semaphore_mem>>, %arg13: memref<!tpu.dma_semaphore, #tpu.memory_space<semaphore_mem>>) attributes {dimension_semantics = [#tpu.dimension_semantics<core_parallel>, #tpu.dimension_semantics<subcore_parallel>], iteration_bounds = array<i64: 2, 16>, scalar_prefetch = 0 : i64, scratch_operands = 7 : i64, tpu.core_type = #tpu.core_type<sc_vector_subcore>, window_params = [{transform_indices = #map}, {transform_indices = #map}, {transform_indices = #map}, {transform_indices = #map1}, {transform_indices = #map}]} {
    %mul3A = arith.constant 8 : i32
    %mul3A_0 = arith.muli %arg1, %mul3A : i32
    %add3A = arith.constant 5120 : i32
    %add3A_1 = arith.addi %add3A, %mul3A_0 : i32
    %iota3A = tpu.iota {dimensions = array<i32: 0>} : vector<16xi32>
    %rem3A = arith.constant 8 : i32
    %rem3A_2 = vector.broadcast %rem3A : i32 to vector<16xi32>
    %rem3A_3 = arith.remsi %iota3A, %rem3A_2 : vector<16xi32>
    %add3A_4 = vector.broadcast %add3A_1 : i32 to vector<16xi32>
    %add3A_5 = arith.addi %add3A_4, %rem3A_3 : vector<16xi32>
    %scan3A = arith.constant 0 : i32
    %scan3A_6 = arith.constant 128 : i32
    %scan3A_7 = arith.addi %scan3A, %scan3A_6 : i32
    %scan3A_8 = arith.constant 1 : i32
    scf.for %scan3A_213 = %scan3A to %scan3A_7 step %scan3A_8  : i32 {
      %mul3A_214 = arith.constant 1 : i32
      %mul3A_215 = arith.muli %scan3A_213, %mul3A_214 : i32
      %add3A_216 = arith.constant 0 : i32
      %add3A_217 = arith.addi %add3A_216, %mul3A_215 : i32
      %scan3A_218 = arith.constant 0 : i32
      %scan3A_219 = arith.constant 8 : i32
      %scan3A_220 = arith.addi %scan3A_218, %scan3A_219 : i32
      %scan3A_221 = arith.constant 1 : i32
      scf.for %scan3A_223 = %scan3A_218 to %scan3A_220 step %scan3A_221  : i32 {
        %mul3A_224 = arith.constant 16 : i32
        %mul3A_225 = arith.muli %scan3A_223, %mul3A_224 : i32
        %add3A_226 = arith.constant 0 : i32
        %add3A_227 = arith.addi %add3A_226, %mul3A_225 : i32
        %broadcast_in_dim3A_228 = arith.constant 0.000000e+00 : f32
        %broadcast_in_dim3A_229 = vector.broadcast %broadcast_in_dim3A_228 : f32 to vector<16xf32>
        %swap3A_230 = arith.constant 0 : i32
        %swap3A_231 = arith.index_cast %swap3A_230 : i32 to index
        %swap3A_232 = arith.index_cast %add3A_217 : i32 to index
        %swap3A_233 = arith.index_cast %add3A_227 : i32 to index
        %swap3A_234 = tpu.vector_load %arg9[%swap3A_231, %swap3A_232, %swap3A_233] {strides = array<i32>} : memref<2x128x128xf32, #tpu.memory_space<vmem>>, vector<16xf32>,
        tpu.vector_store %arg9[%swap3A_231, %swap3A_232, %swap3A_233], %broadcast_in_dim3A_229 {strides = array<i32>} : memref<2x128x128xf32, #tpu.memory_space<vmem>>, vector<16xf32>,
      }
      %scan3A_222 = arith.constant 8 : i32
    }
    %scan3A_9 = arith.constant 128 : i32
    %mul3A_10 = arith.constant 328 : i32
    %mul3A_11 = arith.muli %arg1, %mul3A_10 : i32
    %add3A_12 = arith.constant 0 : i32
    %add3A_13 = arith.addi %mul3A_11, %add3A_12 : i32
    %dma_start3A = arith.constant 0 : i32
    %dma_start3A_14 = arith.constant 0 : i32
    %dma_start3A_15 = arith.constant 0 : i32
    %dma_start3A_16 = tpu.memref_slice %arg9[%dma_start3A, %dma_start3A_14, %dma_start3A_15] : memref<2x128x128xf32, #tpu.memory_space<vmem>> -> memref<1x128x128xf32, #tpu.memory_space<vmem>>
    %dma_start3A_17 = tpu.memref_squeeze %dma_start3A_16 : memref<1x128x128xf32, #tpu.memory_space<vmem>> -> memref<128x128xf32, #tpu.memory_space<vmem>>
    %dma_start3A_18 = arith.constant 0 : i32
    %dma_start3A_19 = tpu.memref_slice %arg11[%add3A_13, %dma_start3A_18] : memref<5248x128xf32, #tpu.memory_space<vmem_shared>> -> memref<128x128xf32, #tpu.memory_space<vmem_shared>>
    %dma_start3A_20 = arith.constant 0 : i32
    %dma_start3A_21 = tpu.memref_slice %arg11[%add3A_13, %dma_start3A_20] : memref<5248x128xf32, #tpu.memory_space<vmem_shared>> -> memref<128x128xf32, #tpu.memory_space<vmem_shared>>
    %dma_start3A_22 = arith.constant 0 : i32
    %dma_start3A_23 = arith.constant 0 : i32
    %dma_start3A_24 = tpu.memref_slice %arg9[%dma_start3A, %dma_start3A_22, %dma_start3A_23] : memref<2x128x128xf32, #tpu.memory_space<vmem>> -> memref<1x128x128xf32, #tpu.memory_space<vmem>>
    %dma_start3A_25 = tpu.memref_squeeze %dma_start3A_24 : memref<1x128x128xf32, #tpu.memory_space<vmem>> -> memref<128x128xf32, #tpu.memory_space<vmem>>
    tpu.enqueue_dma source(%dma_start3A_25 : memref<128x128xf32, #tpu.memory_space<vmem>>) target(%dma_start3A_21 : memref<128x128xf32, #tpu.memory_space<vmem_shared>>) target_semaphore(%arg12 : memref<!tpu.dma_semaphore, #tpu.memory_space<semaphore_mem>>)
    %add3A_26 = arith.constant 128 : i32
    %add3A_27 = arith.addi %mul3A_11, %add3A_26 : i32
    %dma_start3A_28 = arith.constant 0 : i32
    %dma_start3A_29 = arith.constant 0 : i32
    %dma_start3A_30 = arith.constant 0 : i32
    %dma_start3A_31 = tpu.memref_slice %arg9[%dma_start3A_28, %dma_start3A_29, %dma_start3A_30] : memref<2x128x128xf32, #tpu.memory_space<vmem>> -> memref<1x128x128xf32, #tpu.memory_space<vmem>>
    %dma_start3A_32 = tpu.memref_squeeze %dma_start3A_31 : memref<1x128x128xf32, #tpu.memory_space<vmem>> -> memref<128x128xf32, #tpu.memory_space<vmem>>
    %dma_start3A_33 = arith.constant 0 : i32
    %dma_start3A_34 = tpu.memref_slice %arg11[%add3A_27, %dma_start3A_33] : memref<5248x128xf32, #tpu.memory_space<vmem_shared>> -> memref<128x128xf32, #tpu.memory_space<vmem_shared>>
    %dma_start3A_35 = arith.constant 0 : i32
    %dma_start3A_36 = tpu.memref_slice %arg11[%add3A_27, %dma_start3A_35] : memref<5248x128xf32, #tpu.memory_space<vmem_shared>> -> memref<128x128xf32, #tpu.memory_space<vmem_shared>>
    %dma_start3A_37 = arith.constant 0 : i32
    %dma_start3A_38 = arith.constant 0 : i32
    %dma_start3A_39 = tpu.memref_slice %arg9[%dma_start3A_28, %dma_start3A_37, %dma_start3A_38] : memref<2x128x128xf32, #tpu.memory_space<vmem>> -> memref<1x128x128xf32, #tpu.memory_space<vmem>>
    %dma_start3A_40 = tpu.memref_squeeze %dma_start3A_39 : memref<1x128x128xf32, #tpu.memory_space<vmem>> -> memref<128x128xf32, #tpu.memory_space<vmem>>
    tpu.enqueue_dma source(%dma_start3A_40 : memref<128x128xf32, #tpu.memory_space<vmem>>) target(%dma_start3A_36 : memref<128x128xf32, #tpu.memory_space<vmem_shared>>) target_semaphore(%arg12 : memref<!tpu.dma_semaphore, #tpu.memory_space<semaphore_mem>>)
    %add3A_41 = arith.constant 256 : i32
    %add3A_42 = arith.addi %mul3A_11, %add3A_41 : i32
    %dma_start3A_43 = arith.constant 0 : i32
    %dma_start3A_44 = arith.constant 0 : i32
    %dma_start3A_45 = arith.constant 0 : i32
    %dma_start3A_46 = tpu.memref_slice %arg9[%dma_start3A_43, %dma_start3A_44, %dma_start3A_45] : memref<2x128x128xf32, #tpu.memory_space<vmem>> -> memref<1x72x128xf32, #tpu.memory_space<vmem>>
    %dma_start3A_47 = tpu.memref_squeeze %dma_start3A_46 : memref<1x72x128xf32, #tpu.memory_space<vmem>> -> memref<72x128xf32, #tpu.memory_space<vmem>>
    %dma_start3A_48 = arith.constant 0 : i32
    %dma_start3A_49 = tpu.memref_slice %arg11[%add3A_42, %dma_start3A_48] : memref<5248x128xf32, #tpu.memory_space<vmem_shared>> -> memref<72x128xf32, #tpu.memory_space<vmem_shared>>
    %dma_start3A_50 = arith.constant 0 : i32
    %dma_start3A_51 = tpu.memref_slice %arg11[%add3A_42, %dma_start3A_50] : memref<5248x128xf32, #tpu.memory_space<vmem_shared>> -> memref<72x128xf32, #tpu.memory_space<vmem_shared>>
    %dma_start3A_52 = arith.constant 0 : i32
    %dma_start3A_53 = arith.constant 0 : i32
    %dma_start3A_54 = tpu.memref_slice %arg9[%dma_start3A_43, %dma_start3A_52, %dma_start3A_53] : memref<2x128x128xf32, #tpu.memory_space<vmem>> -> memref<1x72x128xf32, #tpu.memory_space<vmem>>
    %dma_start3A_55 = tpu.memref_squeeze %dma_start3A_54 : memref<1x72x128xf32, #tpu.memory_space<vmem>> -> memref<72x128xf32, #tpu.memory_space<vmem>>
    tpu.enqueue_dma source(%dma_start3A_55 : memref<72x128xf32, #tpu.memory_space<vmem>>) target(%dma_start3A_51 : memref<72x128xf32, #tpu.memory_space<vmem_shared>>) target_semaphore(%arg12 : memref<!tpu.dma_semaphore, #tpu.memory_space<semaphore_mem>>)
    %broadcast_in_dim3A = arith.constant true
    %broadcast_in_dim3A_56 = vector.broadcast %broadcast_in_dim3A : i1 to vector<16xi1>
    "tpu.region"() ({
      %run_scoped3A = tpu.sem_alloc : memref<!tpu.dma_semaphore, #tpu.memory_space<semaphore_mem>>
      %dma_start3A_213 = arith.constant 0 : i32
      %dma_start3A_214 = tpu.memref_slice %arg7[%dma_start3A_213] : memref<20256xi32, #tpu.memory_space<vmem>> -> memref<20096xi32, #tpu.memory_space<vmem>>
      %dma_start3A_215 = arith.constant 0 : i32
      %dma_start3A_216 = tpu.memref_slice %arg2[%arg0, %arg1, %dma_start3A_215] : memref<2x16x20096xi32, #tpu.memory_space<hbm>> -> memref<1x1x20096xi32, #tpu.memory_space<hbm>>
      %dma_start3A_217 = tpu.memref_squeeze %dma_start3A_216 : memref<1x1x20096xi32, #tpu.memory_space<hbm>> -> memref<20096xi32, #tpu.memory_space<hbm>>
      %dma_start3A_218 = arith.constant 0 : i32
      %dma_start3A_219 = tpu.memref_slice %arg7[%dma_start3A_218] : memref<20256xi32, #tpu.memory_space<vmem>> -> memref<20096xi32, #tpu.memory_space<vmem>>
      %dma_start3A_220 = arith.constant 0 : i32
      %dma_start3A_221 = tpu.memref_slice %arg2[%arg0, %arg1, %dma_start3A_220] : memref<2x16x20096xi32, #tpu.memory_space<hbm>> -> memref<1x1x20096xi32, #tpu.memory_space<hbm>>
      %dma_start3A_222 = tpu.memref_squeeze %dma_start3A_221 : memref<1x1x20096xi32, #tpu.memory_space<hbm>> -> memref<20096xi32, #tpu.memory_space<hbm>>
      tpu.enqueue_dma source(%dma_start3A_222 : memref<20096xi32, #tpu.memory_space<hbm>>) target(%dma_start3A_219 : memref<20096xi32, #tpu.memory_space<vmem>>) target_semaphore(%run_scoped3A : memref<!tpu.dma_semaphore, #tpu.memory_space<semaphore_mem>>)
      %dma_wait3A_223 = arith.constant 0 : i32
      %dma_wait3A_224 = tpu.memref_slice %arg7[%dma_wait3A_223] : memref<20256xi32, #tpu.memory_space<vmem>> -> memref<20096xi32, #tpu.memory_space<vmem>>
      %dma_wait3A_225 = arith.constant 0 : i32
      %dma_wait3A_226 = tpu.memref_slice %arg2[%arg0, %arg1, %dma_wait3A_225] : memref<2x16x20096xi32, #tpu.memory_space<hbm>> -> memref<1x1x20096xi32, #tpu.memory_space<hbm>>
      %dma_wait3A_227 = tpu.memref_squeeze %dma_wait3A_226 : memref<1x1x20096xi32, #tpu.memory_space<hbm>> -> memref<20096xi32, #tpu.memory_space<hbm>>
      %dma_wait3A_228 = arith.constant 0 : i32
      %dma_wait3A_229 = tpu.memref_slice %arg7[%dma_wait3A_228] : memref<20256xi32, #tpu.memory_space<vmem>> -> memref<20096xi32, #tpu.memory_space<vmem>>
      %dma_wait3A_230 = arith.constant 0 : i32
      %dma_wait3A_231 = tpu.memref_slice %arg2[%arg0, %arg1, %dma_wait3A_230] : memref<2x16x20096xi32, #tpu.memory_space<hbm>> -> memref<1x1x20096xi32, #tpu.memory_space<hbm>>
      %dma_wait3A_232 = tpu.memref_squeeze %dma_wait3A_231 : memref<1x1x20096xi32, #tpu.memory_space<hbm>> -> memref<20096xi32, #tpu.memory_space<hbm>>
      tpu.wait_dma2 semaphore(%run_scoped3A : memref<!tpu.dma_semaphore, #tpu.memory_space<semaphore_mem>>) src(%dma_wait3A_232 : memref<20096xi32, #tpu.memory_space<hbm>>) dst(%dma_wait3A_229 : memref<20096xi32, #tpu.memory_space<vmem>>)
      tpu.yield
    }) : () -> ()
    "tpu.region"() ({
      %run_scoped3A = tpu.sem_alloc : memref<!tpu.dma_semaphore, #tpu.memory_space<semaphore_mem>>
      %dma_start3A_213 = arith.constant 0 : i32
      %dma_start3A_214 = tpu.memref_slice %arg8[%dma_start3A_213] : memref<20256xi32, #tpu.memory_space<vmem>> -> memref<20096xi32, #tpu.memory_space<vmem>>
      %dma_start3A_215 = arith.constant 0 : i32
      %dma_start3A_216 = tpu.memref_slice %arg3[%arg0, %arg1, %dma_start3A_215] : memref<2x16x20096xi32, #tpu.memory_space<hbm>> -> memref<1x1x20096xi32, #tpu.memory_space<hbm>>
      %dma_start3A_217 = tpu.memref_squeeze %dma_start3A_216 : memref<1x1x20096xi32, #tpu.memory_space<hbm>> -> memref<20096xi32, #tpu.memory_space<hbm>>
      %dma_start3A_218 = arith.constant 0 : i32
      %dma_start3A_219 = tpu.memref_slice %arg8[%dma_start3A_218] : memref<20256xi32, #tpu.memory_space<vmem>> -> memref<20096xi32, #tpu.memory_space<vmem>>
      %dma_start3A_220 = arith.constant 0 : i32
      %dma_start3A_221 = tpu.memref_slice %arg3[%arg0, %arg1, %dma_start3A_220] : memref<2x16x20096xi32, #tpu.memory_space<hbm>> -> memref<1x1x20096xi32, #tpu.memory_space<hbm>>
      %dma_start3A_222 = tpu.memref_squeeze %dma_start3A_221 : memref<1x1x20096xi32, #tpu.memory_space<hbm>> -> memref<20096xi32, #tpu.memory_space<hbm>>
      tpu.enqueue_dma source(%dma_start3A_222 : memref<20096xi32, #tpu.memory_space<hbm>>) target(%dma_start3A_219 : memref<20096xi32, #tpu.memory_space<vmem>>) target_semaphore(%run_scoped3A : memref<!tpu.dma_semaphore, #tpu.memory_space<semaphore_mem>>)
      %dma_wait3A_223 = arith.constant 0 : i32
      %dma_wait3A_224 = tpu.memref_slice %arg8[%dma_wait3A_223] : memref<20256xi32, #tpu.memory_space<vmem>> -> memref<20096xi32, #tpu.memory_space<vmem>>
      %dma_wait3A_225 = arith.constant 0 : i32
      %dma_wait3A_226 = tpu.memref_slice %arg3[%arg0, %arg1, %dma_wait3A_225] : memref<2x16x20096xi32, #tpu.memory_space<hbm>> -> memref<1x1x20096xi32, #tpu.memory_space<hbm>>
      %dma_wait3A_227 = tpu.memref_squeeze %dma_wait3A_226 : memref<1x1x20096xi32, #tpu.memory_space<hbm>> -> memref<20096xi32, #tpu.memory_space<hbm>>
      %dma_wait3A_228 = arith.constant 0 : i32
      %dma_wait3A_229 = tpu.memref_slice %arg8[%dma_wait3A_228] : memref<20256xi32, #tpu.memory_space<vmem>> -> memref<20096xi32, #tpu.memory_space<vmem>>
      %dma_wait3A_230 = arith.constant 0 : i32
      %dma_wait3A_231 = tpu.memref_slice %arg3[%arg0, %arg1, %dma_wait3A_230] : memref<2x16x20096xi32, #tpu.memory_space<hbm>> -> memref<1x1x20096xi32, #tpu.memory_space<hbm>>
      %dma_wait3A_232 = tpu.memref_squeeze %dma_wait3A_231 : memref<1x1x20096xi32, #tpu.memory_space<hbm>> -> memref<20096xi32, #tpu.memory_space<hbm>>
      tpu.wait_dma2 semaphore(%run_scoped3A : memref<!tpu.dma_semaphore, #tpu.memory_space<semaphore_mem>>) src(%dma_wait3A_232 : memref<20096xi32, #tpu.memory_space<hbm>>) dst(%dma_wait3A_229 : memref<20096xi32, #tpu.memory_space<vmem>>)
      tpu.yield
    }) : () -> ()
    "tpu.region"() ({
      %run_scoped3A = tpu.sem_alloc : memref<!tpu.dma_semaphore, #tpu.memory_space<semaphore_mem>>
      %dma_start3A_213 = arith.constant 0 : i32
      %dma_start3A_214 = tpu.memref_slice %arg4[%arg0, %arg1, %dma_start3A_213] : memref<2x16x16xi32, #tpu.memory_space<hbm>> -> memref<1x1x16xi32, #tpu.memory_space<hbm>>
      %dma_start3A_215 = tpu.memref_squeeze %dma_start3A_214 : memref<1x1x16xi32, #tpu.memory_space<hbm>> -> memref<16xi32, #tpu.memory_space<hbm>>
      %dma_start3A_216 = arith.constant 0 : i32
      %dma_start3A_217 = tpu.memref_slice %arg4[%arg0, %arg1, %dma_start3A_216] : memref<2x16x16xi32, #tpu.memory_space<hbm>> -> memref<1x1x16xi32, #tpu.memory_space<hbm>>
      %dma_start3A_218 = tpu.memref_squeeze %dma_start3A_217 : memref<1x1x16xi32, #tpu.memory_space<hbm>> -> memref<16xi32, #tpu.memory_space<hbm>>
      tpu.enqueue_dma source(%dma_start3A_218 : memref<16xi32, #tpu.memory_space<hbm>>) target(%arg10 : memref<16xi32, #tpu.memory_space<vmem>>) target_semaphore(%run_scoped3A : memref<!tpu.dma_semaphore, #tpu.memory_space<semaphore_mem>>)
      %dma_wait3A_219 = arith.constant 0 : i32
      %dma_wait3A_220 = tpu.memref_slice %arg4[%arg0, %arg1, %dma_wait3A_219] : memref<2x16x16xi32, #tpu.memory_space<hbm>> -> memref<1x1x16xi32, #tpu.memory_space<hbm>>
      %dma_wait3A_221 = tpu.memref_squeeze %dma_wait3A_220 : memref<1x1x16xi32, #tpu.memory_space<hbm>> -> memref<16xi32, #tpu.memory_space<hbm>>
      %dma_wait3A_222 = arith.constant 0 : i32
      %dma_wait3A_223 = tpu.memref_slice %arg4[%arg0, %arg1, %dma_wait3A_222] : memref<2x16x16xi32, #tpu.memory_space<hbm>> -> memref<1x1x16xi32, #tpu.memory_space<hbm>>
      %dma_wait3A_224 = tpu.memref_squeeze %dma_wait3A_223 : memref<1x1x16xi32, #tpu.memory_space<hbm>> -> memref<16xi32, #tpu.memory_space<hbm>>
      tpu.wait_dma2 semaphore(%run_scoped3A : memref<!tpu.dma_semaphore, #tpu.memory_space<semaphore_mem>>) src(%dma_wait3A_224 : memref<16xi32, #tpu.memory_space<hbm>>) dst(%arg10 : memref<16xi32, #tpu.memory_space<vmem>>)
      tpu.yield
    }) : () -> ()
    %get3A = arith.constant 0 : index
    %get3A_57 = tpu.vector_load %arg10[%get3A] {strides = array<i32>} : memref<16xi32, #tpu.memory_space<vmem>>, vector<16xi32>,
    %reduce_sum3A = arith.constant true
    %reduce_sum3A_58 = vector.broadcast %reduce_sum3A : i1 to vector<16xi1>
    %reduce_sum3A_59 = tpu.scan <sum>, %get3A_57 masked %reduce_sum3A_58 : vector<16xi32>, vector<16xi1> -> vector<16xi32>
    %reduce_sum3A_60 = vector.extract %reduce_sum3A_59[15] : i32 from vector<16xi32>
    %div3A = arith.constant 16 : i32
    %div3A_61 = arith.divsi %reduce_sum3A_60, %div3A : i32
    %add3A_62 = arith.constant 0 : i32
    %add3A_63 = arith.addi %div3A_61, %add3A_62 : i32
    %broadcast_in_dim3A_64 = arith.constant 0 : i32
    %broadcast_in_dim3A_65 = vector.broadcast %broadcast_in_dim3A_64 : i32 to vector<16xi32>
    %swap3A = arith.index_cast %add3A_63 : i32 to index
    %swap3A_66 = tpu.vector_load %arg7[%swap3A] masked %broadcast_in_dim3A_56 {strides = array<i32>} : memref<20256xi32, #tpu.memory_space<vmem>>, vector<16xi32>, vector<16xi1>
    tpu.vector_store %arg7[%swap3A], %broadcast_in_dim3A_65 masked %broadcast_in_dim3A_56 {strides = array<i32>} : memref<20256xi32, #tpu.memory_space<vmem>>, vector<16xi32>, vector<16xi1>
    %add3A_67 = arith.constant 0 : i32
    %add3A_68 = arith.addi %div3A_61, %add3A_67 : i32
    %swap3A_69 = arith.index_cast %add3A_68 : i32 to index
    %swap3A_70 = tpu.vector_load %arg8[%swap3A_69] masked %broadcast_in_dim3A_56 {strides = array<i32>} : memref<20256xi32, #tpu.memory_space<vmem>>, vector<16xi32>, vector<16xi1>
    tpu.vector_store %arg8[%swap3A_69], %add3A_5 masked %broadcast_in_dim3A_56 {strides = array<i32>} : memref<20256xi32, #tpu.memory_space<vmem>>, vector<16xi32>, vector<16xi1>
    %add3A_71 = arith.constant 16 : i32
    %add3A_72 = arith.addi %div3A_61, %add3A_71 : i32
    %broadcast_in_dim3A_73 = arith.constant 0 : i32
    %broadcast_in_dim3A_74 = vector.broadcast %broadcast_in_dim3A_73 : i32 to vector<16xi32>
    %swap3A_75 = arith.index_cast %add3A_72 : i32 to index
    %swap3A_76 = tpu.vector_load %arg7[%swap3A_75] masked %broadcast_in_dim3A_56 {strides = array<i32>} : memref<20256xi32, #tpu.memory_space<vmem>>, vector<16xi32>, vector<16xi1>
    tpu.vector_store %arg7[%swap3A_75], %broadcast_in_dim3A_74 masked %broadcast_in_dim3A_56 {strides = array<i32>} : memref<20256xi32, #tpu.memory_space<vmem>>, vector<16xi32>, vector<16xi1>
    %add3A_77 = arith.constant 16 : i32
    %add3A_78 = arith.addi %div3A_61, %add3A_77 : i32
    %swap3A_79 = arith.index_cast %add3A_78 : i32 to index
    %swap3A_80 = tpu.vector_load %arg8[%swap3A_79] masked %broadcast_in_dim3A_56 {strides = array<i32>} : memref<20256xi32, #tpu.memory_space<vmem>>, vector<16xi32>, vector<16xi1>
    tpu.vector_store %arg8[%swap3A_79], %add3A_5 masked %broadcast_in_dim3A_56 {strides = array<i32>} : memref<20256xi32, #tpu.memory_space<vmem>>, vector<16xi32>, vector<16xi1>
    %add3A_81 = arith.constant 32 : i32
    %add3A_82 = arith.addi %div3A_61, %add3A_81 : i32
    %broadcast_in_dim3A_83 = arith.constant 0 : i32
    %broadcast_in_dim3A_84 = vector.broadcast %broadcast_in_dim3A_83 : i32 to vector<16xi32>
    %swap3A_85 = arith.index_cast %add3A_82 : i32 to index
    %swap3A_86 = tpu.vector_load %arg7[%swap3A_85] masked %broadcast_in_dim3A_56 {strides = array<i32>} : memref<20256xi32, #tpu.memory_space<vmem>>, vector<16xi32>, vector<16xi1>
    tpu.vector_store %arg7[%swap3A_85], %broadcast_in_dim3A_84 masked %broadcast_in_dim3A_56 {strides = array<i32>} : memref<20256xi32, #tpu.memory_space<vmem>>, vector<16xi32>, vector<16xi1>
    %add3A_87 = arith.constant 32 : i32
    %add3A_88 = arith.addi %div3A_61, %add3A_87 : i32
    %swap3A_89 = arith.index_cast %add3A_88 : i32 to index
    %swap3A_90 = tpu.vector_load %arg8[%swap3A_89] masked %broadcast_in_dim3A_56 {strides = array<i32>} : memref<20256xi32, #tpu.memory_space<vmem>>, vector<16xi32>, vector<16xi1>
    tpu.vector_store %arg8[%swap3A_89], %add3A_5 masked %broadcast_in_dim3A_56 {strides = array<i32>} : memref<20256xi32, #tpu.memory_space<vmem>>, vector<16xi32>, vector<16xi1>
    %add3A_91 = arith.constant 48 : i32
    %add3A_92 = arith.addi %div3A_61, %add3A_91 : i32
    %broadcast_in_dim3A_93 = arith.constant 0 : i32
    %broadcast_in_dim3A_94 = vector.broadcast %broadcast_in_dim3A_93 : i32 to vector<16xi32>
    %swap3A_95 = arith.index_cast %add3A_92 : i32 to index
    %swap3A_96 = tpu.vector_load %arg7[%swap3A_95] masked %broadcast_in_dim3A_56 {strides = array<i32>} : memref<20256xi32, #tpu.memory_space<vmem>>, vector<16xi32>, vector<16xi1>
    tpu.vector_store %arg7[%swap3A_95], %broadcast_in_dim3A_94 masked %broadcast_in_dim3A_56 {strides = array<i32>} : memref<20256xi32, #tpu.memory_space<vmem>>, vector<16xi32>, vector<16xi1>
    %add3A_97 = arith.constant 48 : i32
    %add3A_98 = arith.addi %div3A_61, %add3A_97 : i32
    %swap3A_99 = arith.index_cast %add3A_98 : i32 to index
    %swap3A_100 = tpu.vector_load %arg8[%swap3A_99] masked %broadcast_in_dim3A_56 {strides = array<i32>} : memref<20256xi32, #tpu.memory_space<vmem>>, vector<16xi32>, vector<16xi1>
    tpu.vector_store %arg8[%swap3A_99], %add3A_5 masked %broadcast_in_dim3A_56 {strides = array<i32>} : memref<20256xi32, #tpu.memory_space<vmem>>, vector<16xi32>, vector<16xi1>
    %add3A_101 = arith.constant 64 : i32
    %add3A_102 = arith.addi %div3A_61, %add3A_101 : i32
    %broadcast_in_dim3A_103 = arith.constant 0 : i32
    %broadcast_in_dim3A_104 = vector.broadcast %broadcast_in_dim3A_103 : i32 to vector<16xi32>
    %swap3A_105 = arith.index_cast %add3A_102 : i32 to index
    %swap3A_106 = tpu.vector_load %arg7[%swap3A_105] masked %broadcast_in_dim3A_56 {strides = array<i32>} : memref<20256xi32, #tpu.memory_space<vmem>>, vector<16xi32>, vector<16xi1>
    tpu.vector_store %arg7[%swap3A_105], %broadcast_in_dim3A_104 masked %broadcast_in_dim3A_56 {strides = array<i32>} : memref<20256xi32, #tpu.memory_space<vmem>>, vector<16xi32>, vector<16xi1>
    %add3A_107 = arith.constant 64 : i32
    %add3A_108 = arith.addi %div3A_61, %add3A_107 : i32
    %swap3A_109 = arith.index_cast %add3A_108 : i32 to index
    %swap3A_110 = tpu.vector_load %arg8[%swap3A_109] masked %broadcast_in_dim3A_56 {strides = array<i32>} : memref<20256xi32, #tpu.memory_space<vmem>>, vector<16xi32>, vector<16xi1>
    tpu.vector_store %arg8[%swap3A_109], %add3A_5 masked %broadcast_in_dim3A_56 {strides = array<i32>} : memref<20256xi32, #tpu.memory_space<vmem>>, vector<16xi32>, vector<16xi1>
    %add3A_111 = arith.constant 80 : i32
    %add3A_112 = arith.addi %div3A_61, %add3A_111 : i32
    %broadcast_in_dim3A_113 = arith.constant 0 : i32
    %broadcast_in_dim3A_114 = vector.broadcast %broadcast_in_dim3A_113 : i32 to vector<16xi32>
    %swap3A_115 = arith.index_cast %add3A_112 : i32 to index
    %swap3A_116 = tpu.vector_load %arg7[%swap3A_115] masked %broadcast_in_dim3A_56 {strides = array<i32>} : memref<20256xi32, #tpu.memory_space<vmem>>, vector<16xi32>, vector<16xi1>
    tpu.vector_store %arg7[%swap3A_115], %broadcast_in_dim3A_114 masked %broadcast_in_dim3A_56 {strides = array<i32>} : memref<20256xi32, #tpu.memory_space<vmem>>, vector<16xi32>, vector<16xi1>
    %add3A_117 = arith.constant 80 : i32
    %add3A_118 = arith.addi %div3A_61, %add3A_117 : i32
    %swap3A_119 = arith.index_cast %add3A_118 : i32 to index
    %swap3A_120 = tpu.vector_load %arg8[%swap3A_119] masked %broadcast_in_dim3A_56 {strides = array<i32>} : memref<20256xi32, #tpu.memory_space<vmem>>, vector<16xi32>, vector<16xi1>
    tpu.vector_store %arg8[%swap3A_119], %add3A_5 masked %broadcast_in_dim3A_56 {strides = array<i32>} : memref<20256xi32, #tpu.memory_space<vmem>>, vector<16xi32>, vector<16xi1>
    %add3A_121 = arith.constant 96 : i32
    %add3A_122 = arith.addi %div3A_61, %add3A_121 : i32
    %broadcast_in_dim3A_123 = arith.constant 0 : i32
    %broadcast_in_dim3A_124 = vector.broadcast %broadcast_in_dim3A_123 : i32 to vector<16xi32>
    %swap3A_125 = arith.index_cast %add3A_122 : i32 to index
    %swap3A_126 = tpu.vector_load %arg7[%swap3A_125] masked %broadcast_in_dim3A_56 {strides = array<i32>} : memref<20256xi32, #tpu.memory_space<vmem>>, vector<16xi32>, vector<16xi1>
    tpu.vector_store %arg7[%swap3A_125], %broadcast_in_dim3A_124 masked %broadcast_in_dim3A_56 {strides = array<i32>} : memref<20256xi32, #tpu.memory_space<vmem>>, vector<16xi32>, vector<16xi1>
    %add3A_127 = arith.constant 96 : i32
    %add3A_128 = arith.addi %div3A_61, %add3A_127 : i32
    %swap3A_129 = arith.index_cast %add3A_128 : i32 to index
    %swap3A_130 = tpu.vector_load %arg8[%swap3A_129] masked %broadcast_in_dim3A_56 {strides = array<i32>} : memref<20256xi32, #tpu.memory_space<vmem>>, vector<16xi32>, vector<16xi1>
    tpu.vector_store %arg8[%swap3A_129], %add3A_5 masked %broadcast_in_dim3A_56 {strides = array<i32>} : memref<20256xi32, #tpu.memory_space<vmem>>, vector<16xi32>, vector<16xi1>
    %add3A_131 = arith.constant 112 : i32
    %add3A_132 = arith.addi %div3A_61, %add3A_131 : i32
    %broadcast_in_dim3A_133 = arith.constant 0 : i32
    %broadcast_in_dim3A_134 = vector.broadcast %broadcast_in_dim3A_133 : i32 to vector<16xi32>
    %swap3A_135 = arith.index_cast %add3A_132 : i32 to index
    %swap3A_136 = tpu.vector_load %arg7[%swap3A_135] masked %broadcast_in_dim3A_56 {strides = array<i32>} : memref<20256xi32, #tpu.memory_space<vmem>>, vector<16xi32>, vector<16xi1>
    tpu.vector_store %arg7[%swap3A_135], %broadcast_in_dim3A_134 masked %broadcast_in_dim3A_56 {strides = array<i32>} : memref<20256xi32, #tpu.memory_space<vmem>>, vector<16xi32>, vector<16xi1>
    %add3A_137 = arith.constant 112 : i32
    %add3A_138 = arith.addi %div3A_61, %add3A_137 : i32
    %swap3A_139 = arith.index_cast %add3A_138 : i32 to index
    %swap3A_140 = tpu.vector_load %arg8[%swap3A_139] masked %broadcast_in_dim3A_56 {strides = array<i32>} : memref<20256xi32, #tpu.memory_space<vmem>>, vector<16xi32>, vector<16xi1>
    tpu.vector_store %arg8[%swap3A_139], %add3A_5 masked %broadcast_in_dim3A_56 {strides = array<i32>} : memref<20256xi32, #tpu.memory_space<vmem>>, vector<16xi32>, vector<16xi1>
    %add3A_141 = arith.constant 0 : i32
    %add3A_142 = arith.addi %mul3A_11, %add3A_141 : i32
    %dma_wait3A = arith.constant 0 : i32
    %dma_wait3A_143 = arith.constant 0 : i32
    %dma_wait3A_144 = arith.constant 0 : i32
    %dma_wait3A_145 = tpu.memref_slice %arg9[%dma_wait3A, %dma_wait3A_143, %dma_wait3A_144] : memref<2x128x128xf32, #tpu.memory_space<vmem>> -> memref<1x128x128xf32, #tpu.memory_space<vmem>>
    %dma_wait3A_146 = tpu.memref_squeeze %dma_wait3A_145 : memref<1x128x128xf32, #tpu.memory_space<vmem>> -> memref<128x128xf32, #tpu.memory_space<vmem>>
    %dma_wait3A_147 = arith.constant 0 : i32
    %dma_wait3A_148 = tpu.memref_slice %arg11[%add3A_142, %dma_wait3A_147] : memref<5248x128xf32, #tpu.memory_space<vmem_shared>> -> memref<128x128xf32, #tpu.memory_space<vmem_shared>>
    %dma_wait3A_149 = arith.constant 0 : i32
    %dma_wait3A_150 = tpu.memref_slice %arg11[%add3A_142, %dma_wait3A_149] : memref<5248x128xf32, #tpu.memory_space<vmem_shared>> -> memref<128x128xf32, #tpu.memory_space<vmem_shared>>
    %dma_wait3A_151 = arith.constant 0 : i32
    %dma_wait3A_152 = arith.constant 0 : i32
    %dma_wait3A_153 = tpu.memref_slice %arg9[%dma_wait3A, %dma_wait3A_151, %dma_wait3A_152] : memref<2x128x128xf32, #tpu.memory_space<vmem>> -> memref<1x128x128xf32, #tpu.memory_space<vmem>>
    %dma_wait3A_154 = tpu.memref_squeeze %dma_wait3A_153 : memref<1x128x128xf32, #tpu.memory_space<vmem>> -> memref<128x128xf32, #tpu.memory_space<vmem>>
    tpu.wait_dma2 semaphore(%arg12 : memref<!tpu.dma_semaphore, #tpu.memory_space<semaphore_mem>>) src(%dma_wait3A_154 : memref<128x128xf32, #tpu.memory_space<vmem>>) dst(%dma_wait3A_150 : memref<128x128xf32, #tpu.memory_space<vmem_shared>>)
    %add3A_155 = arith.constant 128 : i32
    %add3A_156 = arith.addi %mul3A_11, %add3A_155 : i32
    %dma_wait3A_157 = arith.constant 0 : i32
    %dma_wait3A_158 = arith.constant 0 : i32
    %dma_wait3A_159 = arith.constant 0 : i32
    %dma_wait3A_160 = tpu.memref_slice %arg9[%dma_wait3A_157, %dma_wait3A_158, %dma_wait3A_159] : memref<2x128x128xf32, #tpu.memory_space<vmem>> -> memref<1x128x128xf32, #tpu.memory_space<vmem>>
    %dma_wait3A_161 = tpu.memref_squeeze %dma_wait3A_160 : memref<1x128x128xf32, #tpu.memory_space<vmem>> -> memref<128x128xf32, #tpu.memory_space<vmem>>
    %dma_wait3A_162 = arith.constant 0 : i32
    %dma_wait3A_163 = tpu.memref_slice %arg11[%add3A_156, %dma_wait3A_162] : memref<5248x128xf32, #tpu.memory_space<vmem_shared>> -> memref<128x128xf32, #tpu.memory_space<vmem_shared>>
    %dma_wait3A_164 = arith.constant 0 : i32
    %dma_wait3A_165 = tpu.memref_slice %arg11[%add3A_156, %dma_wait3A_164] : memref<5248x128xf32, #tpu.memory_space<vmem_shared>> -> memref<128x128xf32, #tpu.memory_space<vmem_shared>>
    %dma_wait3A_166 = arith.constant 0 : i32
    %dma_wait3A_167 = arith.constant 0 : i32
    %dma_wait3A_168 = tpu.memref_slice %arg9[%dma_wait3A_157, %dma_wait3A_166, %dma_wait3A_167] : memref<2x128x128xf32, #tpu.memory_space<vmem>> -> memref<1x128x128xf32, #tpu.memory_space<vmem>>
    %dma_wait3A_169 = tpu.memref_squeeze %dma_wait3A_168 : memref<1x128x128xf32, #tpu.memory_space<vmem>> -> memref<128x128xf32, #tpu.memory_space<vmem>>
    tpu.wait_dma2 semaphore(%arg12 : memref<!tpu.dma_semaphore, #tpu.memory_space<semaphore_mem>>) src(%dma_wait3A_169 : memref<128x128xf32, #tpu.memory_space<vmem>>) dst(%dma_wait3A_165 : memref<128x128xf32, #tpu.memory_space<vmem_shared>>)
    %add3A_170 = arith.constant 256 : i32
    %add3A_171 = arith.addi %mul3A_11, %add3A_170 : i32
    %dma_wait3A_172 = arith.constant 0 : i32
    %dma_wait3A_173 = arith.constant 0 : i32
    %dma_wait3A_174 = arith.constant 0 : i32
    %dma_wait3A_175 = tpu.memref_slice %arg9[%dma_wait3A_172, %dma_wait3A_173, %dma_wait3A_174] : memref<2x128x128xf32, #tpu.memory_space<vmem>> -> memref<1x72x128xf32, #tpu.memory_space<vmem>>
    %dma_wait3A_176 = tpu.memref_squeeze %dma_wait3A_175 : memref<1x72x128xf32, #tpu.memory_space<vmem>> -> memref<72x128xf32, #tpu.memory_space<vmem>>
    %dma_wait3A_177 = arith.constant 0 : i32
    %dma_wait3A_178 = tpu.memref_slice %arg11[%add3A_171, %dma_wait3A_177] : memref<5248x128xf32, #tpu.memory_space<vmem_shared>> -> memref<72x128xf32, #tpu.memory_space<vmem_shared>>
    %dma_wait3A_179 = arith.constant 0 : i32
    %dma_wait3A_180 = tpu.memref_slice %arg11[%add3A_171, %dma_wait3A_179] : memref<5248x128xf32, #tpu.memory_space<vmem_shared>> -> memref<72x128xf32, #tpu.memory_space<vmem_shared>>
    %dma_wait3A_181 = arith.constant 0 : i32
    %dma_wait3A_182 = arith.constant 0 : i32
    %dma_wait3A_183 = tpu.memref_slice %arg9[%dma_wait3A_172, %dma_wait3A_181, %dma_wait3A_182] : memref<2x128x128xf32, #tpu.memory_space<vmem>> -> memref<1x72x128xf32, #tpu.memory_space<vmem>>
    %dma_wait3A_184 = tpu.memref_squeeze %dma_wait3A_183 : memref<1x72x128xf32, #tpu.memory_space<vmem>> -> memref<72x128xf32, #tpu.memory_space<vmem>>
    tpu.wait_dma2 semaphore(%arg12 : memref<!tpu.dma_semaphore, #tpu.memory_space<semaphore_mem>>) src(%dma_wait3A_184 : memref<72x128xf32, #tpu.memory_space<vmem>>) dst(%dma_wait3A_180 : memref<72x128xf32, #tpu.memory_space<vmem_shared>>)
    %barrier3A = arith.constant 0 : index
    tpu.barrier barrier_id(%barrier3A)
    %add3A_185 = arith.constant 128 : i32
    %add3A_186 = arith.addi %div3A_61, %add3A_185 : i32
    %sub3A = arith.constant 1 : i32
    %sub3A_187 = arith.subi %add3A_186, %sub3A : i32
    %div3A_188 = arith.constant 128 : i32
    %div3A_189 = arith.divsi %sub3A_187, %div3A_188 : i32
    %gt3A = arith.constant 0 : i32
    %gt3A_190 = arith.cmpi sgt, %div3A_189, %gt3A : i32
    %convert_element_type3A = arith.extui %gt3A_190 : i1 to i32
    %cond3A = arith.constant 0 : i32
    %cond3A_191 = arith.cmpi ne, %convert_element_type3A, %cond3A : i32
    scf.if %cond3A_191 {
      %multiple_of3A = arith.constant 0 : i32
      %multiple_of3A_213 = tpu.assume_multiple %multiple_of3A, 128 : i32
      %dma_start3A_214 = arith.constant 0 : i32
      %dma_start3A_215 = arith.constant 0 : i32
      %dma_start3A_216 = arith.constant 0 : i32
      %dma_start3A_217 = tpu.memref_slice %arg9[%dma_start3A_214, %dma_start3A_215, %dma_start3A_216] : memref<2x128x128xf32, #tpu.memory_space<vmem>> -> memref<1x128x128xf32, #tpu.memory_space<vmem>>
      %dma_start3A_218 = tpu.memref_squeeze %dma_start3A_217 : memref<1x128x128xf32, #tpu.memory_space<vmem>> -> memref<128x128xf32, #tpu.memory_space<vmem>>
      %dma_start3A_219 = tpu.memref_slice %arg7[%multiple_of3A_213] : memref<20256xi32, #tpu.memory_space<vmem>> -> memref<128xi32, #tpu.memory_space<vmem>>
      %dma_start3A_220 = arith.constant 0 : i32
      %dma_start3A_221 = arith.constant 0 : i32
      %dma_start3A_222 = tpu.memref_slice %arg5[%dma_start3A_220, %dma_start3A_221] : memref<10000x128xf32, #tpu.memory_space<hbm>> -> memref<10000x128xf32, #tpu.memory_space<hbm>>
      tpu.enqueue_indirect_dma source(%dma_start3A_222 : memref<10000x128xf32, #tpu.memory_space<hbm>>) target(%dma_start3A_218 : memref<128x128xf32, #tpu.memory_space<vmem>>) offsets(%dma_start3A_219 : memref<128xi32, #tpu.memory_space<vmem>>) semaphore(%arg12 : memref<!tpu.dma_semaphore, #tpu.memory_space<semaphore_mem>>)
    } else {
    }
    %sub3A_192 = arith.constant 0 : i32
    %sub3A_193 = arith.subi %div3A_189, %sub3A_192 : i32
    %sub3A_194 = arith.constant 1 : i32
    %sub3A_195 = arith.constant 1 : i32
    %sub3A_196 = arith.subi %sub3A_194, %sub3A_195 : i32
    %add3A_197 = arith.addi %sub3A_193, %sub3A_196 : i32
    %div3A_198 = arith.constant 1 : i32
    %div3A_199 = arith.divsi %add3A_197, %div3A_198 : i32
    %while3A = arith.constant 1 : i32
    %while3A_200 = arith.constant 0 : i32
    %while3A_201 = arith.constant 0 : i32
    %while3A_202 = arith.subi %div3A_199, %while3A_201 : i32
    %while3A_203 = arith.addi %while3A_201, %while3A_202 : i32
    %while3A_204 = arith.constant 1 : i32
    %while3A_205 = arith.divsi %while3A_202, %while3A_204 : i32
    %while3A_206 = arith.muli %while3A_205, %while3A_204 : i32
    %while3A_207 = arith.addi %while3A_201, %while3A_206 : i32
    %while3A_208 = arith.constant 1 : i32
    scf.for %while3A_213 = %while3A_201 to %while3A_207 step %while3A_208  : i32 {
      %mul3A_214 = arith.muli %while3A_213, %while3A : i32
      %add3A_215 = arith.addi %while3A_200, %mul3A_214 : i32
      %rem3A_216 = arith.constant 2 : i32
      %rem3A_217 = arith.remsi %add3A_215, %rem3A_216 : i32
      %mul3A_218 = arith.constant 128 : i32
      %mul3A_219 = arith.muli %add3A_215, %mul3A_218 : i32
      %multiple_of3A = tpu.assume_multiple %mul3A_219, 128 : i32
      %dma_wait3A_220 = arith.constant 0 : i32
      %dma_wait3A_221 = arith.constant 0 : i32
      %dma_wait3A_222 = tpu.memref_slice %arg9[%rem3A_217, %dma_wait3A_220, %dma_wait3A_221] : memref<2x128x128xf32, #tpu.memory_space<vmem>> -> memref<1x128x128xf32, #tpu.memory_space<vmem>>
      %dma_wait3A_223 = tpu.memref_squeeze %dma_wait3A_222 : memref<1x128x128xf32, #tpu.memory_space<vmem>> -> memref<128x128xf32, #tpu.memory_space<vmem>>
      %dma_wait3A_224 = tpu.memref_slice %arg7[%multiple_of3A] : memref<20256xi32, #tpu.memory_space<vmem>> -> memref<128xi32, #tpu.memory_space<vmem>>
      %dma_wait3A_225 = arith.constant 0 : i32
      %dma_wait3A_226 = arith.constant 0 : i32
      %dma_wait3A_227 = tpu.memref_slice %arg5[%dma_wait3A_225, %dma_wait3A_226] : memref<10000x128xf32, #tpu.memory_space<hbm>> -> memref<10000x128xf32, #tpu.memory_space<hbm>>
      tpu.wait_indirect_dma semaphore(%arg12 : memref<!tpu.dma_semaphore, #tpu.memory_space<semaphore_mem>>) src(%dma_wait3A_227 : memref<10000x128xf32, #tpu.memory_space<hbm>>) dst(%dma_wait3A_223 : memref<128x128xf32, #tpu.memory_space<vmem>>)
      %add3A_228 = arith.constant 1 : i32
      %add3A_229 = arith.addi %add3A_215, %add3A_228 : i32
      %lt3A = arith.cmpi slt, %add3A_229, %div3A_189 : i32
      %convert_element_type3A_230 = arith.extui %lt3A : i1 to i32
      %cond3A_231 = arith.constant 0 : i32
      %cond3A_232 = arith.cmpi ne, %convert_element_type3A_230, %cond3A_231 : i32
      scf.if %cond3A_232 {
        %add3A_285 = arith.constant 1 : i32
        %add3A_286 = arith.addi %add3A_215, %add3A_285 : i32
        %mul3A_287 = arith.constant 128 : i32
        %mul3A_288 = arith.muli %add3A_286, %mul3A_287 : i32
        %multiple_of3A_289 = tpu.assume_multiple %mul3A_288, 128 : i32
        %sub3A_290 = arith.constant 1 : i32
        %sub3A_291 = arith.subi %sub3A_290, %rem3A_217 : i32
        %dma_start3A_292 = arith.constant 0 : i32
        %dma_start3A_293 = arith.constant 0 : i32
        %dma_start3A_294 = tpu.memref_slice %arg9[%sub3A_291, %dma_start3A_292, %dma_start3A_293] : memref<2x128x128xf32, #tpu.memory_space<vmem>> -> memref<1x128x128xf32, #tpu.memory_space<vmem>>
        %dma_start3A_295 = tpu.memref_squeeze %dma_start3A_294 : memref<1x128x128xf32, #tpu.memory_space<vmem>> -> memref<128x128xf32, #tpu.memory_space<vmem>>
        %dma_start3A_296 = tpu.memref_slice %arg7[%multiple_of3A_289] : memref<20256xi32, #tpu.memory_space<vmem>> -> memref<128xi32, #tpu.memory_space<vmem>>
        %dma_start3A_297 = arith.constant 0 : i32
        %dma_start3A_298 = arith.constant 0 : i32
        %dma_start3A_299 = tpu.memref_slice %arg5[%dma_start3A_297, %dma_start3A_298] : memref<10000x128xf32, #tpu.memory_space<hbm>> -> memref<10000x128xf32, #tpu.memory_space<hbm>>
        tpu.enqueue_indirect_dma source(%dma_start3A_299 : memref<10000x128xf32, #tpu.memory_space<hbm>>) target(%dma_start3A_295 : memref<128x128xf32, #tpu.memory_space<vmem>>) offsets(%dma_start3A_296 : memref<128xi32, #tpu.memory_space<vmem>>) semaphore(%arg12 : memref<!tpu.dma_semaphore, #tpu.memory_space<semaphore_mem>>)
      } else {
      }
      %mul3A_233 = arith.constant 128 : i32
      %mul3A_234 = arith.muli %add3A_215, %mul3A_233 : i32
      %add3A_235 = arith.constant 0 : i32
      %add3A_236 = arith.addi %mul3A_234, %add3A_235 : i32
      %multiple_of3A_237 = tpu.assume_multiple %add3A_236, 64 : i32
      %dma_start3A_238 = arith.constant 0 : i32
      %dma_start3A_239 = arith.constant 0 : i32
      %dma_start3A_240 = tpu.memref_slice %arg9[%rem3A_217, %dma_start3A_238, %dma_start3A_239] : memref<2x128x128xf32, #tpu.memory_space<vmem>> -> memref<1x64x128xf32, #tpu.memory_space<vmem>>
      %dma_start3A_241 = tpu.memref_squeeze %dma_start3A_240 : memref<1x64x128xf32, #tpu.memory_space<vmem>> -> memref<64x128xf32, #tpu.memory_space<vmem>>
      %dma_start3A_242 = tpu.memref_slice %arg8[%multiple_of3A_237] : memref<20256xi32, #tpu.memory_space<vmem>> -> memref<64xi32, #tpu.memory_space<vmem>>
      %dma_start3A_243 = arith.constant 0 : i32
      %dma_start3A_244 = arith.constant 0 : i32
      %dma_start3A_245 = tpu.memref_slice %arg11[%dma_start3A_243, %dma_start3A_244] : memref<5248x128xf32, #tpu.memory_space<vmem_shared>> -> memref<5248x128xf32, #tpu.memory_space<vmem_shared>>
      tpu.enqueue_indirect_dma source(%dma_start3A_241 : memref<64x128xf32, #tpu.memory_space<vmem>>) target(%dma_start3A_245 : memref<5248x128xf32, #tpu.memory_space<vmem_shared>>) offsets(%dma_start3A_242 : memref<64xi32, #tpu.memory_space<vmem>>) semaphore(%arg13 : memref<!tpu.dma_semaphore, #tpu.memory_space<semaphore_mem>>) {add = true}
      %mul3A_246 = arith.constant 128 : i32
      %mul3A_247 = arith.muli %add3A_215, %mul3A_246 : i32
      %add3A_248 = arith.constant 64 : i32
      %add3A_249 = arith.addi %mul3A_247, %add3A_248 : i32
      %multiple_of3A_250 = tpu.assume_multiple %add3A_249, 64 : i32
      %dma_start3A_251 = arith.constant 64 : i32
      %dma_start3A_252 = arith.constant 0 : i32
      %dma_start3A_253 = tpu.memref_slice %arg9[%rem3A_217, %dma_start3A_251, %dma_start3A_252] : memref<2x128x128xf32, #tpu.memory_space<vmem>> -> memref<1x64x128xf32, #tpu.memory_space<vmem>>
      %dma_start3A_254 = tpu.memref_squeeze %dma_start3A_253 : memref<1x64x128xf32, #tpu.memory_space<vmem>> -> memref<64x128xf32, #tpu.memory_space<vmem>>
      %dma_start3A_255 = tpu.memref_slice %arg8[%multiple_of3A_250] : memref<20256xi32, #tpu.memory_space<vmem>> -> memref<64xi32, #tpu.memory_space<vmem>>
      %dma_start3A_256 = arith.constant 0 : i32
      %dma_start3A_257 = arith.constant 0 : i32
      %dma_start3A_258 = tpu.memref_slice %arg11[%dma_start3A_256, %dma_start3A_257] : memref<5248x128xf32, #tpu.memory_space<vmem_shared>> -> memref<5248x128xf32, #tpu.memory_space<vmem_shared>>
      tpu.enqueue_indirect_dma source(%dma_start3A_254 : memref<64x128xf32, #tpu.memory_space<vmem>>) target(%dma_start3A_258 : memref<5248x128xf32, #tpu.memory_space<vmem_shared>>) offsets(%dma_start3A_255 : memref<64xi32, #tpu.memory_space<vmem>>) semaphore(%arg13 : memref<!tpu.dma_semaphore, #tpu.memory_space<semaphore_mem>>) {add = true}
      %mul3A_259 = arith.constant 128 : i32
      %mul3A_260 = arith.muli %add3A_215, %mul3A_259 : i32
      %add3A_261 = arith.constant 0 : i32
      %add3A_262 = arith.addi %mul3A_260, %add3A_261 : i32
      %multiple_of3A_263 = tpu.assume_multiple %add3A_262, 64 : i32
      %dma_wait3A_264 = arith.constant 0 : i32
      %dma_wait3A_265 = arith.constant 0 : i32
      %dma_wait3A_266 = tpu.memref_slice %arg9[%rem3A_217, %dma_wait3A_264, %dma_wait3A_265] : memref<2x128x128xf32, #tpu.memory_space<vmem>> -> memref<1x64x128xf32, #tpu.memory_space<vmem>>
      %dma_wait3A_267 = tpu.memref_squeeze %dma_wait3A_266 : memref<1x64x128xf32, #tpu.memory_space<vmem>> -> memref<64x128xf32, #tpu.memory_space<vmem>>
      %dma_wait3A_268 = tpu.memref_slice %arg8[%multiple_of3A_263] : memref<20256xi32, #tpu.memory_space<vmem>> -> memref<64xi32, #tpu.memory_space<vmem>>
      %dma_wait3A_269 = arith.constant 0 : i32
      %dma_wait3A_270 = arith.constant 0 : i32
      %dma_wait3A_271 = tpu.memref_slice %arg11[%dma_wait3A_269, %dma_wait3A_270] : memref<5248x128xf32, #tpu.memory_space<vmem_shared>> -> memref<5248x128xf32, #tpu.memory_space<vmem_shared>>
      tpu.wait_indirect_dma semaphore(%arg13 : memref<!tpu.dma_semaphore, #tpu.memory_space<semaphore_mem>>) src(%dma_wait3A_267 : memref<64x128xf32, #tpu.memory_space<vmem>>) dst(%dma_wait3A_271 : memref<5248x128xf32, #tpu.memory_space<vmem_shared>>)
      %mul3A_272 = arith.constant 128 : i32
      %mul3A_273 = arith.muli %add3A_215, %mul3A_272 : i32
      %add3A_274 = arith.constant 64 : i32
      %add3A_275 = arith.addi %mul3A_273, %add3A_274 : i32
      %multiple_of3A_276 = tpu.assume_multiple %add3A_275, 64 : i32
      %dma_wait3A_277 = arith.constant 64 : i32
      %dma_wait3A_278 = arith.constant 0 : i32
      %dma_wait3A_279 = tpu.memref_slice %arg9[%rem3A_217, %dma_wait3A_277, %dma_wait3A_278] : memref<2x128x128xf32, #tpu.memory_space<vmem>> -> memref<1x64x128xf32, #tpu.memory_space<vmem>>
      %dma_wait3A_280 = tpu.memref_squeeze %dma_wait3A_279 : memref<1x64x128xf32, #tpu.memory_space<vmem>> -> memref<64x128xf32, #tpu.memory_space<vmem>>
      %dma_wait3A_281 = tpu.memref_slice %arg8[%multiple_of3A_276] : memref<20256xi32, #tpu.memory_space<vmem>> -> memref<64xi32, #tpu.memory_space<vmem>>
      %dma_wait3A_282 = arith.constant 0 : i32
      %dma_wait3A_283 = arith.constant 0 : i32
      %dma_wait3A_284 = tpu.memref_slice %arg11[%dma_wait3A_282, %dma_wait3A_283] : memref<5248x128xf32, #tpu.memory_space<vmem_shared>> -> memref<5248x128xf32, #tpu.memory_space<vmem_shared>>
      tpu.wait_indirect_dma semaphore(%arg13 : memref<!tpu.dma_semaphore, #tpu.memory_space<semaphore_mem>>) src(%dma_wait3A_280 : memref<64x128xf32, #tpu.memory_space<vmem>>) dst(%dma_wait3A_284 : memref<5248x128xf32, #tpu.memory_space<vmem_shared>>)
    }
    %while3A_209 = arith.constant 1 : i32
    scf.for %while3A_213 = %while3A_207 to %while3A_203 step %while3A_209  : i32 {
      %mul3A_214 = arith.muli %while3A_213, %while3A : i32
      %add3A_215 = arith.addi %while3A_200, %mul3A_214 : i32
      %rem3A_216 = arith.constant 2 : i32
      %rem3A_217 = arith.remsi %add3A_215, %rem3A_216 : i32
      %mul3A_218 = arith.constant 128 : i32
      %mul3A_219 = arith.muli %add3A_215, %mul3A_218 : i32
      %multiple_of3A = tpu.assume_multiple %mul3A_219, 128 : i32
      %dma_wait3A_220 = arith.constant 0 : i32
      %dma_wait3A_221 = arith.constant 0 : i32
      %dma_wait3A_222 = tpu.memref_slice %arg9[%rem3A_217, %dma_wait3A_220, %dma_wait3A_221] : memref<2x128x128xf32, #tpu.memory_space<vmem>> -> memref<1x128x128xf32, #tpu.memory_space<vmem>>
      %dma_wait3A_223 = tpu.memref_squeeze %dma_wait3A_222 : memref<1x128x128xf32, #tpu.memory_space<vmem>> -> memref<128x128xf32, #tpu.memory_space<vmem>>
      %dma_wait3A_224 = tpu.memref_slice %arg7[%multiple_of3A] : memref<20256xi32, #tpu.memory_space<vmem>> -> memref<128xi32, #tpu.memory_space<vmem>>
      %dma_wait3A_225 = arith.constant 0 : i32
      %dma_wait3A_226 = arith.constant 0 : i32
      %dma_wait3A_227 = tpu.memref_slice %arg5[%dma_wait3A_225, %dma_wait3A_226] : memref<10000x128xf32, #tpu.memory_space<hbm>> -> memref<10000x128xf32, #tpu.memory_space<hbm>>
      tpu.wait_indirect_dma semaphore(%arg12 : memref<!tpu.dma_semaphore, #tpu.memory_space<semaphore_mem>>) src(%dma_wait3A_227 : memref<10000x128xf32, #tpu.memory_space<hbm>>) dst(%dma_wait3A_223 : memref<128x128xf32, #tpu.memory_space<vmem>>)
      %add3A_228 = arith.constant 1 : i32
      %add3A_229 = arith.addi %add3A_215, %add3A_228 : i32
      %lt3A = arith.cmpi slt, %add3A_229, %div3A_189 : i32
      %convert_element_type3A_230 = arith.extui %lt3A : i1 to i32
      %cond3A_231 = arith.constant 0 : i32
      %cond3A_232 = arith.cmpi ne, %convert_element_type3A_230, %cond3A_231 : i32
      scf.if %cond3A_232 {
        %add3A_285 = arith.constant 1 : i32
        %add3A_286 = arith.addi %add3A_215, %add3A_285 : i32
        %mul3A_287 = arith.constant 128 : i32
        %mul3A_288 = arith.muli %add3A_286, %mul3A_287 : i32
        %multiple_of3A_289 = tpu.assume_multiple %mul3A_288, 128 : i32
        %sub3A_290 = arith.constant 1 : i32
        %sub3A_291 = arith.subi %sub3A_290, %rem3A_217 : i32
        %dma_start3A_292 = arith.constant 0 : i32
        %dma_start3A_293 = arith.constant 0 : i32
        %dma_start3A_294 = tpu.memref_slice %arg9[%sub3A_291, %dma_start3A_292, %dma_start3A_293] : memref<2x128x128xf32, #tpu.memory_space<vmem>> -> memref<1x128x128xf32, #tpu.memory_space<vmem>>
        %dma_start3A_295 = tpu.memref_squeeze %dma_start3A_294 : memref<1x128x128xf32, #tpu.memory_space<vmem>> -> memref<128x128xf32, #tpu.memory_space<vmem>>
        %dma_start3A_296 = tpu.memref_slice %arg7[%multiple_of3A_289] : memref<20256xi32, #tpu.memory_space<vmem>> -> memref<128xi32, #tpu.memory_space<vmem>>
        %dma_start3A_297 = arith.constant 0 : i32
        %dma_start3A_298 = arith.constant 0 : i32
        %dma_start3A_299 = tpu.memref_slice %arg5[%dma_start3A_297, %dma_start3A_298] : memref<10000x128xf32, #tpu.memory_space<hbm>> -> memref<10000x128xf32, #tpu.memory_space<hbm>>
        tpu.enqueue_indirect_dma source(%dma_start3A_299 : memref<10000x128xf32, #tpu.memory_space<hbm>>) target(%dma_start3A_295 : memref<128x128xf32, #tpu.memory_space<vmem>>) offsets(%dma_start3A_296 : memref<128xi32, #tpu.memory_space<vmem>>) semaphore(%arg12 : memref<!tpu.dma_semaphore, #tpu.memory_space<semaphore_mem>>)
      } else {
      }
      %mul3A_233 = arith.constant 128 : i32
      %mul3A_234 = arith.muli %add3A_215, %mul3A_233 : i32
      %add3A_235 = arith.constant 0 : i32
      %add3A_236 = arith.addi %mul3A_234, %add3A_235 : i32
      %multiple_of3A_237 = tpu.assume_multiple %add3A_236, 64 : i32
      %dma_start3A_238 = arith.constant 0 : i32
      %dma_start3A_239 = arith.constant 0 : i32
      %dma_start3A_240 = tpu.memref_slice %arg9[%rem3A_217, %dma_start3A_238, %dma_start3A_239] : memref<2x128x128xf32, #tpu.memory_space<vmem>> -> memref<1x64x128xf32, #tpu.memory_space<vmem>>
      %dma_start3A_241 = tpu.memref_squeeze %dma_start3A_240 : memref<1x64x128xf32, #tpu.memory_space<vmem>> -> memref<64x128xf32, #tpu.memory_space<vmem>>
      %dma_start3A_242 = tpu.memref_slice %arg8[%multiple_of3A_237] : memref<20256xi32, #tpu.memory_space<vmem>> -> memref<64xi32, #tpu.memory_space<vmem>>
      %dma_start3A_243 = arith.constant 0 : i32
      %dma_start3A_244 = arith.constant 0 : i32
      %dma_start3A_245 = tpu.memref_slice %arg11[%dma_start3A_243, %dma_start3A_244] : memref<5248x128xf32, #tpu.memory_space<vmem_shared>> -> memref<5248x128xf32, #tpu.memory_space<vmem_shared>>
      tpu.enqueue_indirect_dma source(%dma_start3A_241 : memref<64x128xf32, #tpu.memory_space<vmem>>) target(%dma_start3A_245 : memref<5248x128xf32, #tpu.memory_space<vmem_shared>>) offsets(%dma_start3A_242 : memref<64xi32, #tpu.memory_space<vmem>>) semaphore(%arg13 : memref<!tpu.dma_semaphore, #tpu.memory_space<semaphore_mem>>) {add = true}
      %mul3A_246 = arith.constant 128 : i32
      %mul3A_247 = arith.muli %add3A_215, %mul3A_246 : i32
      %add3A_248 = arith.constant 64 : i32
      %add3A_249 = arith.addi %mul3A_247, %add3A_248 : i32
      %multiple_of3A_250 = tpu.assume_multiple %add3A_249, 64 : i32
      %dma_start3A_251 = arith.constant 64 : i32
      %dma_start3A_252 = arith.constant 0 : i32
      %dma_start3A_253 = tpu.memref_slice %arg9[%rem3A_217, %dma_start3A_251, %dma_start3A_252] : memref<2x128x128xf32, #tpu.memory_space<vmem>> -> memref<1x64x128xf32, #tpu.memory_space<vmem>>
      %dma_start3A_254 = tpu.memref_squeeze %dma_start3A_253 : memref<1x64x128xf32, #tpu.memory_space<vmem>> -> memref<64x128xf32, #tpu.memory_space<vmem>>
      %dma_start3A_255 = tpu.memref_slice %arg8[%multiple_of3A_250] : memref<20256xi32, #tpu.memory_space<vmem>> -> memref<64xi32, #tpu.memory_space<vmem>>
      %dma_start3A_256 = arith.constant 0 : i32
      %dma_start3A_257 = arith.constant 0 : i32
      %dma_start3A_258 = tpu.memref_slice %arg11[%dma_start3A_256, %dma_start3A_257] : memref<5248x128xf32, #tpu.memory_space<vmem_shared>> -> memref<5248x128xf32, #tpu.memory_space<vmem_shared>>
      tpu.enqueue_indirect_dma source(%dma_start3A_254 : memref<64x128xf32, #tpu.memory_space<vmem>>) target(%dma_start3A_258 : memref<5248x128xf32, #tpu.memory_space<vmem_shared>>) offsets(%dma_start3A_255 : memref<64xi32, #tpu.memory_space<vmem>>) semaphore(%arg13 : memref<!tpu.dma_semaphore, #tpu.memory_space<semaphore_mem>>) {add = true}
      %mul3A_259 = arith.constant 128 : i32
      %mul3A_260 = arith.muli %add3A_215, %mul3A_259 : i32
      %add3A_261 = arith.constant 0 : i32
      %add3A_262 = arith.addi %mul3A_260, %add3A_261 : i32
      %multiple_of3A_263 = tpu.assume_multiple %add3A_262, 64 : i32
      %dma_wait3A_264 = arith.constant 0 : i32
      %dma_wait3A_265 = arith.constant 0 : i32
      %dma_wait3A_266 = tpu.memref_slice %arg9[%rem3A_217, %dma_wait3A_264, %dma_wait3A_265] : memref<2x128x128xf32, #tpu.memory_space<vmem>> -> memref<1x64x128xf32, #tpu.memory_space<vmem>>
      %dma_wait3A_267 = tpu.memref_squeeze %dma_wait3A_266 : memref<1x64x128xf32, #tpu.memory_space<vmem>> -> memref<64x128xf32, #tpu.memory_space<vmem>>
      %dma_wait3A_268 = tpu.memref_slice %arg8[%multiple_of3A_263] : memref<20256xi32, #tpu.memory_space<vmem>> -> memref<64xi32, #tpu.memory_space<vmem>>
      %dma_wait3A_269 = arith.constant 0 : i32
      %dma_wait3A_270 = arith.constant 0 : i32
      %dma_wait3A_271 = tpu.memref_slice %arg11[%dma_wait3A_269, %dma_wait3A_270] : memref<5248x128xf32, #tpu.memory_space<vmem_shared>> -> memref<5248x128xf32, #tpu.memory_space<vmem_shared>>
      tpu.wait_indirect_dma semaphore(%arg13 : memref<!tpu.dma_semaphore, #tpu.memory_space<semaphore_mem>>) src(%dma_wait3A_267 : memref<64x128xf32, #tpu.memory_space<vmem>>) dst(%dma_wait3A_271 : memref<5248x128xf32, #tpu.memory_space<vmem_shared>>)
      %mul3A_272 = arith.constant 128 : i32
      %mul3A_273 = arith.muli %add3A_215, %mul3A_272 : i32
      %add3A_274 = arith.constant 64 : i32
      %add3A_275 = arith.addi %mul3A_273, %add3A_274 : i32
      %multiple_of3A_276 = tpu.assume_multiple %add3A_275, 64 : i32
      %dma_wait3A_277 = arith.constant 64 : i32
      %dma_wait3A_278 = arith.constant 0 : i32
      %dma_wait3A_279 = tpu.memref_slice %arg9[%rem3A_217, %dma_wait3A_277, %dma_wait3A_278] : memref<2x128x128xf32, #tpu.memory_space<vmem>> -> memref<1x64x128xf32, #tpu.memory_space<vmem>>
      %dma_wait3A_280 = tpu.memref_squeeze %dma_wait3A_279 : memref<1x64x128xf32, #tpu.memory_space<vmem>> -> memref<64x128xf32, #tpu.memory_space<vmem>>
      %dma_wait3A_281 = tpu.memref_slice %arg8[%multiple_of3A_276] : memref<20256xi32, #tpu.memory_space<vmem>> -> memref<64xi32, #tpu.memory_space<vmem>>
      %dma_wait3A_282 = arith.constant 0 : i32
      %dma_wait3A_283 = arith.constant 0 : i32
      %dma_wait3A_284 = tpu.memref_slice %arg11[%dma_wait3A_282, %dma_wait3A_283] : memref<5248x128xf32, #tpu.memory_space<vmem_shared>> -> memref<5248x128xf32, #tpu.memory_space<vmem_shared>>
      tpu.wait_indirect_dma semaphore(%arg13 : memref<!tpu.dma_semaphore, #tpu.memory_space<semaphore_mem>>) src(%dma_wait3A_280 : memref<64x128xf32, #tpu.memory_space<vmem>>) dst(%dma_wait3A_284 : memref<5248x128xf32, #tpu.memory_space<vmem_shared>>)
    }
    %barrier3A_210 = arith.constant 0 : index
    tpu.barrier barrier_id(%barrier3A_210)
    %mul3A_211 = arith.constant 320 : i32
    %mul3A_212 = arith.muli %arg1, %mul3A_211 : i32
    "tpu.region"() ({
      %run_scoped3A = tpu.sem_alloc : memref<!tpu.dma_semaphore, #tpu.memory_space<semaphore_mem>>
      %dma_start3A_213 = arith.constant 0 : i32
      %dma_start3A_214 = tpu.memref_slice %arg6[%arg0, %mul3A_212, %dma_start3A_213] : memref<2x5120x128xf32, #tpu.memory_space<hbm>> -> memref<1x320x128xf32, #tpu.memory_space<hbm>>
      %dma_start3A_215 = tpu.memref_squeeze %dma_start3A_214 : memref<1x320x128xf32, #tpu.memory_space<hbm>> -> memref<320x128xf32, #tpu.memory_space<hbm>>
      %dma_start3A_216 = arith.constant 0 : i32
      %dma_start3A_217 = tpu.memref_slice %arg11[%mul3A_212, %dma_start3A_216] : memref<5248x128xf32, #tpu.memory_space<vmem_shared>> -> memref<320x128xf32, #tpu.memory_space<vmem_shared>>
      tpu.enqueue_dma source(%dma_start3A_217 : memref<320x128xf32, #tpu.memory_space<vmem_shared>>) target(%dma_start3A_215 : memref<320x128xf32, #tpu.memory_space<hbm>>) target_semaphore(%run_scoped3A : memref<!tpu.dma_semaphore, #tpu.memory_space<semaphore_mem>>)
      %dma_wait3A_218 = arith.constant 0 : i32
      %dma_wait3A_219 = tpu.memref_slice %arg6[%arg0, %mul3A_212, %dma_wait3A_218] : memref<2x5120x128xf32, #tpu.memory_space<hbm>> -> memref<1x320x128xf32, #tpu.memory_space<hbm>>
      %dma_wait3A_220 = tpu.memref_squeeze %dma_wait3A_219 : memref<1x320x128xf32, #tpu.memory_space<hbm>> -> memref<320x128xf32, #tpu.memory_space<hbm>>
      %dma_wait3A_221 = arith.constant 0 : i32
      %dma_wait3A_222 = tpu.memref_slice %arg11[%mul3A_212, %dma_wait3A_221] : memref<5248x128xf32, #tpu.memory_space<vmem_shared>> -> memref<320x128xf32, #tpu.memory_space<vmem_shared>>
      tpu.wait_dma2 semaphore(%run_scoped3A : memref<!tpu.dma_semaphore, #tpu.memory_space<semaphore_mem>>) src(%dma_wait3A_222 : memref<320x128xf32, #tpu.memory_space<vmem_shared>>) dst(%dma_wait3A_220 : memref<320x128xf32, #tpu.memory_space<hbm>>)
      tpu.yield
    }) : () -> ()
    return
  }
}

#map = affine_map<(d0, d1) -> (0, 0)>
#map1 = affine_map<(d0, d1) -> (0, 0, 0)>
module attributes {stable_mosaic.version = 14 : i64} {
  func.func @_sc_scatter_body(%arg0: i32, %arg1: i32, %arg2: memref<16x20096xi32, #tpu.memory_space<hbm>>, %arg3: memref<16x20096xi32, #tpu.memory_space<hbm>>, %arg4: memref<10000x128xf32, #tpu.memory_space<hbm>>, %arg5: memref<2x5120x128xf32, #tpu.memory_space<hbm>>, %arg6: memref<2x5120x16xf32, #tpu.memory_space<hbm>>, %arg7: memref<2x16x20096xi32, #tpu.memory_space<hbm>>, %arg8: memref<2x16x20096xi32, #tpu.memory_space<hbm>>, %arg9: memref<2x16x16xi32, #tpu.memory_space<hbm>>, %arg10: memref<20256xi32, #tpu.memory_space<vmem>>, %arg11: memref<20256xi32, #tpu.memory_space<vmem>>, %arg12: memref<2x128x128xf32, #tpu.memory_space<vmem>>, %arg13: memref<128x16xf32, #tpu.memory_space<vmem>>, %arg14: memref<328x16xf32, #tpu.memory_space<vmem>>, %arg15: memref<16xi32, #tpu.memory_space<vmem>>, %arg16: memref<5248x128xf32, #tpu.memory_space<vmem_shared>>, %arg17: memref<5248x16xf32, #tpu.memory_space<vmem_shared>>, %arg18: memref<!tpu.dma_semaphore, #tpu.memory_space<semaphore_mem>>, %arg19: memref<!tpu.dma_semaphore, #tpu.memory_space<semaphore_mem>>, %arg20: memref<!tpu.dma_semaphore, #tpu.memory_space<semaphore_mem>>) attributes {dimension_semantics = [#tpu.dimension_semantics<core_parallel>, #tpu.dimension_semantics<subcore_parallel>], iteration_bounds = array<i64: 2, 16>, scalar_prefetch = 0 : i64, scratch_operands = 11 : i64, tpu.core_type = #tpu.core_type<sc_vector_subcore>, window_params = [{transform_indices = #map}, {transform_indices = #map}, {transform_indices = #map}, {transform_indices = #map1}, {transform_indices = #map1}, {transform_indices = #map1}, {transform_indices = #map1}, {transform_indices = #map1}]} {
    %mul3A = arith.constant 8 : i32
    %mul3A_0 = arith.muli %arg1, %mul3A : i32
    %add3A = arith.constant 5120 : i32
    %add3A_1 = arith.addi %add3A, %mul3A_0 : i32
    %iota3A = tpu.iota {dimensions = array<i32: 0>} : vector<16xi32>
    %rem3A = arith.constant 8 : i32
    %rem3A_2 = vector.broadcast %rem3A : i32 to vector<16xi32>
    %rem3A_3 = arith.remsi %iota3A, %rem3A_2 : vector<16xi32>
    %add3A_4 = vector.broadcast %add3A_1 : i32 to vector<16xi32>
    %add3A_5 = arith.addi %add3A_4, %rem3A_3 : vector<16xi32>
    %scan3A = arith.constant 0 : i32
    %scan3A_6 = arith.constant 128 : i32
    %scan3A_7 = arith.addi %scan3A, %scan3A_6 : i32
    %scan3A_8 = arith.constant 1 : i32
    scf.for %scan3A_240 = %scan3A to %scan3A_7 step %scan3A_8  : i32 {
      %mul3A_241 = arith.constant 1 : i32
      %mul3A_242 = arith.muli %scan3A_240, %mul3A_241 : i32
      %add3A_243 = arith.constant 0 : i32
      %add3A_244 = arith.addi %add3A_243, %mul3A_242 : i32
      %scan3A_245 = arith.constant 0 : i32
      %scan3A_246 = arith.constant 8 : i32
      %scan3A_247 = arith.addi %scan3A_245, %scan3A_246 : i32
      %scan3A_248 = arith.constant 1 : i32
      scf.for %scan3A_250 = %scan3A_245 to %scan3A_247 step %scan3A_248  : i32 {
        %mul3A_251 = arith.constant 16 : i32
        %mul3A_252 = arith.muli %scan3A_250, %mul3A_251 : i32
        %add3A_253 = arith.constant 0 : i32
        %add3A_254 = arith.addi %add3A_253, %mul3A_252 : i32
        %broadcast_in_dim3A_255 = arith.constant 0.000000e+00 : f32
        %broadcast_in_dim3A_256 = vector.broadcast %broadcast_in_dim3A_255 : f32 to vector<16xf32>
        %swap3A_257 = arith.constant 0 : i32
        %swap3A_258 = arith.index_cast %swap3A_257 : i32 to index
        %swap3A_259 = arith.index_cast %add3A_244 : i32 to index
        %swap3A_260 = arith.index_cast %add3A_254 : i32 to index
        %swap3A_261 = tpu.vector_load %arg12[%swap3A_258, %swap3A_259, %swap3A_260] {strides = array<i32>} : memref<2x128x128xf32, #tpu.memory_space<vmem>>, vector<16xf32>,
        tpu.vector_store %arg12[%swap3A_258, %swap3A_259, %swap3A_260], %broadcast_in_dim3A_256 {strides = array<i32>} : memref<2x128x128xf32, #tpu.memory_space<vmem>>, vector<16xf32>,
      }
      %scan3A_249 = arith.constant 8 : i32
    }
    %scan3A_9 = arith.constant 128 : i32
    %scan3A_10 = arith.constant 0 : i32
    %scan3A_11 = arith.constant 128 : i32
    %scan3A_12 = arith.addi %scan3A_10, %scan3A_11 : i32
    %scan3A_13 = arith.constant 1 : i32
    scf.for %scan3A_240 = %scan3A_10 to %scan3A_12 step %scan3A_13  : i32 {
      %mul3A_241 = arith.constant 1 : i32
      %mul3A_242 = arith.muli %scan3A_240, %mul3A_241 : i32
      %add3A_243 = arith.constant 0 : i32
      %add3A_244 = arith.addi %add3A_243, %mul3A_242 : i32
      %broadcast_in_dim3A_245 = arith.constant 1.000000e+00 : f32
      %broadcast_in_dim3A_246 = vector.broadcast %broadcast_in_dim3A_245 : f32 to vector<16xf32>
      %swap3A_247 = arith.index_cast %add3A_244 : i32 to index
      %swap3A_248 = arith.constant 0 : index
      %swap3A_249 = tpu.vector_load %arg13[%swap3A_247, %swap3A_248] {strides = array<i32>} : memref<128x16xf32, #tpu.memory_space<vmem>>, vector<16xf32>,
      tpu.vector_store %arg13[%swap3A_247, %swap3A_248], %broadcast_in_dim3A_246 {strides = array<i32>} : memref<128x16xf32, #tpu.memory_space<vmem>>, vector<16xf32>,
    }
    %scan3A_14 = arith.constant 128 : i32
    %scan3A_15 = arith.constant 0 : i32
    %scan3A_16 = arith.constant 328 : i32
    %scan3A_17 = arith.addi %scan3A_15, %scan3A_16 : i32
    %scan3A_18 = arith.constant 1 : i32
    scf.for %scan3A_240 = %scan3A_15 to %scan3A_17 step %scan3A_18  : i32 {
      %mul3A_241 = arith.constant 1 : i32
      %mul3A_242 = arith.muli %scan3A_240, %mul3A_241 : i32
      %add3A_243 = arith.constant 0 : i32
      %add3A_244 = arith.addi %add3A_243, %mul3A_242 : i32
      %broadcast_in_dim3A_245 = arith.constant 0.000000e+00 : f32
      %broadcast_in_dim3A_246 = vector.broadcast %broadcast_in_dim3A_245 : f32 to vector<16xf32>
      %swap3A_247 = arith.index_cast %add3A_244 : i32 to index
      %swap3A_248 = arith.constant 0 : index
      %swap3A_249 = tpu.vector_load %arg14[%swap3A_247, %swap3A_248] {strides = array<i32>} : memref<328x16xf32, #tpu.memory_space<vmem>>, vector<16xf32>,
      tpu.vector_store %arg14[%swap3A_247, %swap3A_248], %broadcast_in_dim3A_246 {strides = array<i32>} : memref<328x16xf32, #tpu.memory_space<vmem>>, vector<16xf32>,
    }
    %scan3A_19 = arith.constant 328 : i32
    %mul3A_20 = arith.constant 328 : i32
    %mul3A_21 = arith.muli %arg1, %mul3A_20 : i32
    %add3A_22 = arith.constant 0 : i32
    %add3A_23 = arith.addi %mul3A_21, %add3A_22 : i32
    %dma_start3A = arith.constant 0 : i32
    %dma_start3A_24 = arith.constant 0 : i32
    %dma_start3A_25 = arith.constant 0 : i32
    %dma_start3A_26 = tpu.memref_slice %arg12[%dma_start3A, %dma_start3A_24, %dma_start3A_25] : memref<2x128x128xf32, #tpu.memory_space<vmem>> -> memref<1x128x128xf32, #tpu.memory_space<vmem>>
    %dma_start3A_27 = tpu.memref_squeeze %dma_start3A_26 : memref<1x128x128xf32, #tpu.memory_space<vmem>> -> memref<128x128xf32, #tpu.memory_space<vmem>>
    %dma_start3A_28 = arith.constant 0 : i32
    %dma_start3A_29 = tpu.memref_slice %arg16[%add3A_23, %dma_start3A_28] : memref<5248x128xf32, #tpu.memory_space<vmem_shared>> -> memref<128x128xf32, #tpu.memory_space<vmem_shared>>
    %dma_start3A_30 = arith.constant 0 : i32
    %dma_start3A_31 = tpu.memref_slice %arg16[%add3A_23, %dma_start3A_30] : memref<5248x128xf32, #tpu.memory_space<vmem_shared>> -> memref<128x128xf32, #tpu.memory_space<vmem_shared>>
    %dma_start3A_32 = arith.constant 0 : i32
    %dma_start3A_33 = arith.constant 0 : i32
    %dma_start3A_34 = tpu.memref_slice %arg12[%dma_start3A, %dma_start3A_32, %dma_start3A_33] : memref<2x128x128xf32, #tpu.memory_space<vmem>> -> memref<1x128x128xf32, #tpu.memory_space<vmem>>
    %dma_start3A_35 = tpu.memref_squeeze %dma_start3A_34 : memref<1x128x128xf32, #tpu.memory_space<vmem>> -> memref<128x128xf32, #tpu.memory_space<vmem>>
    tpu.enqueue_dma source(%dma_start3A_35 : memref<128x128xf32, #tpu.memory_space<vmem>>) target(%dma_start3A_31 : memref<128x128xf32, #tpu.memory_space<vmem_shared>>) target_semaphore(%arg18 : memref<!tpu.dma_semaphore, #tpu.memory_space<semaphore_mem>>)
    %add3A_36 = arith.constant 128 : i32
    %add3A_37 = arith.addi %mul3A_21, %add3A_36 : i32
    %dma_start3A_38 = arith.constant 0 : i32
    %dma_start3A_39 = arith.constant 0 : i32
    %dma_start3A_40 = arith.constant 0 : i32
    %dma_start3A_41 = tpu.memref_slice %arg12[%dma_start3A_38, %dma_start3A_39, %dma_start3A_40] : memref<2x128x128xf32, #tpu.memory_space<vmem>> -> memref<1x128x128xf32, #tpu.memory_space<vmem>>
    %dma_start3A_42 = tpu.memref_squeeze %dma_start3A_41 : memref<1x128x128xf32, #tpu.memory_space<vmem>> -> memref<128x128xf32, #tpu.memory_space<vmem>>
    %dma_start3A_43 = arith.constant 0 : i32
    %dma_start3A_44 = tpu.memref_slice %arg16[%add3A_37, %dma_start3A_43] : memref<5248x128xf32, #tpu.memory_space<vmem_shared>> -> memref<128x128xf32, #tpu.memory_space<vmem_shared>>
    %dma_start3A_45 = arith.constant 0 : i32
    %dma_start3A_46 = tpu.memref_slice %arg16[%add3A_37, %dma_start3A_45] : memref<5248x128xf32, #tpu.memory_space<vmem_shared>> -> memref<128x128xf32, #tpu.memory_space<vmem_shared>>
    %dma_start3A_47 = arith.constant 0 : i32
    %dma_start3A_48 = arith.constant 0 : i32
    %dma_start3A_49 = tpu.memref_slice %arg12[%dma_start3A_38, %dma_start3A_47, %dma_start3A_48] : memref<2x128x128xf32, #tpu.memory_space<vmem>> -> memref<1x128x128xf32, #tpu.memory_space<vmem>>
    %dma_start3A_50 = tpu.memref_squeeze %dma_start3A_49 : memref<1x128x128xf32, #tpu.memory_space<vmem>> -> memref<128x128xf32, #tpu.memory_space<vmem>>
    tpu.enqueue_dma source(%dma_start3A_50 : memref<128x128xf32, #tpu.memory_space<vmem>>) target(%dma_start3A_46 : memref<128x128xf32, #tpu.memory_space<vmem_shared>>) target_semaphore(%arg18 : memref<!tpu.dma_semaphore, #tpu.memory_space<semaphore_mem>>)
    %add3A_51 = arith.constant 256 : i32
    %add3A_52 = arith.addi %mul3A_21, %add3A_51 : i32
    %dma_start3A_53 = arith.constant 0 : i32
    %dma_start3A_54 = arith.constant 0 : i32
    %dma_start3A_55 = arith.constant 0 : i32
    %dma_start3A_56 = tpu.memref_slice %arg12[%dma_start3A_53, %dma_start3A_54, %dma_start3A_55] : memref<2x128x128xf32, #tpu.memory_space<vmem>> -> memref<1x72x128xf32, #tpu.memory_space<vmem>>
    %dma_start3A_57 = tpu.memref_squeeze %dma_start3A_56 : memref<1x72x128xf32, #tpu.memory_space<vmem>> -> memref<72x128xf32, #tpu.memory_space<vmem>>
    %dma_start3A_58 = arith.constant 0 : i32
    %dma_start3A_59 = tpu.memref_slice %arg16[%add3A_52, %dma_start3A_58] : memref<5248x128xf32, #tpu.memory_space<vmem_shared>> -> memref<72x128xf32, #tpu.memory_space<vmem_shared>>
    %dma_start3A_60 = arith.constant 0 : i32
    %dma_start3A_61 = tpu.memref_slice %arg16[%add3A_52, %dma_start3A_60] : memref<5248x128xf32, #tpu.memory_space<vmem_shared>> -> memref<72x128xf32, #tpu.memory_space<vmem_shared>>
    %dma_start3A_62 = arith.constant 0 : i32
    %dma_start3A_63 = arith.constant 0 : i32
    %dma_start3A_64 = tpu.memref_slice %arg12[%dma_start3A_53, %dma_start3A_62, %dma_start3A_63] : memref<2x128x128xf32, #tpu.memory_space<vmem>> -> memref<1x72x128xf32, #tpu.memory_space<vmem>>
    %dma_start3A_65 = tpu.memref_squeeze %dma_start3A_64 : memref<1x72x128xf32, #tpu.memory_space<vmem>> -> memref<72x128xf32, #tpu.memory_space<vmem>>
    tpu.enqueue_dma source(%dma_start3A_65 : memref<72x128xf32, #tpu.memory_space<vmem>>) target(%dma_start3A_61 : memref<72x128xf32, #tpu.memory_space<vmem_shared>>) target_semaphore(%arg18 : memref<!tpu.dma_semaphore, #tpu.memory_space<semaphore_mem>>)
    %dma_start3A_66 = arith.constant 0 : i32
    %dma_start3A_67 = tpu.memref_slice %arg17[%mul3A_21, %dma_start3A_66] : memref<5248x16xf32, #tpu.memory_space<vmem_shared>> -> memref<328x16xf32, #tpu.memory_space<vmem_shared>>
    %dma_start3A_68 = arith.constant 0 : i32
    %dma_start3A_69 = tpu.memref_slice %arg17[%mul3A_21, %dma_start3A_68] : memref<5248x16xf32, #tpu.memory_space<vmem_shared>> -> memref<328x16xf32, #tpu.memory_space<vmem_shared>>
    tpu.enqueue_dma source(%arg14 : memref<328x16xf32, #tpu.memory_space<vmem>>) target(%dma_start3A_69 : memref<328x16xf32, #tpu.memory_space<vmem_shared>>) target_semaphore(%arg18 : memref<!tpu.dma_semaphore, #tpu.memory_space<semaphore_mem>>)
    %broadcast_in_dim3A = arith.constant true
    %broadcast_in_dim3A_70 = vector.broadcast %broadcast_in_dim3A : i1 to vector<16xi1>
    "tpu.region"() ({
      %run_scoped3A = tpu.sem_alloc : memref<!tpu.dma_semaphore, #tpu.memory_space<semaphore_mem>>
      %dma_start3A_240 = arith.constant 0 : i32
      %dma_start3A_241 = tpu.memref_slice %arg10[%dma_start3A_240] : memref<20256xi32, #tpu.memory_space<vmem>> -> memref<20096xi32, #tpu.memory_space<vmem>>
      %dma_start3A_242 = arith.constant 0 : i32
      %dma_start3A_243 = tpu.memref_slice %arg2[%arg1, %dma_start3A_242] : memref<16x20096xi32, #tpu.memory_space<hbm>> -> memref<1x20096xi32, #tpu.memory_space<hbm>>
      %dma_start3A_244 = tpu.memref_squeeze %dma_start3A_243 : memref<1x20096xi32, #tpu.memory_space<hbm>> -> memref<20096xi32, #tpu.memory_space<hbm>>
      %dma_start3A_245 = arith.constant 0 : i32
      %dma_start3A_246 = tpu.memref_slice %arg10[%dma_start3A_245] : memref<20256xi32, #tpu.memory_space<vmem>> -> memref<20096xi32, #tpu.memory_space<vmem>>
      %dma_start3A_247 = arith.constant 0 : i32
      %dma_start3A_248 = tpu.memref_slice %arg2[%arg1, %dma_start3A_247] : memref<16x20096xi32, #tpu.memory_space<hbm>> -> memref<1x20096xi32, #tpu.memory_space<hbm>>
      %dma_start3A_249 = tpu.memref_squeeze %dma_start3A_248 : memref<1x20096xi32, #tpu.memory_space<hbm>> -> memref<20096xi32, #tpu.memory_space<hbm>>
      tpu.enqueue_dma source(%dma_start3A_249 : memref<20096xi32, #tpu.memory_space<hbm>>) target(%dma_start3A_246 : memref<20096xi32, #tpu.memory_space<vmem>>) target_semaphore(%run_scoped3A : memref<!tpu.dma_semaphore, #tpu.memory_space<semaphore_mem>>)
      %dma_wait3A_250 = arith.constant 0 : i32
      %dma_wait3A_251 = tpu.memref_slice %arg10[%dma_wait3A_250] : memref<20256xi32, #tpu.memory_space<vmem>> -> memref<20096xi32, #tpu.memory_space<vmem>>
      %dma_wait3A_252 = arith.constant 0 : i32
      %dma_wait3A_253 = tpu.memref_slice %arg2[%arg1, %dma_wait3A_252] : memref<16x20096xi32, #tpu.memory_space<hbm>> -> memref<1x20096xi32, #tpu.memory_space<hbm>>
      %dma_wait3A_254 = tpu.memref_squeeze %dma_wait3A_253 : memref<1x20096xi32, #tpu.memory_space<hbm>> -> memref<20096xi32, #tpu.memory_space<hbm>>
      %dma_wait3A_255 = arith.constant 0 : i32
      %dma_wait3A_256 = tpu.memref_slice %arg10[%dma_wait3A_255] : memref<20256xi32, #tpu.memory_space<vmem>> -> memref<20096xi32, #tpu.memory_space<vmem>>
      %dma_wait3A_257 = arith.constant 0 : i32
      %dma_wait3A_258 = tpu.memref_slice %arg2[%arg1, %dma_wait3A_257] : memref<16x20096xi32, #tpu.memory_space<hbm>> -> memref<1x20096xi32, #tpu.memory_space<hbm>>
      %dma_wait3A_259 = tpu.memref_squeeze %dma_wait3A_258 : memref<1x20096xi32, #tpu.memory_space<hbm>> -> memref<20096xi32, #tpu.memory_space<hbm>>
      tpu.wait_dma2 semaphore(%run_scoped3A : memref<!tpu.dma_semaphore, #tpu.memory_space<semaphore_mem>>) src(%dma_wait3A_259 : memref<20096xi32, #tpu.memory_space<hbm>>) dst(%dma_wait3A_256 : memref<20096xi32, #tpu.memory_space<vmem>>)
      tpu.yield
    }) : () -> ()
    "tpu.region"() ({
      %run_scoped3A = tpu.sem_alloc : memref<!tpu.dma_semaphore, #tpu.memory_space<semaphore_mem>>
      %dma_start3A_240 = arith.constant 0 : i32
      %dma_start3A_241 = tpu.memref_slice %arg11[%dma_start3A_240] : memref<20256xi32, #tpu.memory_space<vmem>> -> memref<20096xi32, #tpu.memory_space<vmem>>
      %dma_start3A_242 = arith.constant 0 : i32
      %dma_start3A_243 = tpu.memref_slice %arg3[%arg1, %dma_start3A_242] : memref<16x20096xi32, #tpu.memory_space<hbm>> -> memref<1x20096xi32, #tpu.memory_space<hbm>>
      %dma_start3A_244 = tpu.memref_squeeze %dma_start3A_243 : memref<1x20096xi32, #tpu.memory_space<hbm>> -> memref<20096xi32, #tpu.memory_space<hbm>>
      %dma_start3A_245 = arith.constant 0 : i32
      %dma_start3A_246 = tpu.memref_slice %arg11[%dma_start3A_245] : memref<20256xi32, #tpu.memory_space<vmem>> -> memref<20096xi32, #tpu.memory_space<vmem>>
      %dma_start3A_247 = arith.constant 0 : i32
      %dma_start3A_248 = tpu.memref_slice %arg3[%arg1, %dma_start3A_247] : memref<16x20096xi32, #tpu.memory_space<hbm>> -> memref<1x20096xi32, #tpu.memory_space<hbm>>
      %dma_start3A_249 = tpu.memref_squeeze %dma_start3A_248 : memref<1x20096xi32, #tpu.memory_space<hbm>> -> memref<20096xi32, #tpu.memory_space<hbm>>
      tpu.enqueue_dma source(%dma_start3A_249 : memref<20096xi32, #tpu.memory_space<hbm>>) target(%dma_start3A_246 : memref<20096xi32, #tpu.memory_space<vmem>>) target_semaphore(%run_scoped3A : memref<!tpu.dma_semaphore, #tpu.memory_space<semaphore_mem>>)
      %dma_wait3A_250 = arith.constant 0 : i32
      %dma_wait3A_251 = tpu.memref_slice %arg11[%dma_wait3A_250] : memref<20256xi32, #tpu.memory_space<vmem>> -> memref<20096xi32, #tpu.memory_space<vmem>>
      %dma_wait3A_252 = arith.constant 0 : i32
      %dma_wait3A_253 = tpu.memref_slice %arg3[%arg1, %dma_wait3A_252] : memref<16x20096xi32, #tpu.memory_space<hbm>> -> memref<1x20096xi32, #tpu.memory_space<hbm>>
      %dma_wait3A_254 = tpu.memref_squeeze %dma_wait3A_253 : memref<1x20096xi32, #tpu.memory_space<hbm>> -> memref<20096xi32, #tpu.memory_space<hbm>>
      %dma_wait3A_255 = arith.constant 0 : i32
      %dma_wait3A_256 = tpu.memref_slice %arg11[%dma_wait3A_255] : memref<20256xi32, #tpu.memory_space<vmem>> -> memref<20096xi32, #tpu.memory_space<vmem>>
      %dma_wait3A_257 = arith.constant 0 : i32
      %dma_wait3A_258 = tpu.memref_slice %arg3[%arg1, %dma_wait3A_257] : memref<16x20096xi32, #tpu.memory_space<hbm>> -> memref<1x20096xi32, #tpu.memory_space<hbm>>
      %dma_wait3A_259 = tpu.memref_squeeze %dma_wait3A_258 : memref<1x20096xi32, #tpu.memory_space<hbm>> -> memref<20096xi32, #tpu.memory_space<hbm>>
      tpu.wait_dma2 semaphore(%run_scoped3A : memref<!tpu.dma_semaphore, #tpu.memory_space<semaphore_mem>>) src(%dma_wait3A_259 : memref<20096xi32, #tpu.memory_space<hbm>>) dst(%dma_wait3A_256 : memref<20096xi32, #tpu.memory_space<vmem>>)
      tpu.yield
    }) : () -> ()
    %scan3A_71 = arith.constant 0 : i32
    %scan3A_72 = arith.constant 0 : i32
    %scan3A_73 = arith.constant 1256 : i32
    %scan3A_74 = arith.addi %scan3A_72, %scan3A_73 : i32
    %scan3A_75 = arith.constant 1 : i32
    %scan3A_76 = scf.for %scan3A_240 = %scan3A_72 to %scan3A_74 step %scan3A_75 iter_args(%scan3A_241 = %scan3A_71) -> (i32)  : i32 {
      %mul3A_242 = arith.constant 16 : i32
      %mul3A_243 = arith.muli %scan3A_240, %mul3A_242 : i32
      %get3A = arith.index_cast %mul3A_243 : i32 to index
      %get3A_244 = tpu.vector_load %arg10[%get3A] {strides = array<i32>} : memref<20256xi32, #tpu.memory_space<vmem>>, vector<16xi32>,
      %get3A_245 = arith.index_cast %mul3A_243 : i32 to index
      %get3A_246 = tpu.vector_load %arg11[%get3A_245] {strides = array<i32>} : memref<20256xi32, #tpu.memory_space<vmem>>, vector<16xi32>,
      %mul3A_247 = arith.constant 5120 : i32
      %mul3A_248 = arith.muli %arg0, %mul3A_247 : i32
      %sub3A_249 = vector.broadcast %mul3A_248 : i32 to vector<16xi32>
      %sub3A_250 = arith.subi %get3A_246, %sub3A_249 : vector<16xi32>
      %ge3A = arith.constant 0 : i32
      %ge3A_251 = vector.broadcast %ge3A : i32 to vector<16xi32>
      %ge3A_252 = arith.cmpi sge, %sub3A_250, %ge3A_251 : vector<16xi32>
      %lt3A = arith.constant 5120 : i32
      %lt3A_253 = vector.broadcast %lt3A : i32 to vector<16xi32>
      %lt3A_254 = arith.cmpi slt, %sub3A_250, %lt3A_253 : vector<16xi32>
      %and3A = arith.andi %ge3A_252, %lt3A_254 : vector<16xi1>
      %swap3A_255 = arith.index_cast %scan3A_241 : i32 to index
      %swap3A_256 = tpu.vector_load %arg10[%swap3A_255] masked %and3A {strides = array<i32>} : memref<20256xi32, #tpu.memory_space<vmem>>, vector<16xi32>, vector<16xi1>
      tpu.vector_store %arg10[%swap3A_255], %get3A_244 masked %and3A {strides = array<i32>} : memref<20256xi32, #tpu.memory_space<vmem>>, vector<16xi32>, vector<16xi1>
      %swap3A_257 = arith.index_cast %scan3A_241 : i32 to index
      %swap3A_258 = tpu.vector_load %arg11[%swap3A_257] masked %and3A {strides = array<i32>} : memref<20256xi32, #tpu.memory_space<vmem>>, vector<16xi32>, vector<16xi1>
      tpu.vector_store %arg11[%swap3A_257], %sub3A_250 masked %and3A {strides = array<i32>} : memref<20256xi32, #tpu.memory_space<vmem>>, vector<16xi32>, vector<16xi1>
      %convert_element_type3A_259 = arith.extui %and3A : vector<16xi1> to vector<16xi32>
      %reduce_sum3A = arith.constant true
      %reduce_sum3A_260 = vector.broadcast %reduce_sum3A : i1 to vector<16xi1>
      %reduce_sum3A_261 = tpu.scan <sum>, %convert_element_type3A_259 masked %reduce_sum3A_260 : vector<16xi32>, vector<16xi1> -> vector<16xi32>
      %reduce_sum3A_262 = vector.extract %reduce_sum3A_261[15] : i32 from vector<16xi32>
      %add3A_263 = arith.addi %scan3A_241, %reduce_sum3A_262 : i32
      scf.yield %add3A_263 : i32
    }
    %scan3A_77 = arith.constant 1256 : i32
    %add3A_78 = arith.constant 0 : i32
    %add3A_79 = arith.addi %scan3A_76, %add3A_78 : i32
    %broadcast_in_dim3A_80 = arith.constant 0 : i32
    %broadcast_in_dim3A_81 = vector.broadcast %broadcast_in_dim3A_80 : i32 to vector<16xi32>
    %swap3A = arith.index_cast %add3A_79 : i32 to index
    %swap3A_82 = tpu.vector_load %arg10[%swap3A] masked %broadcast_in_dim3A_70 {strides = array<i32>} : memref<20256xi32, #tpu.memory_space<vmem>>, vector<16xi32>, vector<16xi1>
    tpu.vector_store %arg10[%swap3A], %broadcast_in_dim3A_81 masked %broadcast_in_dim3A_70 {strides = array<i32>} : memref<20256xi32, #tpu.memory_space<vmem>>, vector<16xi32>, vector<16xi1>
    %add3A_83 = arith.constant 0 : i32
    %add3A_84 = arith.addi %scan3A_76, %add3A_83 : i32
    %swap3A_85 = arith.index_cast %add3A_84 : i32 to index
    %swap3A_86 = tpu.vector_load %arg11[%swap3A_85] masked %broadcast_in_dim3A_70 {strides = array<i32>} : memref<20256xi32, #tpu.memory_space<vmem>>, vector<16xi32>, vector<16xi1>
    tpu.vector_store %arg11[%swap3A_85], %add3A_5 masked %broadcast_in_dim3A_70 {strides = array<i32>} : memref<20256xi32, #tpu.memory_space<vmem>>, vector<16xi32>, vector<16xi1>
    %add3A_87 = arith.constant 16 : i32
    %add3A_88 = arith.addi %scan3A_76, %add3A_87 : i32
    %broadcast_in_dim3A_89 = arith.constant 0 : i32
    %broadcast_in_dim3A_90 = vector.broadcast %broadcast_in_dim3A_89 : i32 to vector<16xi32>
    %swap3A_91 = arith.index_cast %add3A_88 : i32 to index
    %swap3A_92 = tpu.vector_load %arg10[%swap3A_91] masked %broadcast_in_dim3A_70 {strides = array<i32>} : memref<20256xi32, #tpu.memory_space<vmem>>, vector<16xi32>, vector<16xi1>
    tpu.vector_store %arg10[%swap3A_91], %broadcast_in_dim3A_90 masked %broadcast_in_dim3A_70 {strides = array<i32>} : memref<20256xi32, #tpu.memory_space<vmem>>, vector<16xi32>, vector<16xi1>
    %add3A_93 = arith.constant 16 : i32
    %add3A_94 = arith.addi %scan3A_76, %add3A_93 : i32
    %swap3A_95 = arith.index_cast %add3A_94 : i32 to index
    %swap3A_96 = tpu.vector_load %arg11[%swap3A_95] masked %broadcast_in_dim3A_70 {strides = array<i32>} : memref<20256xi32, #tpu.memory_space<vmem>>, vector<16xi32>, vector<16xi1>
    tpu.vector_store %arg11[%swap3A_95], %add3A_5 masked %broadcast_in_dim3A_70 {strides = array<i32>} : memref<20256xi32, #tpu.memory_space<vmem>>, vector<16xi32>, vector<16xi1>
    %add3A_97 = arith.constant 32 : i32
    %add3A_98 = arith.addi %scan3A_76, %add3A_97 : i32
    %broadcast_in_dim3A_99 = arith.constant 0 : i32
    %broadcast_in_dim3A_100 = vector.broadcast %broadcast_in_dim3A_99 : i32 to vector<16xi32>
    %swap3A_101 = arith.index_cast %add3A_98 : i32 to index
    %swap3A_102 = tpu.vector_load %arg10[%swap3A_101] masked %broadcast_in_dim3A_70 {strides = array<i32>} : memref<20256xi32, #tpu.memory_space<vmem>>, vector<16xi32>, vector<16xi1>
    tpu.vector_store %arg10[%swap3A_101], %broadcast_in_dim3A_100 masked %broadcast_in_dim3A_70 {strides = array<i32>} : memref<20256xi32, #tpu.memory_space<vmem>>, vector<16xi32>, vector<16xi1>
    %add3A_103 = arith.constant 32 : i32
    %add3A_104 = arith.addi %scan3A_76, %add3A_103 : i32
    %swap3A_105 = arith.index_cast %add3A_104 : i32 to index
    %swap3A_106 = tpu.vector_load %arg11[%swap3A_105] masked %broadcast_in_dim3A_70 {strides = array<i32>} : memref<20256xi32, #tpu.memory_space<vmem>>, vector<16xi32>, vector<16xi1>
    tpu.vector_store %arg11[%swap3A_105], %add3A_5 masked %broadcast_in_dim3A_70 {strides = array<i32>} : memref<20256xi32, #tpu.memory_space<vmem>>, vector<16xi32>, vector<16xi1>
    %add3A_107 = arith.constant 48 : i32
    %add3A_108 = arith.addi %scan3A_76, %add3A_107 : i32
    %broadcast_in_dim3A_109 = arith.constant 0 : i32
    %broadcast_in_dim3A_110 = vector.broadcast %broadcast_in_dim3A_109 : i32 to vector<16xi32>
    %swap3A_111 = arith.index_cast %add3A_108 : i32 to index
    %swap3A_112 = tpu.vector_load %arg10[%swap3A_111] masked %broadcast_in_dim3A_70 {strides = array<i32>} : memref<20256xi32, #tpu.memory_space<vmem>>, vector<16xi32>, vector<16xi1>
    tpu.vector_store %arg10[%swap3A_111], %broadcast_in_dim3A_110 masked %broadcast_in_dim3A_70 {strides = array<i32>} : memref<20256xi32, #tpu.memory_space<vmem>>, vector<16xi32>, vector<16xi1>
    %add3A_113 = arith.constant 48 : i32
    %add3A_114 = arith.addi %scan3A_76, %add3A_113 : i32
    %swap3A_115 = arith.index_cast %add3A_114 : i32 to index
    %swap3A_116 = tpu.vector_load %arg11[%swap3A_115] masked %broadcast_in_dim3A_70 {strides = array<i32>} : memref<20256xi32, #tpu.memory_space<vmem>>, vector<16xi32>, vector<16xi1>
    tpu.vector_store %arg11[%swap3A_115], %add3A_5 masked %broadcast_in_dim3A_70 {strides = array<i32>} : memref<20256xi32, #tpu.memory_space<vmem>>, vector<16xi32>, vector<16xi1>
    %add3A_117 = arith.constant 64 : i32
    %add3A_118 = arith.addi %scan3A_76, %add3A_117 : i32
    %broadcast_in_dim3A_119 = arith.constant 0 : i32
    %broadcast_in_dim3A_120 = vector.broadcast %broadcast_in_dim3A_119 : i32 to vector<16xi32>
    %swap3A_121 = arith.index_cast %add3A_118 : i32 to index
    %swap3A_122 = tpu.vector_load %arg10[%swap3A_121] masked %broadcast_in_dim3A_70 {strides = array<i32>} : memref<20256xi32, #tpu.memory_space<vmem>>, vector<16xi32>, vector<16xi1>
    tpu.vector_store %arg10[%swap3A_121], %broadcast_in_dim3A_120 masked %broadcast_in_dim3A_70 {strides = array<i32>} : memref<20256xi32, #tpu.memory_space<vmem>>, vector<16xi32>, vector<16xi1>
    %add3A_123 = arith.constant 64 : i32
    %add3A_124 = arith.addi %scan3A_76, %add3A_123 : i32
    %swap3A_125 = arith.index_cast %add3A_124 : i32 to index
    %swap3A_126 = tpu.vector_load %arg11[%swap3A_125] masked %broadcast_in_dim3A_70 {strides = array<i32>} : memref<20256xi32, #tpu.memory_space<vmem>>, vector<16xi32>, vector<16xi1>
    tpu.vector_store %arg11[%swap3A_125], %add3A_5 masked %broadcast_in_dim3A_70 {strides = array<i32>} : memref<20256xi32, #tpu.memory_space<vmem>>, vector<16xi32>, vector<16xi1>
    %add3A_127 = arith.constant 80 : i32
    %add3A_128 = arith.addi %scan3A_76, %add3A_127 : i32
    %broadcast_in_dim3A_129 = arith.constant 0 : i32
    %broadcast_in_dim3A_130 = vector.broadcast %broadcast_in_dim3A_129 : i32 to vector<16xi32>
    %swap3A_131 = arith.index_cast %add3A_128 : i32 to index
    %swap3A_132 = tpu.vector_load %arg10[%swap3A_131] masked %broadcast_in_dim3A_70 {strides = array<i32>} : memref<20256xi32, #tpu.memory_space<vmem>>, vector<16xi32>, vector<16xi1>
    tpu.vector_store %arg10[%swap3A_131], %broadcast_in_dim3A_130 masked %broadcast_in_dim3A_70 {strides = array<i32>} : memref<20256xi32, #tpu.memory_space<vmem>>, vector<16xi32>, vector<16xi1>
    %add3A_133 = arith.constant 80 : i32
    %add3A_134 = arith.addi %scan3A_76, %add3A_133 : i32
    %swap3A_135 = arith.index_cast %add3A_134 : i32 to index
    %swap3A_136 = tpu.vector_load %arg11[%swap3A_135] masked %broadcast_in_dim3A_70 {strides = array<i32>} : memref<20256xi32, #tpu.memory_space<vmem>>, vector<16xi32>, vector<16xi1>
    tpu.vector_store %arg11[%swap3A_135], %add3A_5 masked %broadcast_in_dim3A_70 {strides = array<i32>} : memref<20256xi32, #tpu.memory_space<vmem>>, vector<16xi32>, vector<16xi1>
    %add3A_137 = arith.constant 96 : i32
    %add3A_138 = arith.addi %scan3A_76, %add3A_137 : i32
    %broadcast_in_dim3A_139 = arith.constant 0 : i32
    %broadcast_in_dim3A_140 = vector.broadcast %broadcast_in_dim3A_139 : i32 to vector<16xi32>
    %swap3A_141 = arith.index_cast %add3A_138 : i32 to index
    %swap3A_142 = tpu.vector_load %arg10[%swap3A_141] masked %broadcast_in_dim3A_70 {strides = array<i32>} : memref<20256xi32, #tpu.memory_space<vmem>>, vector<16xi32>, vector<16xi1>
    tpu.vector_store %arg10[%swap3A_141], %broadcast_in_dim3A_140 masked %broadcast_in_dim3A_70 {strides = array<i32>} : memref<20256xi32, #tpu.memory_space<vmem>>, vector<16xi32>, vector<16xi1>
    %add3A_143 = arith.constant 96 : i32
    %add3A_144 = arith.addi %scan3A_76, %add3A_143 : i32
    %swap3A_145 = arith.index_cast %add3A_144 : i32 to index
    %swap3A_146 = tpu.vector_load %arg11[%swap3A_145] masked %broadcast_in_dim3A_70 {strides = array<i32>} : memref<20256xi32, #tpu.memory_space<vmem>>, vector<16xi32>, vector<16xi1>
    tpu.vector_store %arg11[%swap3A_145], %add3A_5 masked %broadcast_in_dim3A_70 {strides = array<i32>} : memref<20256xi32, #tpu.memory_space<vmem>>, vector<16xi32>, vector<16xi1>
    %add3A_147 = arith.constant 112 : i32
    %add3A_148 = arith.addi %scan3A_76, %add3A_147 : i32
    %broadcast_in_dim3A_149 = arith.constant 0 : i32
    %broadcast_in_dim3A_150 = vector.broadcast %broadcast_in_dim3A_149 : i32 to vector<16xi32>
    %swap3A_151 = arith.index_cast %add3A_148 : i32 to index
    %swap3A_152 = tpu.vector_load %arg10[%swap3A_151] masked %broadcast_in_dim3A_70 {strides = array<i32>} : memref<20256xi32, #tpu.memory_space<vmem>>, vector<16xi32>, vector<16xi1>
    tpu.vector_store %arg10[%swap3A_151], %broadcast_in_dim3A_150 masked %broadcast_in_dim3A_70 {strides = array<i32>} : memref<20256xi32, #tpu.memory_space<vmem>>, vector<16xi32>, vector<16xi1>
    %add3A_153 = arith.constant 112 : i32
    %add3A_154 = arith.addi %scan3A_76, %add3A_153 : i32
    %swap3A_155 = arith.index_cast %add3A_154 : i32 to index
    %swap3A_156 = tpu.vector_load %arg11[%swap3A_155] masked %broadcast_in_dim3A_70 {strides = array<i32>} : memref<20256xi32, #tpu.memory_space<vmem>>, vector<16xi32>, vector<16xi1>
    tpu.vector_store %arg11[%swap3A_155], %add3A_5 masked %broadcast_in_dim3A_70 {strides = array<i32>} : memref<20256xi32, #tpu.memory_space<vmem>>, vector<16xi32>, vector<16xi1>
    "tpu.region"() ({
      %run_scoped3A = tpu.sem_alloc : memref<!tpu.dma_semaphore, #tpu.memory_space<semaphore_mem>>
      %dma_start3A_240 = arith.constant 0 : i32
      %dma_start3A_241 = tpu.memref_slice %arg10[%dma_start3A_240] : memref<20256xi32, #tpu.memory_space<vmem>> -> memref<20096xi32, #tpu.memory_space<vmem>>
      %dma_start3A_242 = arith.constant 0 : i32
      %dma_start3A_243 = tpu.memref_slice %arg7[%arg0, %arg1, %dma_start3A_242] : memref<2x16x20096xi32, #tpu.memory_space<hbm>> -> memref<1x1x20096xi32, #tpu.memory_space<hbm>>
      %dma_start3A_244 = tpu.memref_squeeze %dma_start3A_243 : memref<1x1x20096xi32, #tpu.memory_space<hbm>> -> memref<20096xi32, #tpu.memory_space<hbm>>
      %dma_start3A_245 = arith.constant 0 : i32
      %dma_start3A_246 = tpu.memref_slice %arg7[%arg0, %arg1, %dma_start3A_245] : memref<2x16x20096xi32, #tpu.memory_space<hbm>> -> memref<1x1x20096xi32, #tpu.memory_space<hbm>>
      %dma_start3A_247 = tpu.memref_squeeze %dma_start3A_246 : memref<1x1x20096xi32, #tpu.memory_space<hbm>> -> memref<20096xi32, #tpu.memory_space<hbm>>
      %dma_start3A_248 = arith.constant 0 : i32
      %dma_start3A_249 = tpu.memref_slice %arg10[%dma_start3A_248] : memref<20256xi32, #tpu.memory_space<vmem>> -> memref<20096xi32, #tpu.memory_space<vmem>>
      tpu.enqueue_dma source(%dma_start3A_249 : memref<20096xi32, #tpu.memory_space<vmem>>) target(%dma_start3A_247 : memref<20096xi32, #tpu.memory_space<hbm>>) target_semaphore(%run_scoped3A : memref<!tpu.dma_semaphore, #tpu.memory_space<semaphore_mem>>)
      %dma_wait3A_250 = arith.constant 0 : i32
      %dma_wait3A_251 = tpu.memref_slice %arg10[%dma_wait3A_250] : memref<20256xi32, #tpu.memory_space<vmem>> -> memref<20096xi32, #tpu.memory_space<vmem>>
      %dma_wait3A_252 = arith.constant 0 : i32
      %dma_wait3A_253 = tpu.memref_slice %arg7[%arg0, %arg1, %dma_wait3A_252] : memref<2x16x20096xi32, #tpu.memory_space<hbm>> -> memref<1x1x20096xi32, #tpu.memory_space<hbm>>
      %dma_wait3A_254 = tpu.memref_squeeze %dma_wait3A_253 : memref<1x1x20096xi32, #tpu.memory_space<hbm>> -> memref<20096xi32, #tpu.memory_space<hbm>>
      %dma_wait3A_255 = arith.constant 0 : i32
      %dma_wait3A_256 = tpu.memref_slice %arg7[%arg0, %arg1, %dma_wait3A_255] : memref<2x16x20096xi32, #tpu.memory_space<hbm>> -> memref<1x1x20096xi32, #tpu.memory_space<hbm>>
      %dma_wait3A_257 = tpu.memref_squeeze %dma_wait3A_256 : memref<1x1x20096xi32, #tpu.memory_space<hbm>> -> memref<20096xi32, #tpu.memory_space<hbm>>
      %dma_wait3A_258 = arith.constant 0 : i32
      %dma_wait3A_259 = tpu.memref_slice %arg10[%dma_wait3A_258] : memref<20256xi32, #tpu.memory_space<vmem>> -> memref<20096xi32, #tpu.memory_space<vmem>>
      tpu.wait_dma2 semaphore(%run_scoped3A : memref<!tpu.dma_semaphore, #tpu.memory_space<semaphore_mem>>) src(%dma_wait3A_259 : memref<20096xi32, #tpu.memory_space<vmem>>) dst(%dma_wait3A_257 : memref<20096xi32, #tpu.memory_space<hbm>>)
      tpu.yield
    }) : () -> ()
    "tpu.region"() ({
      %run_scoped3A = tpu.sem_alloc : memref<!tpu.dma_semaphore, #tpu.memory_space<semaphore_mem>>
      %dma_start3A_240 = arith.constant 0 : i32
      %dma_start3A_241 = tpu.memref_slice %arg11[%dma_start3A_240] : memref<20256xi32, #tpu.memory_space<vmem>> -> memref<20096xi32, #tpu.memory_space<vmem>>
      %dma_start3A_242 = arith.constant 0 : i32
      %dma_start3A_243 = tpu.memref_slice %arg8[%arg0, %arg1, %dma_start3A_242] : memref<2x16x20096xi32, #tpu.memory_space<hbm>> -> memref<1x1x20096xi32, #tpu.memory_space<hbm>>
      %dma_start3A_244 = tpu.memref_squeeze %dma_start3A_243 : memref<1x1x20096xi32, #tpu.memory_space<hbm>> -> memref<20096xi32, #tpu.memory_space<hbm>>
      %dma_start3A_245 = arith.constant 0 : i32
      %dma_start3A_246 = tpu.memref_slice %arg8[%arg0, %arg1, %dma_start3A_245] : memref<2x16x20096xi32, #tpu.memory_space<hbm>> -> memref<1x1x20096xi32, #tpu.memory_space<hbm>>
      %dma_start3A_247 = tpu.memref_squeeze %dma_start3A_246 : memref<1x1x20096xi32, #tpu.memory_space<hbm>> -> memref<20096xi32, #tpu.memory_space<hbm>>
      %dma_start3A_248 = arith.constant 0 : i32
      %dma_start3A_249 = tpu.memref_slice %arg11[%dma_start3A_248] : memref<20256xi32, #tpu.memory_space<vmem>> -> memref<20096xi32, #tpu.memory_space<vmem>>
      tpu.enqueue_dma source(%dma_start3A_249 : memref<20096xi32, #tpu.memory_space<vmem>>) target(%dma_start3A_247 : memref<20096xi32, #tpu.memory_space<hbm>>) target_semaphore(%run_scoped3A : memref<!tpu.dma_semaphore, #tpu.memory_space<semaphore_mem>>)
      %dma_wait3A_250 = arith.constant 0 : i32
      %dma_wait3A_251 = tpu.memref_slice %arg11[%dma_wait3A_250] : memref<20256xi32, #tpu.memory_space<vmem>> -> memref<20096xi32, #tpu.memory_space<vmem>>
      %dma_wait3A_252 = arith.constant 0 : i32
      %dma_wait3A_253 = tpu.memref_slice %arg8[%arg0, %arg1, %dma_wait3A_252] : memref<2x16x20096xi32, #tpu.memory_space<hbm>> -> memref<1x1x20096xi32, #tpu.memory_space<hbm>>
      %dma_wait3A_254 = tpu.memref_squeeze %dma_wait3A_253 : memref<1x1x20096xi32, #tpu.memory_space<hbm>> -> memref<20096xi32, #tpu.memory_space<hbm>>
      %dma_wait3A_255 = arith.constant 0 : i32
      %dma_wait3A_256 = tpu.memref_slice %arg8[%arg0, %arg1, %dma_wait3A_255] : memref<2x16x20096xi32, #tpu.memory_space<hbm>> -> memref<1x1x20096xi32, #tpu.memory_space<hbm>>
      %dma_wait3A_257 = tpu.memref_squeeze %dma_wait3A_256 : memref<1x1x20096xi32, #tpu.memory_space<hbm>> -> memref<20096xi32, #tpu.memory_space<hbm>>
      %dma_wait3A_258 = arith.constant 0 : i32
      %dma_wait3A_259 = tpu.memref_slice %arg11[%dma_wait3A_258] : memref<20256xi32, #tpu.memory_space<vmem>> -> memref<20096xi32, #tpu.memory_space<vmem>>
      tpu.wait_dma2 semaphore(%run_scoped3A : memref<!tpu.dma_semaphore, #tpu.memory_space<semaphore_mem>>) src(%dma_wait3A_259 : memref<20096xi32, #tpu.memory_space<vmem>>) dst(%dma_wait3A_257 : memref<20096xi32, #tpu.memory_space<hbm>>)
      tpu.yield
    }) : () -> ()
    %broadcast_in_dim3A_157 = vector.broadcast %scan3A_76 : i32 to vector<16xi32>
    %swap3A_158 = arith.constant 0 : index
    %swap3A_159 = tpu.vector_load %arg15[%swap3A_158] {strides = array<i32>} : memref<16xi32, #tpu.memory_space<vmem>>, vector<16xi32>,
    tpu.vector_store %arg15[%swap3A_158], %broadcast_in_dim3A_157 {strides = array<i32>} : memref<16xi32, #tpu.memory_space<vmem>>, vector<16xi32>,
    "tpu.region"() ({
      %run_scoped3A = tpu.sem_alloc : memref<!tpu.dma_semaphore, #tpu.memory_space<semaphore_mem>>
      %dma_start3A_240 = arith.constant 0 : i32
      %dma_start3A_241 = tpu.memref_slice %arg9[%arg0, %arg1, %dma_start3A_240] : memref<2x16x16xi32, #tpu.memory_space<hbm>> -> memref<1x1x16xi32, #tpu.memory_space<hbm>>
      %dma_start3A_242 = tpu.memref_squeeze %dma_start3A_241 : memref<1x1x16xi32, #tpu.memory_space<hbm>> -> memref<16xi32, #tpu.memory_space<hbm>>
      %dma_start3A_243 = arith.constant 0 : i32
      %dma_start3A_244 = tpu.memref_slice %arg9[%arg0, %arg1, %dma_start3A_243] : memref<2x16x16xi32, #tpu.memory_space<hbm>> -> memref<1x1x16xi32, #tpu.memory_space<hbm>>
      %dma_start3A_245 = tpu.memref_squeeze %dma_start3A_244 : memref<1x1x16xi32, #tpu.memory_space<hbm>> -> memref<16xi32, #tpu.memory_space<hbm>>
      tpu.enqueue_dma source(%arg15 : memref<16xi32, #tpu.memory_space<vmem>>) target(%dma_start3A_245 : memref<16xi32, #tpu.memory_space<hbm>>) target_semaphore(%run_scoped3A : memref<!tpu.dma_semaphore, #tpu.memory_space<semaphore_mem>>)
      %dma_wait3A_246 = arith.constant 0 : i32
      %dma_wait3A_247 = tpu.memref_slice %arg9[%arg0, %arg1, %dma_wait3A_246] : memref<2x16x16xi32, #tpu.memory_space<hbm>> -> memref<1x1x16xi32, #tpu.memory_space<hbm>>
      %dma_wait3A_248 = tpu.memref_squeeze %dma_wait3A_247 : memref<1x1x16xi32, #tpu.memory_space<hbm>> -> memref<16xi32, #tpu.memory_space<hbm>>
      %dma_wait3A_249 = arith.constant 0 : i32
      %dma_wait3A_250 = tpu.memref_slice %arg9[%arg0, %arg1, %dma_wait3A_249] : memref<2x16x16xi32, #tpu.memory_space<hbm>> -> memref<1x1x16xi32, #tpu.memory_space<hbm>>
      %dma_wait3A_251 = tpu.memref_squeeze %dma_wait3A_250 : memref<1x1x16xi32, #tpu.memory_space<hbm>> -> memref<16xi32, #tpu.memory_space<hbm>>
      tpu.wait_dma2 semaphore(%run_scoped3A : memref<!tpu.dma_semaphore, #tpu.memory_space<semaphore_mem>>) src(%arg15 : memref<16xi32, #tpu.memory_space<vmem>>) dst(%dma_wait3A_251 : memref<16xi32, #tpu.memory_space<hbm>>)
      tpu.yield
    }) : () -> ()
    %add3A_160 = arith.constant 0 : i32
    %add3A_161 = arith.addi %mul3A_21, %add3A_160 : i32
    %dma_wait3A = arith.constant 0 : i32
    %dma_wait3A_162 = arith.constant 0 : i32
    %dma_wait3A_163 = arith.constant 0 : i32
    %dma_wait3A_164 = tpu.memref_slice %arg12[%dma_wait3A, %dma_wait3A_162, %dma_wait3A_163] : memref<2x128x128xf32, #tpu.memory_space<vmem>> -> memref<1x128x128xf32, #tpu.memory_space<vmem>>
    %dma_wait3A_165 = tpu.memref_squeeze %dma_wait3A_164 : memref<1x128x128xf32, #tpu.memory_space<vmem>> -> memref<128x128xf32, #tpu.memory_space<vmem>>
    %dma_wait3A_166 = arith.constant 0 : i32
    %dma_wait3A_167 = tpu.memref_slice %arg16[%add3A_161, %dma_wait3A_166] : memref<5248x128xf32, #tpu.memory_space<vmem_shared>> -> memref<128x128xf32, #tpu.memory_space<vmem_shared>>
    %dma_wait3A_168 = arith.constant 0 : i32
    %dma_wait3A_169 = tpu.memref_slice %arg16[%add3A_161, %dma_wait3A_168] : memref<5248x128xf32, #tpu.memory_space<vmem_shared>> -> memref<128x128xf32, #tpu.memory_space<vmem_shared>>
    %dma_wait3A_170 = arith.constant 0 : i32
    %dma_wait3A_171 = arith.constant 0 : i32
    %dma_wait3A_172 = tpu.memref_slice %arg12[%dma_wait3A, %dma_wait3A_170, %dma_wait3A_171] : memref<2x128x128xf32, #tpu.memory_space<vmem>> -> memref<1x128x128xf32, #tpu.memory_space<vmem>>
    %dma_wait3A_173 = tpu.memref_squeeze %dma_wait3A_172 : memref<1x128x128xf32, #tpu.memory_space<vmem>> -> memref<128x128xf32, #tpu.memory_space<vmem>>
    tpu.wait_dma2 semaphore(%arg18 : memref<!tpu.dma_semaphore, #tpu.memory_space<semaphore_mem>>) src(%dma_wait3A_173 : memref<128x128xf32, #tpu.memory_space<vmem>>) dst(%dma_wait3A_169 : memref<128x128xf32, #tpu.memory_space<vmem_shared>>)
    %add3A_174 = arith.constant 128 : i32
    %add3A_175 = arith.addi %mul3A_21, %add3A_174 : i32
    %dma_wait3A_176 = arith.constant 0 : i32
    %dma_wait3A_177 = arith.constant 0 : i32
    %dma_wait3A_178 = arith.constant 0 : i32
    %dma_wait3A_179 = tpu.memref_slice %arg12[%dma_wait3A_176, %dma_wait3A_177, %dma_wait3A_178] : memref<2x128x128xf32, #tpu.memory_space<vmem>> -> memref<1x128x128xf32, #tpu.memory_space<vmem>>
    %dma_wait3A_180 = tpu.memref_squeeze %dma_wait3A_179 : memref<1x128x128xf32, #tpu.memory_space<vmem>> -> memref<128x128xf32, #tpu.memory_space<vmem>>
    %dma_wait3A_181 = arith.constant 0 : i32
    %dma_wait3A_182 = tpu.memref_slice %arg16[%add3A_175, %dma_wait3A_181] : memref<5248x128xf32, #tpu.memory_space<vmem_shared>> -> memref<128x128xf32, #tpu.memory_space<vmem_shared>>
    %dma_wait3A_183 = arith.constant 0 : i32
    %dma_wait3A_184 = tpu.memref_slice %arg16[%add3A_175, %dma_wait3A_183] : memref<5248x128xf32, #tpu.memory_space<vmem_shared>> -> memref<128x128xf32, #tpu.memory_space<vmem_shared>>
    %dma_wait3A_185 = arith.constant 0 : i32
    %dma_wait3A_186 = arith.constant 0 : i32
    %dma_wait3A_187 = tpu.memref_slice %arg12[%dma_wait3A_176, %dma_wait3A_185, %dma_wait3A_186] : memref<2x128x128xf32, #tpu.memory_space<vmem>> -> memref<1x128x128xf32, #tpu.memory_space<vmem>>
    %dma_wait3A_188 = tpu.memref_squeeze %dma_wait3A_187 : memref<1x128x128xf32, #tpu.memory_space<vmem>> -> memref<128x128xf32, #tpu.memory_space<vmem>>
    tpu.wait_dma2 semaphore(%arg18 : memref<!tpu.dma_semaphore, #tpu.memory_space<semaphore_mem>>) src(%dma_wait3A_188 : memref<128x128xf32, #tpu.memory_space<vmem>>) dst(%dma_wait3A_184 : memref<128x128xf32, #tpu.memory_space<vmem_shared>>)
    %add3A_189 = arith.constant 256 : i32
    %add3A_190 = arith.addi %mul3A_21, %add3A_189 : i32
    %dma_wait3A_191 = arith.constant 0 : i32
    %dma_wait3A_192 = arith.constant 0 : i32
    %dma_wait3A_193 = arith.constant 0 : i32
    %dma_wait3A_194 = tpu.memref_slice %arg12[%dma_wait3A_191, %dma_wait3A_192, %dma_wait3A_193] : memref<2x128x128xf32, #tpu.memory_space<vmem>> -> memref<1x72x128xf32, #tpu.memory_space<vmem>>
    %dma_wait3A_195 = tpu.memref_squeeze %dma_wait3A_194 : memref<1x72x128xf32, #tpu.memory_space<vmem>> -> memref<72x128xf32, #tpu.memory_space<vmem>>
    %dma_wait3A_196 = arith.constant 0 : i32
    %dma_wait3A_197 = tpu.memref_slice %arg16[%add3A_190, %dma_wait3A_196] : memref<5248x128xf32, #tpu.memory_space<vmem_shared>> -> memref<72x128xf32, #tpu.memory_space<vmem_shared>>
    %dma_wait3A_198 = arith.constant 0 : i32
    %dma_wait3A_199 = tpu.memref_slice %arg16[%add3A_190, %dma_wait3A_198] : memref<5248x128xf32, #tpu.memory_space<vmem_shared>> -> memref<72x128xf32, #tpu.memory_space<vmem_shared>>
    %dma_wait3A_200 = arith.constant 0 : i32
    %dma_wait3A_201 = arith.constant 0 : i32
    %dma_wait3A_202 = tpu.memref_slice %arg12[%dma_wait3A_191, %dma_wait3A_200, %dma_wait3A_201] : memref<2x128x128xf32, #tpu.memory_space<vmem>> -> memref<1x72x128xf32, #tpu.memory_space<vmem>>
    %dma_wait3A_203 = tpu.memref_squeeze %dma_wait3A_202 : memref<1x72x128xf32, #tpu.memory_space<vmem>> -> memref<72x128xf32, #tpu.memory_space<vmem>>
    tpu.wait_dma2 semaphore(%arg18 : memref<!tpu.dma_semaphore, #tpu.memory_space<semaphore_mem>>) src(%dma_wait3A_203 : memref<72x128xf32, #tpu.memory_space<vmem>>) dst(%dma_wait3A_199 : memref<72x128xf32, #tpu.memory_space<vmem_shared>>)
    %dma_wait3A_204 = arith.constant 0 : i32
    %dma_wait3A_205 = tpu.memref_slice %arg17[%mul3A_21, %dma_wait3A_204] : memref<5248x16xf32, #tpu.memory_space<vmem_shared>> -> memref<328x16xf32, #tpu.memory_space<vmem_shared>>
    %dma_wait3A_206 = arith.constant 0 : i32
    %dma_wait3A_207 = tpu.memref_slice %arg17[%mul3A_21, %dma_wait3A_206] : memref<5248x16xf32, #tpu.memory_space<vmem_shared>> -> memref<328x16xf32, #tpu.memory_space<vmem_shared>>
    tpu.wait_dma2 semaphore(%arg18 : memref<!tpu.dma_semaphore, #tpu.memory_space<semaphore_mem>>) src(%arg14 : memref<328x16xf32, #tpu.memory_space<vmem>>) dst(%dma_wait3A_207 : memref<328x16xf32, #tpu.memory_space<vmem_shared>>)
    %barrier3A = arith.constant 0 : index
    tpu.barrier barrier_id(%barrier3A)
    %add3A_208 = arith.constant 128 : i32
    %add3A_209 = arith.addi %scan3A_76, %add3A_208 : i32
    %sub3A = arith.constant 1 : i32
    %sub3A_210 = arith.subi %add3A_209, %sub3A : i32
    %div3A = arith.constant 128 : i32
    %div3A_211 = arith.divsi %sub3A_210, %div3A : i32
    %gt3A = arith.constant 0 : i32
    %gt3A_212 = arith.cmpi sgt, %div3A_211, %gt3A : i32
    %convert_element_type3A = arith.extui %gt3A_212 : i1 to i32
    %cond3A = arith.constant 0 : i32
    %cond3A_213 = arith.cmpi ne, %convert_element_type3A, %cond3A : i32
    scf.if %cond3A_213 {
      %multiple_of3A = arith.constant 0 : i32
      %multiple_of3A_240 = tpu.assume_multiple %multiple_of3A, 128 : i32
      %dma_start3A_241 = arith.constant 0 : i32
      %dma_start3A_242 = arith.constant 0 : i32
      %dma_start3A_243 = arith.constant 0 : i32
      %dma_start3A_244 = tpu.memref_slice %arg12[%dma_start3A_241, %dma_start3A_242, %dma_start3A_243] : memref<2x128x128xf32, #tpu.memory_space<vmem>> -> memref<1x128x128xf32, #tpu.memory_space<vmem>>
      %dma_start3A_245 = tpu.memref_squeeze %dma_start3A_244 : memref<1x128x128xf32, #tpu.memory_space<vmem>> -> memref<128x128xf32, #tpu.memory_space<vmem>>
      %dma_start3A_246 = tpu.memref_slice %arg10[%multiple_of3A_240] : memref<20256xi32, #tpu.memory_space<vmem>> -> memref<128xi32, #tpu.memory_space<vmem>>
      %dma_start3A_247 = arith.constant 0 : i32
      %dma_start3A_248 = arith.constant 0 : i32
      %dma_start3A_249 = tpu.memref_slice %arg4[%dma_start3A_247, %dma_start3A_248] : memref<10000x128xf32, #tpu.memory_space<hbm>> -> memref<10000x128xf32, #tpu.memory_space<hbm>>
      tpu.enqueue_indirect_dma source(%dma_start3A_249 : memref<10000x128xf32, #tpu.memory_space<hbm>>) target(%dma_start3A_245 : memref<128x128xf32, #tpu.memory_space<vmem>>) offsets(%dma_start3A_246 : memref<128xi32, #tpu.memory_space<vmem>>) semaphore(%arg18 : memref<!tpu.dma_semaphore, #tpu.memory_space<semaphore_mem>>)
    } else {
    }
    %sub3A_214 = arith.constant 0 : i32
    %sub3A_215 = arith.subi %div3A_211, %sub3A_214 : i32
    %sub3A_216 = arith.constant 1 : i32
    %sub3A_217 = arith.constant 1 : i32
    %sub3A_218 = arith.subi %sub3A_216, %sub3A_217 : i32
    %add3A_219 = arith.addi %sub3A_215, %sub3A_218 : i32
    %div3A_220 = arith.constant 1 : i32
    %div3A_221 = arith.divsi %add3A_219, %div3A_220 : i32
    %while3A = arith.constant 1 : i32
    %while3A_222 = arith.constant 0 : i32
    %while3A_223 = arith.constant 0 : i32
    %while3A_224 = arith.subi %div3A_221, %while3A_223 : i32
    %while3A_225 = arith.addi %while3A_223, %while3A_224 : i32
    %while3A_226 = arith.constant 1 : i32
    %while3A_227 = arith.divsi %while3A_224, %while3A_226 : i32
    %while3A_228 = arith.muli %while3A_227, %while3A_226 : i32
    %while3A_229 = arith.addi %while3A_223, %while3A_228 : i32
    %while3A_230 = arith.constant 1 : i32
    scf.for %while3A_240 = %while3A_223 to %while3A_229 step %while3A_230  : i32 {
      %mul3A_241 = arith.muli %while3A_240, %while3A : i32
      %add3A_242 = arith.addi %while3A_222, %mul3A_241 : i32
      %rem3A_243 = arith.constant 2 : i32
      %rem3A_244 = arith.remsi %add3A_242, %rem3A_243 : i32
      %mul3A_245 = arith.constant 128 : i32
      %mul3A_246 = arith.muli %add3A_242, %mul3A_245 : i32
      %multiple_of3A = tpu.assume_multiple %mul3A_246, 128 : i32
      %dma_wait3A_247 = arith.constant 0 : i32
      %dma_wait3A_248 = arith.constant 0 : i32
      %dma_wait3A_249 = tpu.memref_slice %arg12[%rem3A_244, %dma_wait3A_247, %dma_wait3A_248] : memref<2x128x128xf32, #tpu.memory_space<vmem>> -> memref<1x128x128xf32, #tpu.memory_space<vmem>>
      %dma_wait3A_250 = tpu.memref_squeeze %dma_wait3A_249 : memref<1x128x128xf32, #tpu.memory_space<vmem>> -> memref<128x128xf32, #tpu.memory_space<vmem>>
      %dma_wait3A_251 = tpu.memref_slice %arg10[%multiple_of3A] : memref<20256xi32, #tpu.memory_space<vmem>> -> memref<128xi32, #tpu.memory_space<vmem>>
      %dma_wait3A_252 = arith.constant 0 : i32
      %dma_wait3A_253 = arith.constant 0 : i32
      %dma_wait3A_254 = tpu.memref_slice %arg4[%dma_wait3A_252, %dma_wait3A_253] : memref<10000x128xf32, #tpu.memory_space<hbm>> -> memref<10000x128xf32, #tpu.memory_space<hbm>>
      tpu.wait_indirect_dma semaphore(%arg18 : memref<!tpu.dma_semaphore, #tpu.memory_space<semaphore_mem>>) src(%dma_wait3A_254 : memref<10000x128xf32, #tpu.memory_space<hbm>>) dst(%dma_wait3A_250 : memref<128x128xf32, #tpu.memory_space<vmem>>)
      %add3A_255 = arith.constant 1 : i32
      %add3A_256 = arith.addi %add3A_242, %add3A_255 : i32
      %lt3A = arith.cmpi slt, %add3A_256, %div3A_211 : i32
      %convert_element_type3A_257 = arith.extui %lt3A : i1 to i32
      %cond3A_258 = arith.constant 0 : i32
      %cond3A_259 = arith.cmpi ne, %convert_element_type3A_257, %cond3A_258 : i32
      scf.if %cond3A_259 {
        %add3A_323 = arith.constant 1 : i32
        %add3A_324 = arith.addi %add3A_242, %add3A_323 : i32
        %mul3A_325 = arith.constant 128 : i32
        %mul3A_326 = arith.muli %add3A_324, %mul3A_325 : i32
        %multiple_of3A_327 = tpu.assume_multiple %mul3A_326, 128 : i32
        %sub3A_328 = arith.constant 1 : i32
        %sub3A_329 = arith.subi %sub3A_328, %rem3A_244 : i32
        %dma_start3A_330 = arith.constant 0 : i32
        %dma_start3A_331 = arith.constant 0 : i32
        %dma_start3A_332 = tpu.memref_slice %arg12[%sub3A_329, %dma_start3A_330, %dma_start3A_331] : memref<2x128x128xf32, #tpu.memory_space<vmem>> -> memref<1x128x128xf32, #tpu.memory_space<vmem>>
        %dma_start3A_333 = tpu.memref_squeeze %dma_start3A_332 : memref<1x128x128xf32, #tpu.memory_space<vmem>> -> memref<128x128xf32, #tpu.memory_space<vmem>>
        %dma_start3A_334 = tpu.memref_slice %arg10[%multiple_of3A_327] : memref<20256xi32, #tpu.memory_space<vmem>> -> memref<128xi32, #tpu.memory_space<vmem>>
        %dma_start3A_335 = arith.constant 0 : i32
        %dma_start3A_336 = arith.constant 0 : i32
        %dma_start3A_337 = tpu.memref_slice %arg4[%dma_start3A_335, %dma_start3A_336] : memref<10000x128xf32, #tpu.memory_space<hbm>> -> memref<10000x128xf32, #tpu.memory_space<hbm>>
        tpu.enqueue_indirect_dma source(%dma_start3A_337 : memref<10000x128xf32, #tpu.memory_space<hbm>>) target(%dma_start3A_333 : memref<128x128xf32, #tpu.memory_space<vmem>>) offsets(%dma_start3A_334 : memref<128xi32, #tpu.memory_space<vmem>>) semaphore(%arg18 : memref<!tpu.dma_semaphore, #tpu.memory_space<semaphore_mem>>)
      } else {
      }
      %mul3A_260 = arith.constant 128 : i32
      %mul3A_261 = arith.muli %add3A_242, %mul3A_260 : i32
      %multiple_of3A_262 = tpu.assume_multiple %mul3A_261, 128 : i32
      %dma_start3A_263 = tpu.memref_slice %arg11[%multiple_of3A_262] : memref<20256xi32, #tpu.memory_space<vmem>> -> memref<128xi32, #tpu.memory_space<vmem>>
      %dma_start3A_264 = arith.constant 0 : i32
      %dma_start3A_265 = arith.constant 0 : i32
      %dma_start3A_266 = tpu.memref_slice %arg17[%dma_start3A_264, %dma_start3A_265] : memref<5248x16xf32, #tpu.memory_space<vmem_shared>> -> memref<5248x16xf32, #tpu.memory_space<vmem_shared>>
      tpu.enqueue_indirect_dma source(%arg13 : memref<128x16xf32, #tpu.memory_space<vmem>>) target(%dma_start3A_266 : memref<5248x16xf32, #tpu.memory_space<vmem_shared>>) offsets(%dma_start3A_263 : memref<128xi32, #tpu.memory_space<vmem>>) semaphore(%arg19 : memref<!tpu.dma_semaphore, #tpu.memory_space<semaphore_mem>>) {add = true}
      %mul3A_267 = arith.constant 128 : i32
      %mul3A_268 = arith.muli %add3A_242, %mul3A_267 : i32
      %add3A_269 = arith.constant 0 : i32
      %add3A_270 = arith.addi %mul3A_268, %add3A_269 : i32
      %multiple_of3A_271 = tpu.assume_multiple %add3A_270, 64 : i32
      %dma_start3A_272 = arith.constant 0 : i32
      %dma_start3A_273 = arith.constant 0 : i32
      %dma_start3A_274 = tpu.memref_slice %arg12[%rem3A_244, %dma_start3A_272, %dma_start3A_273] : memref<2x128x128xf32, #tpu.memory_space<vmem>> -> memref<1x64x128xf32, #tpu.memory_space<vmem>>
      %dma_start3A_275 = tpu.memref_squeeze %dma_start3A_274 : memref<1x64x128xf32, #tpu.memory_space<vmem>> -> memref<64x128xf32, #tpu.memory_space<vmem>>
      %dma_start3A_276 = tpu.memref_slice %arg11[%multiple_of3A_271] : memref<20256xi32, #tpu.memory_space<vmem>> -> memref<64xi32, #tpu.memory_space<vmem>>
      %dma_start3A_277 = arith.constant 0 : i32
      %dma_start3A_278 = arith.constant 0 : i32
      %dma_start3A_279 = tpu.memref_slice %arg16[%dma_start3A_277, %dma_start3A_278] : memref<5248x128xf32, #tpu.memory_space<vmem_shared>> -> memref<5248x128xf32, #tpu.memory_space<vmem_shared>>
      tpu.enqueue_indirect_dma source(%dma_start3A_275 : memref<64x128xf32, #tpu.memory_space<vmem>>) target(%dma_start3A_279 : memref<5248x128xf32, #tpu.memory_space<vmem_shared>>) offsets(%dma_start3A_276 : memref<64xi32, #tpu.memory_space<vmem>>) semaphore(%arg20 : memref<!tpu.dma_semaphore, #tpu.memory_space<semaphore_mem>>) {add = true}
      %mul3A_280 = arith.constant 128 : i32
      %mul3A_281 = arith.muli %add3A_242, %mul3A_280 : i32
      %add3A_282 = arith.constant 64 : i32
      %add3A_283 = arith.addi %mul3A_281, %add3A_282 : i32
      %multiple_of3A_284 = tpu.assume_multiple %add3A_283, 64 : i32
      %dma_start3A_285 = arith.constant 64 : i32
      %dma_start3A_286 = arith.constant 0 : i32
      %dma_start3A_287 = tpu.memref_slice %arg12[%rem3A_244, %dma_start3A_285, %dma_start3A_286] : memref<2x128x128xf32, #tpu.memory_space<vmem>> -> memref<1x64x128xf32, #tpu.memory_space<vmem>>
      %dma_start3A_288 = tpu.memref_squeeze %dma_start3A_287 : memref<1x64x128xf32, #tpu.memory_space<vmem>> -> memref<64x128xf32, #tpu.memory_space<vmem>>
      %dma_start3A_289 = tpu.memref_slice %arg11[%multiple_of3A_284] : memref<20256xi32, #tpu.memory_space<vmem>> -> memref<64xi32, #tpu.memory_space<vmem>>
      %dma_start3A_290 = arith.constant 0 : i32
      %dma_start3A_291 = arith.constant 0 : i32
      %dma_start3A_292 = tpu.memref_slice %arg16[%dma_start3A_290, %dma_start3A_291] : memref<5248x128xf32, #tpu.memory_space<vmem_shared>> -> memref<5248x128xf32, #tpu.memory_space<vmem_shared>>
      tpu.enqueue_indirect_dma source(%dma_start3A_288 : memref<64x128xf32, #tpu.memory_space<vmem>>) target(%dma_start3A_292 : memref<5248x128xf32, #tpu.memory_space<vmem_shared>>) offsets(%dma_start3A_289 : memref<64xi32, #tpu.memory_space<vmem>>) semaphore(%arg20 : memref<!tpu.dma_semaphore, #tpu.memory_space<semaphore_mem>>) {add = true}
      %mul3A_293 = arith.constant 128 : i32
      %mul3A_294 = arith.muli %add3A_242, %mul3A_293 : i32
      %add3A_295 = arith.constant 0 : i32
      %add3A_296 = arith.addi %mul3A_294, %add3A_295 : i32
      %multiple_of3A_297 = tpu.assume_multiple %add3A_296, 64 : i32
      %dma_wait3A_298 = arith.constant 0 : i32
      %dma_wait3A_299 = arith.constant 0 : i32
      %dma_wait3A_300 = tpu.memref_slice %arg12[%rem3A_244, %dma_wait3A_298, %dma_wait3A_299] : memref<2x128x128xf32, #tpu.memory_space<vmem>> -> memref<1x64x128xf32, #tpu.memory_space<vmem>>
      %dma_wait3A_301 = tpu.memref_squeeze %dma_wait3A_300 : memref<1x64x128xf32, #tpu.memory_space<vmem>> -> memref<64x128xf32, #tpu.memory_space<vmem>>
      %dma_wait3A_302 = tpu.memref_slice %arg11[%multiple_of3A_297] : memref<20256xi32, #tpu.memory_space<vmem>> -> memref<64xi32, #tpu.memory_space<vmem>>
      %dma_wait3A_303 = arith.constant 0 : i32
      %dma_wait3A_304 = arith.constant 0 : i32
      %dma_wait3A_305 = tpu.memref_slice %arg16[%dma_wait3A_303, %dma_wait3A_304] : memref<5248x128xf32, #tpu.memory_space<vmem_shared>> -> memref<5248x128xf32, #tpu.memory_space<vmem_shared>>
      tpu.wait_indirect_dma semaphore(%arg20 : memref<!tpu.dma_semaphore, #tpu.memory_space<semaphore_mem>>) src(%dma_wait3A_301 : memref<64x128xf32, #tpu.memory_space<vmem>>) dst(%dma_wait3A_305 : memref<5248x128xf32, #tpu.memory_space<vmem_shared>>)
      %mul3A_306 = arith.constant 128 : i32
      %mul3A_307 = arith.muli %add3A_242, %mul3A_306 : i32
      %add3A_308 = arith.constant 64 : i32
      %add3A_309 = arith.addi %mul3A_307, %add3A_308 : i32
      %multiple_of3A_310 = tpu.assume_multiple %add3A_309, 64 : i32
      %dma_wait3A_311 = arith.constant 64 : i32
      %dma_wait3A_312 = arith.constant 0 : i32
      %dma_wait3A_313 = tpu.memref_slice %arg12[%rem3A_244, %dma_wait3A_311, %dma_wait3A_312] : memref<2x128x128xf32, #tpu.memory_space<vmem>> -> memref<1x64x128xf32, #tpu.memory_space<vmem>>
      %dma_wait3A_314 = tpu.memref_squeeze %dma_wait3A_313 : memref<1x64x128xf32, #tpu.memory_space<vmem>> -> memref<64x128xf32, #tpu.memory_space<vmem>>
      %dma_wait3A_315 = tpu.memref_slice %arg11[%multiple_of3A_310] : memref<20256xi32, #tpu.memory_space<vmem>> -> memref<64xi32, #tpu.memory_space<vmem>>
      %dma_wait3A_316 = arith.constant 0 : i32
      %dma_wait3A_317 = arith.constant 0 : i32
      %dma_wait3A_318 = tpu.memref_slice %arg16[%dma_wait3A_316, %dma_wait3A_317] : memref<5248x128xf32, #tpu.memory_space<vmem_shared>> -> memref<5248x128xf32, #tpu.memory_space<vmem_shared>>
      tpu.wait_indirect_dma semaphore(%arg20 : memref<!tpu.dma_semaphore, #tpu.memory_space<semaphore_mem>>) src(%dma_wait3A_314 : memref<64x128xf32, #tpu.memory_space<vmem>>) dst(%dma_wait3A_318 : memref<5248x128xf32, #tpu.memory_space<vmem_shared>>)
      %ge3A = arith.constant 1 : i32
      %ge3A_319 = arith.cmpi sge, %add3A_242, %ge3A : i32
      %convert_element_type3A_320 = arith.extui %ge3A_319 : i1 to i32
      %cond3A_321 = arith.constant 0 : i32
      %cond3A_322 = arith.cmpi ne, %convert_element_type3A_320, %cond3A_321 : i32
      scf.if %cond3A_322 {
        %sub3A_323 = arith.constant 1 : i32
        %sub3A_324 = arith.subi %add3A_242, %sub3A_323 : i32
        %mul3A_325 = arith.constant 128 : i32
        %mul3A_326 = arith.muli %sub3A_324, %mul3A_325 : i32
        %multiple_of3A_327 = tpu.assume_multiple %mul3A_326, 128 : i32
        %dma_wait3A_328 = tpu.memref_slice %arg11[%multiple_of3A_327] : memref<20256xi32, #tpu.memory_space<vmem>> -> memref<128xi32, #tpu.memory_space<vmem>>
        %dma_wait3A_329 = arith.constant 0 : i32
        %dma_wait3A_330 = arith.constant 0 : i32
        %dma_wait3A_331 = tpu.memref_slice %arg17[%dma_wait3A_329, %dma_wait3A_330] : memref<5248x16xf32, #tpu.memory_space<vmem_shared>> -> memref<5248x16xf32, #tpu.memory_space<vmem_shared>>
        tpu.wait_indirect_dma semaphore(%arg19 : memref<!tpu.dma_semaphore, #tpu.memory_space<semaphore_mem>>) src(%arg13 : memref<128x16xf32, #tpu.memory_space<vmem>>) dst(%dma_wait3A_331 : memref<5248x16xf32, #tpu.memory_space<vmem_shared>>)
      } else {
      }
    }
    %while3A_231 = arith.constant 1 : i32
    scf.for %while3A_240 = %while3A_229 to %while3A_225 step %while3A_231  : i32 {
      %mul3A_241 = arith.muli %while3A_240, %while3A : i32
      %add3A_242 = arith.addi %while3A_222, %mul3A_241 : i32
      %rem3A_243 = arith.constant 2 : i32
      %rem3A_244 = arith.remsi %add3A_242, %rem3A_243 : i32
      %mul3A_245 = arith.constant 128 : i32
      %mul3A_246 = arith.muli %add3A_242, %mul3A_245 : i32
      %multiple_of3A = tpu.assume_multiple %mul3A_246, 128 : i32
      %dma_wait3A_247 = arith.constant 0 : i32
      %dma_wait3A_248 = arith.constant 0 : i32
      %dma_wait3A_249 = tpu.memref_slice %arg12[%rem3A_244, %dma_wait3A_247, %dma_wait3A_248] : memref<2x128x128xf32, #tpu.memory_space<vmem>> -> memref<1x128x128xf32, #tpu.memory_space<vmem>>
      %dma_wait3A_250 = tpu.memref_squeeze %dma_wait3A_249 : memref<1x128x128xf32, #tpu.memory_space<vmem>> -> memref<128x128xf32, #tpu.memory_space<vmem>>
      %dma_wait3A_251 = tpu.memref_slice %arg10[%multiple_of3A] : memref<20256xi32, #tpu.memory_space<vmem>> -> memref<128xi32, #tpu.memory_space<vmem>>
      %dma_wait3A_252 = arith.constant 0 : i32
      %dma_wait3A_253 = arith.constant 0 : i32
      %dma_wait3A_254 = tpu.memref_slice %arg4[%dma_wait3A_252, %dma_wait3A_253] : memref<10000x128xf32, #tpu.memory_space<hbm>> -> memref<10000x128xf32, #tpu.memory_space<hbm>>
      tpu.wait_indirect_dma semaphore(%arg18 : memref<!tpu.dma_semaphore, #tpu.memory_space<semaphore_mem>>) src(%dma_wait3A_254 : memref<10000x128xf32, #tpu.memory_space<hbm>>) dst(%dma_wait3A_250 : memref<128x128xf32, #tpu.memory_space<vmem>>)
      %add3A_255 = arith.constant 1 : i32
      %add3A_256 = arith.addi %add3A_242, %add3A_255 : i32
      %lt3A = arith.cmpi slt, %add3A_256, %div3A_211 : i32
      %convert_element_type3A_257 = arith.extui %lt3A : i1 to i32
      %cond3A_258 = arith.constant 0 : i32
      %cond3A_259 = arith.cmpi ne, %convert_element_type3A_257, %cond3A_258 : i32
      scf.if %cond3A_259 {
        %add3A_323 = arith.constant 1 : i32
        %add3A_324 = arith.addi %add3A_242, %add3A_323 : i32
        %mul3A_325 = arith.constant 128 : i32
        %mul3A_326 = arith.muli %add3A_324, %mul3A_325 : i32
        %multiple_of3A_327 = tpu.assume_multiple %mul3A_326, 128 : i32
        %sub3A_328 = arith.constant 1 : i32
        %sub3A_329 = arith.subi %sub3A_328, %rem3A_244 : i32
        %dma_start3A_330 = arith.constant 0 : i32
        %dma_start3A_331 = arith.constant 0 : i32
        %dma_start3A_332 = tpu.memref_slice %arg12[%sub3A_329, %dma_start3A_330, %dma_start3A_331] : memref<2x128x128xf32, #tpu.memory_space<vmem>> -> memref<1x128x128xf32, #tpu.memory_space<vmem>>
        %dma_start3A_333 = tpu.memref_squeeze %dma_start3A_332 : memref<1x128x128xf32, #tpu.memory_space<vmem>> -> memref<128x128xf32, #tpu.memory_space<vmem>>
        %dma_start3A_334 = tpu.memref_slice %arg10[%multiple_of3A_327] : memref<20256xi32, #tpu.memory_space<vmem>> -> memref<128xi32, #tpu.memory_space<vmem>>
        %dma_start3A_335 = arith.constant 0 : i32
        %dma_start3A_336 = arith.constant 0 : i32
        %dma_start3A_337 = tpu.memref_slice %arg4[%dma_start3A_335, %dma_start3A_336] : memref<10000x128xf32, #tpu.memory_space<hbm>> -> memref<10000x128xf32, #tpu.memory_space<hbm>>
        tpu.enqueue_indirect_dma source(%dma_start3A_337 : memref<10000x128xf32, #tpu.memory_space<hbm>>) target(%dma_start3A_333 : memref<128x128xf32, #tpu.memory_space<vmem>>) offsets(%dma_start3A_334 : memref<128xi32, #tpu.memory_space<vmem>>) semaphore(%arg18 : memref<!tpu.dma_semaphore, #tpu.memory_space<semaphore_mem>>)
      } else {
      }
      %mul3A_260 = arith.constant 128 : i32
      %mul3A_261 = arith.muli %add3A_242, %mul3A_260 : i32
      %multiple_of3A_262 = tpu.assume_multiple %mul3A_261, 128 : i32
      %dma_start3A_263 = tpu.memref_slice %arg11[%multiple_of3A_262] : memref<20256xi32, #tpu.memory_space<vmem>> -> memref<128xi32, #tpu.memory_space<vmem>>
      %dma_start3A_264 = arith.constant 0 : i32
      %dma_start3A_265 = arith.constant 0 : i32
      %dma_start3A_266 = tpu.memref_slice %arg17[%dma_start3A_264, %dma_start3A_265] : memref<5248x16xf32, #tpu.memory_space<vmem_shared>> -> memref<5248x16xf32, #tpu.memory_space<vmem_shared>>
      tpu.enqueue_indirect_dma source(%arg13 : memref<128x16xf32, #tpu.memory_space<vmem>>) target(%dma_start3A_266 : memref<5248x16xf32, #tpu.memory_space<vmem_shared>>) offsets(%dma_start3A_263 : memref<128xi32, #tpu.memory_space<vmem>>) semaphore(%arg19 : memref<!tpu.dma_semaphore, #tpu.memory_space<semaphore_mem>>) {add = true}
      %mul3A_267 = arith.constant 128 : i32
      %mul3A_268 = arith.muli %add3A_242, %mul3A_267 : i32
      %add3A_269 = arith.constant 0 : i32
      %add3A_270 = arith.addi %mul3A_268, %add3A_269 : i32
      %multiple_of3A_271 = tpu.assume_multiple %add3A_270, 64 : i32
      %dma_start3A_272 = arith.constant 0 : i32
      %dma_start3A_273 = arith.constant 0 : i32
      %dma_start3A_274 = tpu.memref_slice %arg12[%rem3A_244, %dma_start3A_272, %dma_start3A_273] : memref<2x128x128xf32, #tpu.memory_space<vmem>> -> memref<1x64x128xf32, #tpu.memory_space<vmem>>
      %dma_start3A_275 = tpu.memref_squeeze %dma_start3A_274 : memref<1x64x128xf32, #tpu.memory_space<vmem>> -> memref<64x128xf32, #tpu.memory_space<vmem>>
      %dma_start3A_276 = tpu.memref_slice %arg11[%multiple_of3A_271] : memref<20256xi32, #tpu.memory_space<vmem>> -> memref<64xi32, #tpu.memory_space<vmem>>
      %dma_start3A_277 = arith.constant 0 : i32
      %dma_start3A_278 = arith.constant 0 : i32
      %dma_start3A_279 = tpu.memref_slice %arg16[%dma_start3A_277, %dma_start3A_278] : memref<5248x128xf32, #tpu.memory_space<vmem_shared>> -> memref<5248x128xf32, #tpu.memory_space<vmem_shared>>
      tpu.enqueue_indirect_dma source(%dma_start3A_275 : memref<64x128xf32, #tpu.memory_space<vmem>>) target(%dma_start3A_279 : memref<5248x128xf32, #tpu.memory_space<vmem_shared>>) offsets(%dma_start3A_276 : memref<64xi32, #tpu.memory_space<vmem>>) semaphore(%arg20 : memref<!tpu.dma_semaphore, #tpu.memory_space<semaphore_mem>>) {add = true}
      %mul3A_280 = arith.constant 128 : i32
      %mul3A_281 = arith.muli %add3A_242, %mul3A_280 : i32
      %add3A_282 = arith.constant 64 : i32
      %add3A_283 = arith.addi %mul3A_281, %add3A_282 : i32
      %multiple_of3A_284 = tpu.assume_multiple %add3A_283, 64 : i32
      %dma_start3A_285 = arith.constant 64 : i32
      %dma_start3A_286 = arith.constant 0 : i32
      %dma_start3A_287 = tpu.memref_slice %arg12[%rem3A_244, %dma_start3A_285, %dma_start3A_286] : memref<2x128x128xf32, #tpu.memory_space<vmem>> -> memref<1x64x128xf32, #tpu.memory_space<vmem>>
      %dma_start3A_288 = tpu.memref_squeeze %dma_start3A_287 : memref<1x64x128xf32, #tpu.memory_space<vmem>> -> memref<64x128xf32, #tpu.memory_space<vmem>>
      %dma_start3A_289 = tpu.memref_slice %arg11[%multiple_of3A_284] : memref<20256xi32, #tpu.memory_space<vmem>> -> memref<64xi32, #tpu.memory_space<vmem>>
      %dma_start3A_290 = arith.constant 0 : i32
      %dma_start3A_291 = arith.constant 0 : i32
      %dma_start3A_292 = tpu.memref_slice %arg16[%dma_start3A_290, %dma_start3A_291] : memref<5248x128xf32, #tpu.memory_space<vmem_shared>> -> memref<5248x128xf32, #tpu.memory_space<vmem_shared>>
      tpu.enqueue_indirect_dma source(%dma_start3A_288 : memref<64x128xf32, #tpu.memory_space<vmem>>) target(%dma_start3A_292 : memref<5248x128xf32, #tpu.memory_space<vmem_shared>>) offsets(%dma_start3A_289 : memref<64xi32, #tpu.memory_space<vmem>>) semaphore(%arg20 : memref<!tpu.dma_semaphore, #tpu.memory_space<semaphore_mem>>) {add = true}
      %mul3A_293 = arith.constant 128 : i32
      %mul3A_294 = arith.muli %add3A_242, %mul3A_293 : i32
      %add3A_295 = arith.constant 0 : i32
      %add3A_296 = arith.addi %mul3A_294, %add3A_295 : i32
      %multiple_of3A_297 = tpu.assume_multiple %add3A_296, 64 : i32
      %dma_wait3A_298 = arith.constant 0 : i32
      %dma_wait3A_299 = arith.constant 0 : i32
      %dma_wait3A_300 = tpu.memref_slice %arg12[%rem3A_244, %dma_wait3A_298, %dma_wait3A_299] : memref<2x128x128xf32, #tpu.memory_space<vmem>> -> memref<1x64x128xf32, #tpu.memory_space<vmem>>
      %dma_wait3A_301 = tpu.memref_squeeze %dma_wait3A_300 : memref<1x64x128xf32, #tpu.memory_space<vmem>> -> memref<64x128xf32, #tpu.memory_space<vmem>>
      %dma_wait3A_302 = tpu.memref_slice %arg11[%multiple_of3A_297] : memref<20256xi32, #tpu.memory_space<vmem>> -> memref<64xi32, #tpu.memory_space<vmem>>
      %dma_wait3A_303 = arith.constant 0 : i32
      %dma_wait3A_304 = arith.constant 0 : i32
      %dma_wait3A_305 = tpu.memref_slice %arg16[%dma_wait3A_303, %dma_wait3A_304] : memref<5248x128xf32, #tpu.memory_space<vmem_shared>> -> memref<5248x128xf32, #tpu.memory_space<vmem_shared>>
      tpu.wait_indirect_dma semaphore(%arg20 : memref<!tpu.dma_semaphore, #tpu.memory_space<semaphore_mem>>) src(%dma_wait3A_301 : memref<64x128xf32, #tpu.memory_space<vmem>>) dst(%dma_wait3A_305 : memref<5248x128xf32, #tpu.memory_space<vmem_shared>>)
      %mul3A_306 = arith.constant 128 : i32
      %mul3A_307 = arith.muli %add3A_242, %mul3A_306 : i32
      %add3A_308 = arith.constant 64 : i32
      %add3A_309 = arith.addi %mul3A_307, %add3A_308 : i32
      %multiple_of3A_310 = tpu.assume_multiple %add3A_309, 64 : i32
      %dma_wait3A_311 = arith.constant 64 : i32
      %dma_wait3A_312 = arith.constant 0 : i32
      %dma_wait3A_313 = tpu.memref_slice %arg12[%rem3A_244, %dma_wait3A_311, %dma_wait3A_312] : memref<2x128x128xf32, #tpu.memory_space<vmem>> -> memref<1x64x128xf32, #tpu.memory_space<vmem>>
      %dma_wait3A_314 = tpu.memref_squeeze %dma_wait3A_313 : memref<1x64x128xf32, #tpu.memory_space<vmem>> -> memref<64x128xf32, #tpu.memory_space<vmem>>
      %dma_wait3A_315 = tpu.memref_slice %arg11[%multiple_of3A_310] : memref<20256xi32, #tpu.memory_space<vmem>> -> memref<64xi32, #tpu.memory_space<vmem>>
      %dma_wait3A_316 = arith.constant 0 : i32
      %dma_wait3A_317 = arith.constant 0 : i32
      %dma_wait3A_318 = tpu.memref_slice %arg16[%dma_wait3A_316, %dma_wait3A_317] : memref<5248x128xf32, #tpu.memory_space<vmem_shared>> -> memref<5248x128xf32, #tpu.memory_space<vmem_shared>>
      tpu.wait_indirect_dma semaphore(%arg20 : memref<!tpu.dma_semaphore, #tpu.memory_space<semaphore_mem>>) src(%dma_wait3A_314 : memref<64x128xf32, #tpu.memory_space<vmem>>) dst(%dma_wait3A_318 : memref<5248x128xf32, #tpu.memory_space<vmem_shared>>)
      %ge3A = arith.constant 1 : i32
      %ge3A_319 = arith.cmpi sge, %add3A_242, %ge3A : i32
      %convert_element_type3A_320 = arith.extui %ge3A_319 : i1 to i32
      %cond3A_321 = arith.constant 0 : i32
      %cond3A_322 = arith.cmpi ne, %convert_element_type3A_320, %cond3A_321 : i32
      scf.if %cond3A_322 {
        %sub3A_323 = arith.constant 1 : i32
        %sub3A_324 = arith.subi %add3A_242, %sub3A_323 : i32
        %mul3A_325 = arith.constant 128 : i32
        %mul3A_326 = arith.muli %sub3A_324, %mul3A_325 : i32
        %multiple_of3A_327 = tpu.assume_multiple %mul3A_326, 128 : i32
        %dma_wait3A_328 = tpu.memref_slice %arg11[%multiple_of3A_327] : memref<20256xi32, #tpu.memory_space<vmem>> -> memref<128xi32, #tpu.memory_space<vmem>>
        %dma_wait3A_329 = arith.constant 0 : i32
        %dma_wait3A_330 = arith.constant 0 : i32
        %dma_wait3A_331 = tpu.memref_slice %arg17[%dma_wait3A_329, %dma_wait3A_330] : memref<5248x16xf32, #tpu.memory_space<vmem_shared>> -> memref<5248x16xf32, #tpu.memory_space<vmem_shared>>
        tpu.wait_indirect_dma semaphore(%arg19 : memref<!tpu.dma_semaphore, #tpu.memory_space<semaphore_mem>>) src(%arg13 : memref<128x16xf32, #tpu.memory_space<vmem>>) dst(%dma_wait3A_331 : memref<5248x16xf32, #tpu.memory_space<vmem_shared>>)
      } else {
      }
    }
    %gt3A_232 = arith.constant 0 : i32
    %gt3A_233 = arith.cmpi sgt, %div3A_211, %gt3A_232 : i32
    %convert_element_type3A_234 = arith.extui %gt3A_233 : i1 to i32
    %cond3A_235 = arith.constant 0 : i32
    %cond3A_236 = arith.cmpi ne, %convert_element_type3A_234, %cond3A_235 : i32
    scf.if %cond3A_236 {
      %sub3A_240 = arith.constant 1 : i32
      %sub3A_241 = arith.subi %div3A_211, %sub3A_240 : i32
      %mul3A_242 = arith.constant 128 : i32
      %mul3A_243 = arith.muli %sub3A_241, %mul3A_242 : i32
      %multiple_of3A = tpu.assume_multiple %mul3A_243, 128 : i32
      %dma_wait3A_244 = tpu.memref_slice %arg11[%multiple_of3A] : memref<20256xi32, #tpu.memory_space<vmem>> -> memref<128xi32, #tpu.memory_space<vmem>>
      %dma_wait3A_245 = arith.constant 0 : i32
      %dma_wait3A_246 = arith.constant 0 : i32
      %dma_wait3A_247 = tpu.memref_slice %arg17[%dma_wait3A_245, %dma_wait3A_246] : memref<5248x16xf32, #tpu.memory_space<vmem_shared>> -> memref<5248x16xf32, #tpu.memory_space<vmem_shared>>
      tpu.wait_indirect_dma semaphore(%arg19 : memref<!tpu.dma_semaphore, #tpu.memory_space<semaphore_mem>>) src(%arg13 : memref<128x16xf32, #tpu.memory_space<vmem>>) dst(%dma_wait3A_247 : memref<5248x16xf32, #tpu.memory_space<vmem_shared>>)
    } else {
    }
    %barrier3A_237 = arith.constant 0 : index
    tpu.barrier barrier_id(%barrier3A_237)
    %mul3A_238 = arith.constant 320 : i32
    %mul3A_239 = arith.muli %arg1, %mul3A_238 : i32
    "tpu.region"() ({
      %run_scoped3A = tpu.sem_alloc : memref<!tpu.dma_semaphore, #tpu.memory_space<semaphore_mem>>
      %dma_start3A_240 = arith.constant 0 : i32
      %dma_start3A_241 = tpu.memref_slice %arg5[%arg0, %mul3A_239, %dma_start3A_240] : memref<2x5120x128xf32, #tpu.memory_space<hbm>> -> memref<1x320x128xf32, #tpu.memory_space<hbm>>
      %dma_start3A_242 = tpu.memref_squeeze %dma_start3A_241 : memref<1x320x128xf32, #tpu.memory_space<hbm>> -> memref<320x128xf32, #tpu.memory_space<hbm>>
      %dma_start3A_243 = arith.constant 0 : i32
      %dma_start3A_244 = tpu.memref_slice %arg16[%mul3A_239, %dma_start3A_243] : memref<5248x128xf32, #tpu.memory_space<vmem_shared>> -> memref<320x128xf32, #tpu.memory_space<vmem_shared>>
      tpu.enqueue_dma source(%dma_start3A_244 : memref<320x128xf32, #tpu.memory_space<vmem_shared>>) target(%dma_start3A_242 : memref<320x128xf32, #tpu.memory_space<hbm>>) target_semaphore(%run_scoped3A : memref<!tpu.dma_semaphore, #tpu.memory_space<semaphore_mem>>)
      %dma_wait3A_245 = arith.constant 0 : i32
      %dma_wait3A_246 = tpu.memref_slice %arg5[%arg0, %mul3A_239, %dma_wait3A_245] : memref<2x5120x128xf32, #tpu.memory_space<hbm>> -> memref<1x320x128xf32, #tpu.memory_space<hbm>>
      %dma_wait3A_247 = tpu.memref_squeeze %dma_wait3A_246 : memref<1x320x128xf32, #tpu.memory_space<hbm>> -> memref<320x128xf32, #tpu.memory_space<hbm>>
      %dma_wait3A_248 = arith.constant 0 : i32
      %dma_wait3A_249 = tpu.memref_slice %arg16[%mul3A_239, %dma_wait3A_248] : memref<5248x128xf32, #tpu.memory_space<vmem_shared>> -> memref<320x128xf32, #tpu.memory_space<vmem_shared>>
      tpu.wait_dma2 semaphore(%run_scoped3A : memref<!tpu.dma_semaphore, #tpu.memory_space<semaphore_mem>>) src(%dma_wait3A_249 : memref<320x128xf32, #tpu.memory_space<vmem_shared>>) dst(%dma_wait3A_247 : memref<320x128xf32, #tpu.memory_space<hbm>>)
      tpu.yield
    }) : () -> ()
    "tpu.region"() ({
      %run_scoped3A = tpu.sem_alloc : memref<!tpu.dma_semaphore, #tpu.memory_space<semaphore_mem>>
      %dma_start3A_240 = arith.constant 0 : i32
      %dma_start3A_241 = tpu.memref_slice %arg6[%arg0, %mul3A_239, %dma_start3A_240] : memref<2x5120x16xf32, #tpu.memory_space<hbm>> -> memref<1x320x16xf32, #tpu.memory_space<hbm>>
      %dma_start3A_242 = tpu.memref_squeeze %dma_start3A_241 : memref<1x320x16xf32, #tpu.memory_space<hbm>> -> memref<320x16xf32, #tpu.memory_space<hbm>>
      %dma_start3A_243 = arith.constant 0 : i32
      %dma_start3A_244 = tpu.memref_slice %arg17[%mul3A_239, %dma_start3A_243] : memref<5248x16xf32, #tpu.memory_space<vmem_shared>> -> memref<320x16xf32, #tpu.memory_space<vmem_shared>>
      tpu.enqueue_dma source(%dma_start3A_244 : memref<320x16xf32, #tpu.memory_space<vmem_shared>>) target(%dma_start3A_242 : memref<320x16xf32, #tpu.memory_space<hbm>>) target_semaphore(%run_scoped3A : memref<!tpu.dma_semaphore, #tpu.memory_space<semaphore_mem>>)
      %dma_wait3A_245 = arith.constant 0 : i32
      %dma_wait3A_246 = tpu.memref_slice %arg6[%arg0, %mul3A_239, %dma_wait3A_245] : memref<2x5120x16xf32, #tpu.memory_space<hbm>> -> memref<1x320x16xf32, #tpu.memory_space<hbm>>
      %dma_wait3A_247 = tpu.memref_squeeze %dma_wait3A_246 : memref<1x320x16xf32, #tpu.memory_space<hbm>> -> memref<320x16xf32, #tpu.memory_space<hbm>>
      %dma_wait3A_248 = arith.constant 0 : i32
      %dma_wait3A_249 = tpu.memref_slice %arg17[%mul3A_239, %dma_wait3A_248] : memref<5248x16xf32, #tpu.memory_space<vmem_shared>> -> memref<320x16xf32, #tpu.memory_space<vmem_shared>>
      tpu.wait_dma2 semaphore(%run_scoped3A : memref<!tpu.dma_semaphore, #tpu.memory_space<semaphore_mem>>) src(%dma_wait3A_249 : memref<320x16xf32, #tpu.memory_space<vmem_shared>>) dst(%dma_wait3A_247 : memref<320x16xf32, #tpu.memory_space<hbm>>)
      tpu.yield
    }) : () -> ()
    return
  }
}

module attributes {stable_mosaic.version = 14 : i64} {
  func.func @_tc_body(%arg0: i32, %arg1: memref<1x1280x128xf32, #tpu.memory_space<vmem>>, %arg2: memref<1x1280x16xf32, #tpu.memory_space<vmem>>, %arg3: memref<1280x128xf32, #tpu.memory_space<vmem>>, %arg4: memref<128x128xf32, #tpu.memory_space<vmem>>, %arg5: memref<1x128xf32, #tpu.memory_space<vmem>>, %arg6: memref<128x128xf32, #tpu.memory_space<vmem>>, %arg7: memref<1280x128xf32, #tpu.memory_space<vmem>>) attributes {dimension_semantics = [#tpu.dimension_semantics<arbitrary>], iteration_bounds = array<i64: 8>, scalar_prefetch = 0 : i64, scratch_operands = 0 : i64, tpu.core_type = #tpu.core_type<tc>, window_params = [{transform_indices = @transform_0, window_bounds = array<i64: 1, 1280, 128>}, {transform_indices = @transform_1, window_bounds = array<i64: 1, 1280, 16>}, {transform_indices = @transform_2, window_bounds = array<i64: 1280, 128>}, {pipeline_mode = #tpu.pipeline_mode<synchronous>, transform_indices = @transform_3, window_bounds = array<i64: 128, 128>}, {pipeline_mode = #tpu.pipeline_mode<synchronous>, transform_indices = @transform_4, window_bounds = array<i64: 1, 128>}, {pipeline_mode = #tpu.pipeline_mode<synchronous>, transform_indices = @transform_5, window_bounds = array<i64: 128, 128>}, {transform_indices = @transform_6, window_bounds = array<i64: 1280, 128>}]} {
    %get3A = arith.constant 0 : index
    %get3A_0 = arith.constant 0 : index
    %get3A_1 = arith.constant 0 : index
    %get3A_2 = vector.load %arg2[%get3A, %get3A_0, %get3A_1] : memref<1x1280x16xf32, #tpu.memory_space<vmem>>, vector<1x1280x1xf32>
    %get3A_3 = vector.shape_cast %get3A_2 : vector<1x1280x1xf32> to vector<1280x1xf32>
    %get3A_4 = arith.constant 0 : index
    %get3A_5 = arith.constant 0 : index
    %get3A_6 = arith.constant 0 : index
    %get3A_7 = vector.load %arg1[%get3A_4, %get3A_5, %get3A_6] : memref<1x1280x128xf32, #tpu.memory_space<vmem>>, vector<1x1280x128xf32>
    %get3A_8 = vector.shape_cast %get3A_7 : vector<1x1280x128xf32> to vector<1280x128xf32>
    %max3A = arith.constant 1.000000e+00 : f32
    %max3A_9 = vector.broadcast %max3A : f32 to vector<1280x1xf32>
    %max3A_10 = arith.maximumf %get3A_3, %max3A_9 : vector<1280x1xf32>
    %div3A = vector.broadcast %max3A_10 : vector<1280x1xf32> to vector<1280x128xf32>
    %div3A_11 = arith.divf %get3A_8, %div3A : vector<1280x128xf32>
    %get3A_12 = arith.constant 0 : index
    %get3A_13 = arith.constant 0 : index
    %get3A_14 = vector.load %arg4[%get3A_12, %get3A_13] : memref<128x128xf32, #tpu.memory_space<vmem>>, vector<128x128xf32>
    %dot_general3A = arith.constant dense<0.000000e+00> : vector<1280x128xf32>
    %dot_general3A_15 = tpu.matmul %div3A_11, %get3A_14, %dot_general3A {dimension_numbers = #tpu.dot_dimension_numbers<[1], [1], [0], [0], [0, 0, 1, 0], [], []>, transpose_lhs_hint = false} : vector<1280x128xf32>, vector<128x128xf32>, vector<1280x128xf32> -> vector<1280x128xf32>
    %get3A_16 = arith.constant 0 : index
    %get3A_17 = arith.constant 0 : index
    %get3A_18 = vector.load %arg3[%get3A_16, %get3A_17] : memref<1280x128xf32, #tpu.memory_space<vmem>>, vector<1280x128xf32>
    %get3A_19 = arith.constant 0 : index
    %get3A_20 = arith.constant 0 : index
    %get3A_21 = vector.load %arg6[%get3A_19, %get3A_20] : memref<128x128xf32, #tpu.memory_space<vmem>>, vector<128x128xf32>
    %dot_general3A_22 = arith.constant dense<0.000000e+00> : vector<1280x128xf32>
    %dot_general3A_23 = tpu.matmul %get3A_18, %get3A_21, %dot_general3A_22 {dimension_numbers = #tpu.dot_dimension_numbers<[1], [1], [0], [0], [0, 0, 1, 0], [], []>, transpose_lhs_hint = false} : vector<1280x128xf32>, vector<128x128xf32>, vector<1280x128xf32> -> vector<1280x128xf32>
    %add3A = arith.addf %dot_general3A_15, %dot_general3A_23 : vector<1280x128xf32>
    %get3A_24 = arith.constant 0 : index
    %get3A_25 = arith.constant 0 : index
    %get3A_26 = vector.load %arg5[%get3A_24, %get3A_25] : memref<1x128xf32, #tpu.memory_space<vmem>>, vector<1x128xf32>
    %add3A_27 = vector.broadcast %get3A_26 : vector<1x128xf32> to vector<1280x128xf32>
    %add3A_28 = arith.addf %add3A, %add3A_27 : vector<1280x128xf32>
    %max3A_29 = arith.constant 0.000000e+00 : f32
    %max3A_30 = vector.broadcast %max3A_29 : f32 to vector<1280x128xf32>
    %max3A_31 = arith.maximumf %add3A_28, %max3A_30 : vector<1280x128xf32>
    %swap3A = arith.constant 0 : index
    %swap3A_32 = arith.constant 0 : index
    %swap3A_33 = vector.load %arg7[%swap3A, %swap3A_32] : memref<1280x128xf32, #tpu.memory_space<vmem>>, vector<1280x128xf32>
    tpu.vector_store %arg7[%swap3A, %swap3A_32], %max3A_31 {strides = array<i32>} : memref<1280x128xf32, #tpu.memory_space<vmem>>, vector<1280x128xf32>,
    return
  }
  func.func @transform_0(%arg0: i32) -> (i32, i32, i32) {
    %jit3A = arith.constant 4 : i32
    %div3A = arith.divsi %arg0, %jit3A : i32
    %sign3A = arith.constant 0 : i32
    %sign3A_0 = arith.cmpi sgt, %arg0, %sign3A : i32
    %sign3A_1 = arith.extui %sign3A_0 : i1 to i32
    %sign3A_2 = arith.constant 0 : i32
    %sign3A_3 = arith.cmpi slt, %arg0, %sign3A_2 : i32
    %sign3A_4 = arith.extui %sign3A_3 : i1 to i32
    %sign3A_5 = arith.subi %sign3A_1, %sign3A_4 : i32
    %sign3A_6 = arith.constant 0 : i32
    %sign3A_7 = arith.cmpi sgt, %jit3A, %sign3A_6 : i32
    %sign3A_8 = arith.extui %sign3A_7 : i1 to i32
    %sign3A_9 = arith.constant 0 : i32
    %sign3A_10 = arith.cmpi slt, %jit3A, %sign3A_9 : i32
    %sign3A_11 = arith.extui %sign3A_10 : i1 to i32
    %sign3A_12 = arith.subi %sign3A_8, %sign3A_11 : i32
    %ne3A = arith.cmpi ne, %sign3A_5, %sign3A_12 : i32
    %rem3A = arith.remsi %arg0, %jit3A : i32
    %ne3A_13 = arith.constant 0 : i32
    %ne3A_14 = arith.cmpi ne, %rem3A, %ne3A_13 : i32
    %and3A = arith.andi %ne3A, %ne3A_14 : i1
    %sub3A = arith.constant 1 : i32
    %sub3A_15 = arith.subi %div3A, %sub3A : i32
    %select_n3A = arith.select %and3A, %sub3A_15, %div3A : i32
    %jit3A_16 = arith.constant 4 : i32
    %eq3A = arith.constant 0 : i32
    %eq3A_17 = arith.cmpi eq, %jit3A_16, %eq3A : i32
    %jit3A_18 = arith.constant 1 : i32
    %select_n3A_19 = arith.select %eq3A_17, %jit3A_18, %jit3A_16 : i32
    %rem3A_20 = arith.remsi %arg0, %select_n3A_19 : i32
    %ne3A_21 = arith.constant 0 : i32
    %ne3A_22 = arith.cmpi ne, %rem3A_20, %ne3A_21 : i32
    %lt3A = arith.constant 0 : i32
    %lt3A_23 = arith.cmpi slt, %rem3A_20, %lt3A : i32
    %lt3A_24 = arith.constant 0 : i32
    %lt3A_25 = arith.cmpi slt, %select_n3A_19, %lt3A_24 : i32
    %ne3A_26 = arith.xori %lt3A_23, %lt3A_25 : i1
    %and3A_27 = arith.andi %ne3A_26, %ne3A_22 : i1
    %add3A = arith.addi %rem3A_20, %select_n3A_19 : i32
    %select_n3A_28 = arith.select %and3A_27, %add3A, %rem3A_20 : i32
    %c0_i32 = arith.constant 0 : i32
    %c0_i32_29 = arith.constant 0 : i32
    return %select_n3A, %select_n3A_28, %c0_i32 : i32, i32, i32
  }
  func.func @transform_1(%arg0: i32) -> (i32, i32, i32) {
    %jit3A = arith.constant 4 : i32
    %div3A = arith.divsi %arg0, %jit3A : i32
    %sign3A = arith.constant 0 : i32
    %sign3A_0 = arith.cmpi sgt, %arg0, %sign3A : i32
    %sign3A_1 = arith.extui %sign3A_0 : i1 to i32
    %sign3A_2 = arith.constant 0 : i32
    %sign3A_3 = arith.cmpi slt, %arg0, %sign3A_2 : i32
    %sign3A_4 = arith.extui %sign3A_3 : i1 to i32
    %sign3A_5 = arith.subi %sign3A_1, %sign3A_4 : i32
    %sign3A_6 = arith.constant 0 : i32
    %sign3A_7 = arith.cmpi sgt, %jit3A, %sign3A_6 : i32
    %sign3A_8 = arith.extui %sign3A_7 : i1 to i32
    %sign3A_9 = arith.constant 0 : i32
    %sign3A_10 = arith.cmpi slt, %jit3A, %sign3A_9 : i32
    %sign3A_11 = arith.extui %sign3A_10 : i1 to i32
    %sign3A_12 = arith.subi %sign3A_8, %sign3A_11 : i32
    %ne3A = arith.cmpi ne, %sign3A_5, %sign3A_12 : i32
    %rem3A = arith.remsi %arg0, %jit3A : i32
    %ne3A_13 = arith.constant 0 : i32
    %ne3A_14 = arith.cmpi ne, %rem3A, %ne3A_13 : i32
    %and3A = arith.andi %ne3A, %ne3A_14 : i1
    %sub3A = arith.constant 1 : i32
    %sub3A_15 = arith.subi %div3A, %sub3A : i32
    %select_n3A = arith.select %and3A, %sub3A_15, %div3A : i32
    %jit3A_16 = arith.constant 4 : i32
    %eq3A = arith.constant 0 : i32
    %eq3A_17 = arith.cmpi eq, %jit3A_16, %eq3A : i32
    %jit3A_18 = arith.constant 1 : i32
    %select_n3A_19 = arith.select %eq3A_17, %jit3A_18, %jit3A_16 : i32
    %rem3A_20 = arith.remsi %arg0, %select_n3A_19 : i32
    %ne3A_21 = arith.constant 0 : i32
    %ne3A_22 = arith.cmpi ne, %rem3A_20, %ne3A_21 : i32
    %lt3A = arith.constant 0 : i32
    %lt3A_23 = arith.cmpi slt, %rem3A_20, %lt3A : i32
    %lt3A_24 = arith.constant 0 : i32
    %lt3A_25 = arith.cmpi slt, %select_n3A_19, %lt3A_24 : i32
    %ne3A_26 = arith.xori %lt3A_23, %lt3A_25 : i1
    %and3A_27 = arith.andi %ne3A_26, %ne3A_22 : i1
    %add3A = arith.addi %rem3A_20, %select_n3A_19 : i32
    %select_n3A_28 = arith.select %and3A_27, %add3A, %rem3A_20 : i32
    %c0_i32 = arith.constant 0 : i32
    %c0_i32_29 = arith.constant 0 : i32
    return %select_n3A, %select_n3A_28, %c0_i32 : i32, i32, i32
  }
  func.func @transform_2(%arg0: i32) -> (i32, i32) {
    %c0_i32 = arith.constant 0 : i32
    %c0_i32_0 = arith.constant 0 : i32
    return %arg0, %c0_i32 : i32, i32
  }
  func.func @transform_3(%arg0: i32) -> (i32, i32) {
    %c0_i32 = arith.constant 0 : i32
    %c0_i32_0 = arith.constant 0 : i32
    %c0_i32_1 = arith.constant 0 : i32
    return %c0_i32, %c0_i32_0 : i32, i32
  }
  func.func @transform_4(%arg0: i32) -> (i32, i32) {
    %c0_i32 = arith.constant 0 : i32
    %c0_i32_0 = arith.constant 0 : i32
    %c0_i32_1 = arith.constant 0 : i32
    return %c0_i32, %c0_i32_0 : i32, i32
  }
  func.func @transform_5(%arg0: i32) -> (i32, i32) {
    %c0_i32 = arith.constant 0 : i32
    %c0_i32_0 = arith.constant 0 : i32
    %c0_i32_1 = arith.constant 0 : i32
    return %c0_i32, %c0_i32_0 : i32, i32
  }
  func.func @transform_6(%arg0: i32) -> (i32, i32) {
    %c0_i32 = arith.constant 0 : i32
    %c0_i32_0 = arith.constant 0 : i32
    return %arg0, %c0_i32 : i32, i32
  }
}

module attributes {stable_mosaic.version = 14 : i64} {
  func.func @_tc_body(%arg0: i32, %arg1: memref<1x1280x128xf32, #tpu.memory_space<vmem>>, %arg2: memref<1x1280x16xf32, #tpu.memory_space<vmem>>, %arg3: memref<1280x128xf32, #tpu.memory_space<vmem>>, %arg4: memref<128x128xf32, #tpu.memory_space<vmem>>, %arg5: memref<1x128xf32, #tpu.memory_space<vmem>>, %arg6: memref<128x128xf32, #tpu.memory_space<vmem>>, %arg7: memref<1280x128xf32, #tpu.memory_space<vmem>>) attributes {dimension_semantics = [#tpu.dimension_semantics<arbitrary>], iteration_bounds = array<i64: 8>, scalar_prefetch = 0 : i64, scratch_operands = 0 : i64, tpu.core_type = #tpu.core_type<tc>, window_params = [{transform_indices = @transform_0, window_bounds = array<i64: 1, 1280, 128>}, {transform_indices = @transform_1, window_bounds = array<i64: 1, 1280, 16>}, {transform_indices = @transform_2, window_bounds = array<i64: 1280, 128>}, {pipeline_mode = #tpu.pipeline_mode<synchronous>, transform_indices = @transform_3, window_bounds = array<i64: 128, 128>}, {pipeline_mode = #tpu.pipeline_mode<synchronous>, transform_indices = @transform_4, window_bounds = array<i64: 1, 128>}, {pipeline_mode = #tpu.pipeline_mode<synchronous>, transform_indices = @transform_5, window_bounds = array<i64: 128, 128>}, {transform_indices = @transform_6, window_bounds = array<i64: 1280, 128>}]} {
    %get3A = arith.constant 0 : index
    %get3A_0 = arith.constant 0 : index
    %get3A_1 = arith.constant 0 : index
    %get3A_2 = vector.load %arg2[%get3A, %get3A_0, %get3A_1] : memref<1x1280x16xf32, #tpu.memory_space<vmem>>, vector<1x1280x1xf32>
    %get3A_3 = vector.shape_cast %get3A_2 : vector<1x1280x1xf32> to vector<1280x1xf32>
    %get3A_4 = arith.constant 0 : index
    %get3A_5 = arith.constant 0 : index
    %get3A_6 = arith.constant 0 : index
    %get3A_7 = vector.load %arg1[%get3A_4, %get3A_5, %get3A_6] : memref<1x1280x128xf32, #tpu.memory_space<vmem>>, vector<1x1280x128xf32>
    %get3A_8 = vector.shape_cast %get3A_7 : vector<1x1280x128xf32> to vector<1280x128xf32>
    %max3A = arith.constant 1.000000e+00 : f32
    %max3A_9 = vector.broadcast %max3A : f32 to vector<1280x1xf32>
    %max3A_10 = arith.maximumf %get3A_3, %max3A_9 : vector<1280x1xf32>
    %div3A = vector.broadcast %max3A_10 : vector<1280x1xf32> to vector<1280x128xf32>
    %div3A_11 = arith.divf %get3A_8, %div3A : vector<1280x128xf32>
    %get3A_12 = arith.constant 0 : index
    %get3A_13 = arith.constant 0 : index
    %get3A_14 = vector.load %arg4[%get3A_12, %get3A_13] : memref<128x128xf32, #tpu.memory_space<vmem>>, vector<128x128xf32>
    %dot_general3A = arith.constant dense<0.000000e+00> : vector<1280x128xf32>
    %dot_general3A_15 = tpu.matmul %div3A_11, %get3A_14, %dot_general3A {dimension_numbers = #tpu.dot_dimension_numbers<[1], [1], [0], [0], [0, 0, 1, 0], [], []>, transpose_lhs_hint = false} : vector<1280x128xf32>, vector<128x128xf32>, vector<1280x128xf32> -> vector<1280x128xf32>
    %get3A_16 = arith.constant 0 : index
    %get3A_17 = arith.constant 0 : index
    %get3A_18 = vector.load %arg3[%get3A_16, %get3A_17] : memref<1280x128xf32, #tpu.memory_space<vmem>>, vector<1280x128xf32>
    %get3A_19 = arith.constant 0 : index
    %get3A_20 = arith.constant 0 : index
    %get3A_21 = vector.load %arg6[%get3A_19, %get3A_20] : memref<128x128xf32, #tpu.memory_space<vmem>>, vector<128x128xf32>
    %dot_general3A_22 = arith.constant dense<0.000000e+00> : vector<1280x128xf32>
    %dot_general3A_23 = tpu.matmul %get3A_18, %get3A_21, %dot_general3A_22 {dimension_numbers = #tpu.dot_dimension_numbers<[1], [1], [0], [0], [0, 0, 1, 0], [], []>, transpose_lhs_hint = false} : vector<1280x128xf32>, vector<128x128xf32>, vector<1280x128xf32> -> vector<1280x128xf32>
    %add3A = arith.addf %dot_general3A_15, %dot_general3A_23 : vector<1280x128xf32>
    %get3A_24 = arith.constant 0 : index
    %get3A_25 = arith.constant 0 : index
    %get3A_26 = vector.load %arg5[%get3A_24, %get3A_25] : memref<1x128xf32, #tpu.memory_space<vmem>>, vector<1x128xf32>
    %add3A_27 = vector.broadcast %get3A_26 : vector<1x128xf32> to vector<1280x128xf32>
    %add3A_28 = arith.addf %add3A, %add3A_27 : vector<1280x128xf32>
    %max3A_29 = arith.constant 0.000000e+00 : f32
    %max3A_30 = vector.broadcast %max3A_29 : f32 to vector<1280x128xf32>
    %max3A_31 = arith.maximumf %add3A_28, %max3A_30 : vector<1280x128xf32>
    %swap3A = arith.constant 0 : index
    %swap3A_32 = arith.constant 0 : index
    %swap3A_33 = vector.load %arg7[%swap3A, %swap3A_32] : memref<1280x128xf32, #tpu.memory_space<vmem>>, vector<1280x128xf32>
    tpu.vector_store %arg7[%swap3A, %swap3A_32], %max3A_31 {strides = array<i32>} : memref<1280x128xf32, #tpu.memory_space<vmem>>, vector<1280x128xf32>,
    return
  }
  func.func @transform_0(%arg0: i32) -> (i32, i32, i32) {
    %jit3A = arith.constant 4 : i32
    %div3A = arith.divsi %arg0, %jit3A : i32
    %sign3A = arith.constant 0 : i32
    %sign3A_0 = arith.cmpi sgt, %arg0, %sign3A : i32
    %sign3A_1 = arith.extui %sign3A_0 : i1 to i32
    %sign3A_2 = arith.constant 0 : i32
    %sign3A_3 = arith.cmpi slt, %arg0, %sign3A_2 : i32
    %sign3A_4 = arith.extui %sign3A_3 : i1 to i32
    %sign3A_5 = arith.subi %sign3A_1, %sign3A_4 : i32
    %sign3A_6 = arith.constant 0 : i32
    %sign3A_7 = arith.cmpi sgt, %jit3A, %sign3A_6 : i32
    %sign3A_8 = arith.extui %sign3A_7 : i1 to i32
    %sign3A_9 = arith.constant 0 : i32
    %sign3A_10 = arith.cmpi slt, %jit3A, %sign3A_9 : i32
    %sign3A_11 = arith.extui %sign3A_10 : i1 to i32
    %sign3A_12 = arith.subi %sign3A_8, %sign3A_11 : i32
    %ne3A = arith.cmpi ne, %sign3A_5, %sign3A_12 : i32
    %rem3A = arith.remsi %arg0, %jit3A : i32
    %ne3A_13 = arith.constant 0 : i32
    %ne3A_14 = arith.cmpi ne, %rem3A, %ne3A_13 : i32
    %and3A = arith.andi %ne3A, %ne3A_14 : i1
    %sub3A = arith.constant 1 : i32
    %sub3A_15 = arith.subi %div3A, %sub3A : i32
    %select_n3A = arith.select %and3A, %sub3A_15, %div3A : i32
    %jit3A_16 = arith.constant 4 : i32
    %eq3A = arith.constant 0 : i32
    %eq3A_17 = arith.cmpi eq, %jit3A_16, %eq3A : i32
    %jit3A_18 = arith.constant 1 : i32
    %select_n3A_19 = arith.select %eq3A_17, %jit3A_18, %jit3A_16 : i32
    %rem3A_20 = arith.remsi %arg0, %select_n3A_19 : i32
    %ne3A_21 = arith.constant 0 : i32
    %ne3A_22 = arith.cmpi ne, %rem3A_20, %ne3A_21 : i32
    %lt3A = arith.constant 0 : i32
    %lt3A_23 = arith.cmpi slt, %rem3A_20, %lt3A : i32
    %lt3A_24 = arith.constant 0 : i32
    %lt3A_25 = arith.cmpi slt, %select_n3A_19, %lt3A_24 : i32
    %ne3A_26 = arith.xori %lt3A_23, %lt3A_25 : i1
    %and3A_27 = arith.andi %ne3A_26, %ne3A_22 : i1
    %add3A = arith.addi %rem3A_20, %select_n3A_19 : i32
    %select_n3A_28 = arith.select %and3A_27, %add3A, %rem3A_20 : i32
    %c0_i32 = arith.constant 0 : i32
    %c0_i32_29 = arith.constant 0 : i32
    return %select_n3A, %select_n3A_28, %c0_i32 : i32, i32, i32
  }
  func.func @transform_1(%arg0: i32) -> (i32, i32, i32) {
    %jit3A = arith.constant 4 : i32
    %div3A = arith.divsi %arg0, %jit3A : i32
    %sign3A = arith.constant 0 : i32
    %sign3A_0 = arith.cmpi sgt, %arg0, %sign3A : i32
    %sign3A_1 = arith.extui %sign3A_0 : i1 to i32
    %sign3A_2 = arith.constant 0 : i32
    %sign3A_3 = arith.cmpi slt, %arg0, %sign3A_2 : i32
    %sign3A_4 = arith.extui %sign3A_3 : i1 to i32
    %sign3A_5 = arith.subi %sign3A_1, %sign3A_4 : i32
    %sign3A_6 = arith.constant 0 : i32
    %sign3A_7 = arith.cmpi sgt, %jit3A, %sign3A_6 : i32
    %sign3A_8 = arith.extui %sign3A_7 : i1 to i32
    %sign3A_9 = arith.constant 0 : i32
    %sign3A_10 = arith.cmpi slt, %jit3A, %sign3A_9 : i32
    %sign3A_11 = arith.extui %sign3A_10 : i1 to i32
    %sign3A_12 = arith.subi %sign3A_8, %sign3A_11 : i32
    %ne3A = arith.cmpi ne, %sign3A_5, %sign3A_12 : i32
    %rem3A = arith.remsi %arg0, %jit3A : i32
    %ne3A_13 = arith.constant 0 : i32
    %ne3A_14 = arith.cmpi ne, %rem3A, %ne3A_13 : i32
    %and3A = arith.andi %ne3A, %ne3A_14 : i1
    %sub3A = arith.constant 1 : i32
    %sub3A_15 = arith.subi %div3A, %sub3A : i32
    %select_n3A = arith.select %and3A, %sub3A_15, %div3A : i32
    %jit3A_16 = arith.constant 4 : i32
    %eq3A = arith.constant 0 : i32
    %eq3A_17 = arith.cmpi eq, %jit3A_16, %eq3A : i32
    %jit3A_18 = arith.constant 1 : i32
    %select_n3A_19 = arith.select %eq3A_17, %jit3A_18, %jit3A_16 : i32
    %rem3A_20 = arith.remsi %arg0, %select_n3A_19 : i32
    %ne3A_21 = arith.constant 0 : i32
    %ne3A_22 = arith.cmpi ne, %rem3A_20, %ne3A_21 : i32
    %lt3A = arith.constant 0 : i32
    %lt3A_23 = arith.cmpi slt, %rem3A_20, %lt3A : i32
    %lt3A_24 = arith.constant 0 : i32
    %lt3A_25 = arith.cmpi slt, %select_n3A_19, %lt3A_24 : i32
    %ne3A_26 = arith.xori %lt3A_23, %lt3A_25 : i1
    %and3A_27 = arith.andi %ne3A_26, %ne3A_22 : i1
    %add3A = arith.addi %rem3A_20, %select_n3A_19 : i32
    %select_n3A_28 = arith.select %and3A_27, %add3A, %rem3A_20 : i32
    %c0_i32 = arith.constant 0 : i32
    %c0_i32_29 = arith.constant 0 : i32
    return %select_n3A, %select_n3A_28, %c0_i32 : i32, i32, i32
  }
  func.func @transform_2(%arg0: i32) -> (i32, i32) {
    %c0_i32 = arith.constant 0 : i32
    %c0_i32_0 = arith.constant 0 : i32
    return %arg0, %c0_i32 : i32, i32
  }
  func.func @transform_3(%arg0: i32) -> (i32, i32) {
    %c0_i32 = arith.constant 0 : i32
    %c0_i32_0 = arith.constant 0 : i32
    %c0_i32_1 = arith.constant 0 : i32
    return %c0_i32, %c0_i32_0 : i32, i32
  }
  func.func @transform_4(%arg0: i32) -> (i32, i32) {
    %c0_i32 = arith.constant 0 : i32
    %c0_i32_0 = arith.constant 0 : i32
    %c0_i32_1 = arith.constant 0 : i32
    return %c0_i32, %c0_i32_0 : i32, i32
  }
  func.func @transform_5(%arg0: i32) -> (i32, i32) {
    %c0_i32 = arith.constant 0 : i32
    %c0_i32_0 = arith.constant 0 : i32
    %c0_i32_1 = arith.constant 0 : i32
    return %c0_i32, %c0_i32_0 : i32, i32
  }
  func.func @transform_6(%arg0: i32) -> (i32, i32) {
    %c0_i32 = arith.constant 0 : i32
    %c0_i32_0 = arith.constant 0 : i32
    return %arg0, %c0_i32 : i32, i32
  }
}

</mosaic_0001>

<sc_bundles>
// kernel: kernel.6.cloned.1.call-start
scs
__scs_entry_jumppad:
0x0: {  	(pc) =	sbr.rel $0x88, $3  }
0x1: {  	(tag) =	ssettag $0x0;
	lr =	simm.s32 $0x1  }
0x2: {  	[smem:$0x3F99] =	sst lr;
	_ =	strace $0xD0000000  }
0x3: {  	_ = 	snop  }
0x4: {  	_ = 	snop  }
0x5: {  	_ = 	snop  }
0x6: {  	_ = 	snop  }
0x7: {  	_ = 	snop  }
__scs_overlays_trampoline_lowered:
0x8: {  	[smem:$0x3FA8] =	sst s0  }
0x9: {  	[smem:$0x3FA9] =	sst s1  }
0xa: {  	[smem:$0x3FAA] =	sst s2  }
0xb: {  	[smem:$0x3FAB] =	sst s3  }
0xc: {  	[smem:$0x3FAC] =	sst s4  }
0xd: {  	[smem:$0x3FAD] =	sst s5  }
0xe: {  	[smem:$0x3FAE] =	sst s6  }
0xf: {  	[smem:$0x3FAF] =	sst s7  }
0x10: {  	[smem:$0x3FB0] =	sst s8  }
0x11: {  	[smem:$0x3FB1] =	sst s9;
	s0 =	simm.s32 @!p0 $0x0  }
0x12: {  	s1 =	sld [smem:$0x3F97];
	s0 =	simm.s32 @p0 $0x1  }
0x13: {  	[smem:$0x3FB2] =	sst s0;
	s0 =	simm.s32 @!p1 $0x0  }
0x14: {  	s2 =	sld [smem:$0x3F96];
	s0 =	simm.s32 @p1 $0x1  }
0x15: {  	[smem:$0x3FB3] =	sst s0;
	s0 =	simm.s32 @!p2 $0x0  }
0x16: {  	s3 =	sld [smem:$0x3FDB];
	s0 =	simm.s32 @p2 $0x1  }
0x17: {  	s4 =	simm.s32 $0x1BF5;
	[smem:$0x3FB5] =	sst s0  }
0x18: {  	s0 =	sld [smem:$0x3F98];
	_ =	swait.ge [sflag:s4], $0x0  }
0x19: {  	s7 =	sld [smem:$0x3F99]  }
0x1a: {  	s8 =	sadd.s32 $0xFFFFE003, lr  }
0x1b: {  	s9 =	sadd.s32 $0xFFFFFEF7, lr;
	s5 =	simm.s32 $0xFFFFFFFF;
	p2 =	slt.u32 s8, $0xFFFFF086  }
0x1c: {  	p1 =	slt.u32 s9, $0xF7A;
	s5 =	simm.s32 @!p2 $0x0  }
0x1d: {  	s5 =	simm.s32 @p1 $0x1;
	p0 =	seq.s32 s7, s2  }
0x1e: {  	s7 =	smul.u32 @!p0 $0xF7A, s2;
	p2 =	seq.s32 @!p0 s5, $0x0  }
0x1f: {  	s9 =	smul.u32 $0xF7A, s1;
	s8 =	simm.s32 @!p0 $0x1BF5;
	p2 =	por !p2, p0  }
0x20: {  	[sflag:s8] =	ssyncset.s32 @!p0 $0xFFFFF086;
	s6 =	sadd.s32 @!p0 s3, s7;
	s7 =	simm.s32 @!p0 $0x108  }
0x21: {  	s3 =	sadd.s32 s3, s9;
	s6 =	sadd.s32 @!p0 $0x88, s6;
	s7 =	simm.s32 @p2 $0x1082  }
0x22: {  	[simem:s7], [sflag:s8] =	dma.local @!p0 [hbm:s6], $0xF7A  }
0x23: {  	s9 =	sor.u32 $0xD0000000, s2;
	s6 =	simm.s32 $0x108;
	_ =	swait.ge @!p0 [sflag:s8], $0x0  }
0x24: {  	s3 =	sadd.s32 $0x88, s3;
	s6 =	simm.s32 @!p1 $0x1082;
	[sflag:s4] =	ssyncset.s32 $0xFFFFF086  }
0x25: {  	[simem:s6], [sflag:s4] =	dma.local [hbm:s3], $0xF7A  }
0x26: {  	[smem:$0x3F99] =	sst s1;
	(tag) =	ssettag s2;
	_ =	strace s9  }
0x27: {  	s1 =	sld [smem:$0x3FA9]  }
0x28: {  	s2 =	sld [smem:$0x3FAA]  }
0x29: {  	s4 =	sld [smem:$0x3FAC]  }
0x2a: {  	p0 =	seq.s32 s5, $0x0;
	s5 =	sld [smem:$0x3FAD]  }
0x2b: {  	s6 =	sld [smem:$0x3FAE]  }
0x2c: {  	s7 =	sld [smem:$0x3FAF]  }
0x2d: {  	s3 =	simm.s32 $0x108;
	s8 =	sld [smem:$0x3FB0]  }
0x2e: {  	s3 =	simm.s32 @!p0 $0x1082;
	s9 =	sld [smem:$0x3FB1]  }
0x2f: {  	lr =	sadd.s32 s0, s3;
	s0 =	sld [smem:$0x3FA8]  }
0x30: {  	s3 =	sld [smem:$0x3FAB]  }
0x31: {  	[smem:$0x3FB4] =	sst s10  }
0x32: {  	s10 =	sld [smem:$0x3FB2];
	_ =	sdelay $0x3  }
0x33: {  	p0 =	seq.s32 s10, $0x1;
	s10 =	sld [smem:$0x3FB4];
	_ =	sdelay $0x3  }
0x34: {  	[smem:$0x3FB4] =	sst s10  }
0x35: {  	s10 =	sld [smem:$0x3FB3];
	_ =	sdelay $0x3  }
0x36: {  	p1 =	seq.s32 s10, $0x1;
	s10 =	sld [smem:$0x3FB4];
	_ =	sdelay $0x3  }
0x37: {  	[smem:$0x3FB4] =	sst s10  }
0x38: {  	s10 =	sld [smem:$0x3FB5]  }
0x39: {  	_ = 	snop;
	(pc) =	sbr.ind lr, $3  }
0x3a: {  	_ = 	snop  }
0x3b: {  	_ = 	snop  }
0x3c: {  	p2 =	seq.s32 s10, $0x1;
	s10 =	sld [smem:$0x3FB4]  }
0x3d: {  	_ =	shalt  }
0x3e: {  	_ =	shalt  }
0x3f: {  	_ =	shalt  }
0x40: {  	_ =	shalt  }
0x41: {  	_ =	shalt  }
0x42: {  	_ =	shalt  }
0x43: {  	_ =	shalt  }
0x44: {  	_ =	shalt  }
0x45: {  	_ =	shalt  }
0x46: {  	_ =	shalt  }
0x47: {  	_ =	shalt  }
0x48: {  	_ =	shalt  }
0x49: {  	_ =	shalt  }
0x4a: {  	_ =	shalt  }
0x4b: {  	_ =	shalt  }
0x4c: {  	_ =	shalt  }
0x4d: {  	_ =	shalt  }
0x4e: {  	_ =	shalt  }
0x4f: {  	_ =	shalt  }
0x50: {  	_ =	shalt  }
0x51: {  	_ =	shalt  }
0x52: {  	_ =	shalt  }
0x53: {  	_ =	shalt  }
0x54: {  	_ =	shalt  }
0x55: {  	_ =	shalt  }
0x56: {  	_ =	shalt  }
0x57: {  	_ =	shalt  }
0x58: {  	_ =	shalt  }
0x59: {  	_ =	shalt  }
0x5a: {  	_ =	shalt  }
0x5b: {  	_ =	shalt  }
0x5c: {  	_ =	shalt  }
0x5d: {  	_ =	shalt  }
0x5e: {  	_ =	shalt  }
0x5f: {  	_ =	shalt  }
0x60: {  	_ =	shalt  }
0x61: {  	_ =	shalt  }
0x62: {  	_ =	shalt  }
0x63: {  	_ =	shalt  }
0x64: {  	_ =	shalt  }
0x65: {  	_ =	shalt  }
0x66: {  	_ =	shalt  }
0x67: {  	_ =	shalt  }
0x68: {  	_ =	shalt  }
0x69: {  	_ =	shalt  }
0x6a: {  	_ =	shalt  }
0x6b: {  	_ =	shalt  }
0x6c: {  	_ =	shalt  }
0x6d: {  	_ =	shalt  }
0x6e: {  	_ =	shalt  }
0x6f: {  	_ =	shalt  }
0x70: {  	_ =	shalt  }
0x71: {  	_ =	shalt  }
0x72: {  	_ =	shalt  }
0x73: {  	_ =	shalt  }
0x74: {  	_ =	shalt  }
0x75: {  	_ =	shalt  }
0x76: {  	_ =	shalt  }
0x77: {  	_ =	shalt  }
0x78: {  	_ =	shalt  }
0x79: {  	_ =	shalt  }
0x7a: {  	_ =	shalt  }
0x7b: {  	_ =	shalt  }
0x7c: {  	_ =	shalt  }
0x7d: {  	_ =	shalt  }
0x7e: {  	_ =	shalt  }
0x7f: {  	_ =	shalt  }
0x80: {  	_ =	shalt  }
0x81: {  	_ =	shalt  }
0x82: {  	_ =	shalt  }
0x83: {  	_ =	shalt  }
0x84: {  	_ =	shalt  }
0x85: {  	_ =	shalt  }
0x86: {  	_ =	shalt  }
0x87: {  	_ =	shalt  }
.Lfunc_end0:
.L_simem_size_0:
called_computation_lowered:
.L_overlay_start_0:
0x88: {  	s2 =	sld [smem:$0x3FD9]  }
0x89: {  	s3 =	sld [smem:$0x3FFE];
	_ =	sdelay $0x1  }
0x8a: {  	s1 =	srdreg.scid  }
0x8b: {  	s0 =	sand.u32 $0x1, s1  }
0x8c: {  	s17 =	sshll.u32 s0, $0xA;
	s2 =	sadd.s32 s3, s2  }
0x8d: {  	s2 =	sadd.s32 s2, s17  }
0x8e: {  	[smem:$0x3FC0] =	sst s2  }
0x8f: {  	_ = 	snop  }
0x90: {  	s2 =	sld [smem:$0x3FC9]  }
0x91: {  	s18 =	sld [smem:$0x3FD0];
	(tm) =	ssettm $0x1  }
0x92: {  	s4 =	sld [smem:$0x3FFB];
	_ =	sdelay $0x3  }
0x93: {  	_ =	strace s4  }
0x94: {  	s4 =	sld [smem:$0x3FFC];
	_ =	sdelay $0x3  }
0x95: {  	_ =	strace s4  }
0x96: {  	s4 =	sld [smem:$0x3FFD];
	_ =	sdelay $0x3  }
0x97: {  	_ =	strace s4  }
0x98: {  	_ =	strace $0x8FFFFFFF  }
0x99: {  	s19 =	sld [smem:$0x3FDB];
	_ =	sdelay $0x1  }
0x9a: {  	s5 =	simm.s32 $_scs_section_size  }
0x9b: {  	s6 =	simm.s32 $_size__tile_overlayer_lowered;
	s7 =	simm.s32 $_tile_overlayer_lowered  }
0x9c: {  	s22 =	simm.s32 $0x1BFF;
	s21 =	sshll.u32 s7, $0x1;
	s4 =	sadd.s32 s5, s19  }
0x9d: {  	s8 =	simm.s32 $0x0;
	s20 =	sshll.u32 s6, $0x1;
	s6 =	sadd.s32 s21, s4  }
0x9e: {  	[timem:s8], [sflag:s22] =	dma.local [hbm:s6], s20  }
0x9f: {  	_ =	swait.ge [sflag:s22], s20  }
0xa0: {  	s5 =	ssub.s32 $0x0, s20;
	[sflag:s22] =	ssyncset.done $0x0  }
0xa1: {  	[sflag:s22] =	ssyncadd.s32 s5;
	_ =	sdelay $0x1  }
0xa2: {  	s23 =	simm.s32 $0x1B8B  }
0xa3: {  	_ =	swait.ge [sflag:s23], $0x1  }
0xa4: {  	[sflag:s23] =	ssyncset.done $0x0  }
0xa5: {  	s25 =	simm.s32 $0x1B8E;
	s24 =	sld [smem:$0x3FFE];
	[sflag:s23] =	ssyncadd.s32 $0xFFFFFFFF  }
0xa6: {  	s26 =	simm.s32 $execute0_lowered;
	[smem:$0x3FD2] =	sst s25  }
0xa7: {  	s6 =	sshll.u32 s26, $0x1;
	_ =	strace $0x80000046;
	[dreg:$0x1] =	wrdreg $0xFFFFFFFF  }
0xa8: {  	s28 =	simm.s32 $_size_execute0_lowered;
	s4 =	sadd.s32 s4, s6;
	[dreg:$0x0] =	wrdreg $0x0  }
0xa9: {  	s6 =	sshll.u32 s28, $0x1;
	[dreg:$0x2] =	wrdreg s4  }
0xaa: {  	[dreg:$0x3] =	wrdreg s6  }
0xab: {  	[dreg:$0x4] =	wrdreg $0xC0  }
0xac: {  	_ =	task [dreg:s8], $0x5FFFF  }
0xad: {  	[dreg:$0x1] =	wrdreg $0xFFFFFFFF  }
0xae: {  	[dreg:$0x0] =	wrdreg $0x60  }
0xaf: {  	[dreg:$0x2] =	wrdreg s18  }
0xb0: {  	[dreg:$0x3] =	wrdreg s24  }
0xb1: {  	[dreg:$0x4] =	wrdreg s2  }
0xb2: {  	[dreg:$0x5] =	wrdreg $0x13AD00  }
0xb3: {  	[dreg:$0x6] =	wrdreg $0x1DED00  }
0xb4: {  	[dreg:$0x7] =	wrdreg $0x9  }
0xb5: {  	_ =	task.clear_ibuf [dreg:s8], $0x8FFFF;
	_ =	strace $0x90000046  }
0xb6: {  	s29 =	simm.s32 $0x9;
	_ =	strace $0x80000048  }
0xb7: {  	_ =	swait.ge [sflag:s29], $0x1  }
0xb8: {  	[sflag:s29] =	ssyncadd.s32 $0xFFFFFFFF  }
0xb9: {  	_ =	strace $0x90000048  }
0xba: {  	_ =	sfence  }
0xbb: {  	s30 =	sld [smem:$0x0];
	_ =	sdelay $0x2  }
0xbc: {  	s31 =	sshll.u32 s1, $0xD;
	s1 =	sshrl.u32 s1, $0x2  }
0xbd: {  	s3 =	sand.u32 $0x4000, s31;
	s1 =	sadd.s32 s1, s30  }
0xbe: {  	s0 =	sor.u32 s3, s0;
	s1 =	sshll.u32 s1, $0x11  }
0xbf: {  	s0 =	sor.u32 s1, s0  }
0xc0: {  	s0 =	sadd.s32 $0x8F2B, s0  }
0xc1: {  	[sflag:s0] =	ssyncadd.remote.s32 $0x1  }
0xc2: {  	_ =	sfence.sel $0xFFFF  }
0xc3: {  	[dreg:$0x0] =	wrdreg $0xFFFFFFFF;
	(pc) =	sbr.abs _section_cstart, $3  }
0xc4: {  	[dreg:$0x1] =	wrdreg $0xFFFFFFFF  }
0xc5: {  	_ =	task.clear_ibuf [dreg:s8], $0x2FFFF;
	_ =	strace $0x9FFFFFFF  }
0xc6: {  	(tm) =	ssettm $0x7FFFFFFF  }
0xc7: {  	_ =	shalt  }
tec
execute0_lowered:
.L_overlay_start_1:
0x0: {  	(tag) =	ssettag $0x1  }
0x1: {  	s0 =	rddreg [dreg:$0x0]  }
0x2: {  	s2 =	rddreg [dreg:$0x1]  }
0x3: {  	s14 =	stileid.u32;
	s3 =	srdreg.scid  }
0x4: {  	s1 =	rddreg [dreg:$0x2];
	s6 =	smul.u32 $0x4E80, s14  }
0x5: {  	s4 =	rddreg [dreg:$0x4];
	s16 =	smul.u32 $0xA000, s14  }
0x6: {  	s5 =	simm.s32 $0x0;
	s28 =	simm.s32 $0x11E40;
	s17 =	smul.u32 $0x1400, s14  }
0x7: {  	s7 =	sand.u32 $0x1, s3;
	[smem:$0x7FF] =	sst s5;
	s25 =	smul.u32 $0x29000, s14  }
0x8: {  	s23 =	sshll.u32 s14, $0x1;
	s5 =	sshll.u32 s14, $0x3;
	s14 =	smul.u32 $0x5200, s14  }
0x9: {  	s29 =	simm.s32 $0x40;
	s30 =	simm.s32 $0x2;
	s8 =	smul.u32 $0xA0000, s7  }
0xa: {  	s31 =	simm.s32 $0x0;
	s3 =	rddreg [dreg:$0x3];
	s9 =	smul.u32 $0x14000, s7  }
0xb: {  	_ =	strace $0x80000047;
	s11 =	smul.u32 $0x4E800, s7;
	s24 =	ssub.s32 $0x2, s7  }
0xc: {  	s10 =	sshrl.u32 s6, $0x3;
	s26 =	sshrl.u32 s24, $0x1;
	s14 =	sshrl.u32 s14, $0x2  }
0xd: {  	s12 =	sadd.s32 s10, s2;
	s8 =	sadd.s32 s16, s8;
	s9 =	sadd.s32 s17, s9  }
0xe: {  	s6 =	sadd.s32 s6, s11;
	s11 =	sshrl.u32 s25, $0x2;
	s19 =	ssub.s32 s24, s26  }
0xf: {  	s24 =	sor.u32 $0x1400, s5;
	s14 =	sadd.s32 s14, s4;
	s22 =	sadd.s32 s0, s10  }
0x10: {  	v0 =	vlaneseq.u32;
	s5 =	simm.s32 $0x4F20;
	s8 =	sshrl.u32 s8, $0x3;
	s9 =	sshrl.u32 s9, $0x3  }
0x11: {  	v0 =	vand.u32 $0x7, v0;
	s6 =	sshrl.u32 s6, $0x3;
	s21 =	sadd.s32 s11, s3;
	s25 =	sadd.s32 $0x2600, s12  }
0x12: {  	s12 =	smov.u32 s22;
	v0 =	vor.u32 s24, v0;
	s24 =	simm.s32 $0x0;
	s15 =	sadd.s32 s8, s2  }
0x13: {  	s18 =	sadd.s32 s9, s2;
	s13 =	sadd.s32 s6, s2;
	s2 =	sadd.s32 s23, s2  }
0x14: {  	s8 =	stileid.u32;
	s11 =	sadd.s32 $0x4000, s21;
	s20 =	sadd.s32 $0x8000, s21  }
0x15: {  	s23 =	sshll.u32 s7, $0x5;
	s7 =	smul.u32 $0xFFFFEC00, s7;
	s6 =	smov.u32 s21  }
0x16: {  	s21 =	simm.s32 $0x12640;
	s9 =	smov.u32 s11;
	s11 =	smov.u32 s14  }
0x17: {  	s10 =	smov.u32 s20;
	s0 =	sadd.s32 s23, s2;
	s14 =	sadd.s32 $0x39400, s13  }
0x18: {  	s26 =	sadd.s32 $0x4CE00, s13;
	s13 =	smov.u32 s25;
	s22 =	sadd.s32 $0x11400, s15  }
0x19: {  	s2 =	sadd.s32 s16, s3;
	s23 =	sadd.s32 $0xC400, s18;
	s25 =	sadd.s32 s17, s4  }
.Ltmp0:
0x1a: {  	s17 =	smax.u32 s19, $0x1;
	s18 =	simm.s32 $0x9E40;
	(pc) =	sbr.rel .LBB2_1-.Ltmp0, $4  }
0x1b: {  	s20 =	simm.s32 $0x4;
	s0 =	sadd.s32 $0x60800, s0;
	s15 =	smov.u32 s26  }
0x1c: {  	s26 =	sshrl.u32 s25, $0x3;
	s25 =	simm.s32 $0x1;
	[dreg:$0x6] =	wrdreg s17  }
0x1d: {  	v2 =	vimm.f32 $0.0e+00;
	s16 =	smov.u32 s0;
	s0 =	sshrl.u32 s2, $0x3;
	[dreg:$0x8] =	wrdreg s26  }
0x1e: {  	v3 =	vimm.f32 $1.000000000e+00;
	v4 =	vimm.s32 $0x0;
	v1 =	vmov s7;
	s26 =	simm.s32 $0x80;
	s2 =	simm.s32 $0x3;
	[dreg:$0x7] =	wrdreg s0  }
.LBB2_13:
0x1f: {  	[sflag:s30] =	ssyncadd.s32 $0xFFFFF800;
	s8 =	stileid.u32;
	s9 =	smov.u32 s11  }
0x20: {  	s10 =	smov.u32 s12;
	s11 =	smov.u32 s13;
	s12 =	smov.u32 s14  }
0x21: {  	s13 =	smov.u32 s15;
	s14 =	smov.u32 s16;
	s15 =	smov.u32 s17  }
0x22: {  	s16 =	smov.u32 s6;
	s6 =	smov.u32 s22;
	s22 =	smov.u32 s23  }
0x23: {  	s23 =	smov.u32 s21;
	s17 =	rddreg [dreg:$0x6];
	s21 =	simm.s32 $0x12640  }
.LBB2_14:
0x24: {  	_ =	swait.ge [sflag:s30], $0x800  }
0x25: {  	[sflag:s30] =	ssyncset.done $0x0  }
0x26: {  	s24 =	simm.s32 $0x0;
	[sflag:s30] =	ssyncadd.s32 $0xFFFFF800  }
.LBB2_15:
0x27: {  	s0 =	sshll.u32 s8, $0x6;
	[bflag:$0x0] =	sbarrier.arrive $0xFFFF  }
0x28: {  	s0 =	sor.u32 $0x1C04, s0;
	s7 =	rddreg [dreg:$0x7]  }
0x29: {  	[hbm:s22], [sflag:s0] =	dma.local [spmem:s7], $0x1400  }
0x2a: {  	s31 =	sadd.s32 $0x1, s31;
	_ =	swait.ge [sflag:s20], $0x1400  }
0x2b: {  	p0 =	sne.s32 s31, s17;
	[sflag:s20] =	ssyncset.done $0x0  }
.Ltmp1:
0x2c: {  	s19 =	rddreg [dreg:$0x8];
	[sflag:s20] =	ssyncadd.s32 $0xFFFFEC00;
	(pc) =	sbr.rel @!p0 .LBB2_16-.Ltmp1, $4  }
0x2d: {  	[hbm:s23], [sflag:s0] =	dma.local [spmem:s19], $0x280  }
0x2e: {  	_ =	swait.ge [sflag:s20], $0x280  }
0x2f: {  	[sflag:s20] =	ssyncset.done $0x0  }
0x30: {  	[sflag:s20] =	ssyncadd.s32 $0xFFFFFD80  }
.LBB2_1:
0x31: {  	s0 =	simm.s32 $0x0;
	s7 =	simm.s32 $0x200  }
.LBB2_2:
0x32: {  	p0 =	sne.s32 s7, $0xFE00;
	[tilespmem:s0+$0x9EB0] =	vst v2  }
0x33: {  	[tilespmem:s0+$0x9E40] =	vst v2  }
0x34: {  	[tilespmem:s0+$0x9E50] =	vst v2  }
.Ltmp2:
0x35: {  	[tilespmem:s0+$0x9E60] =	vst v2;
	(pc) =	sbr.rel @p0 .LBB2_2-.Ltmp2, $4  }
0x36: {  	[tilespmem:s0+$0x9E70] =	vst v2  }
0x37: {  	[tilespmem:s0+$0x9E80] =	vst v2  }
0x38: {  	[tilespmem:s0+$0x9E90] =	vst v2  }
0x39: {  	[tilespmem:s0+$0x9EA0] =	vst v2;
	s0 =	sshra.s32 s7, $0x2;
	s7 =	sadd.s32 $0x200, s7  }
0x3a: {  	[tilespmem:s0+$0x9EB0] =	vst v2  }
0x3b: {  	[tilespmem:s0+$0x9E40] =	vst v2  }
0x3c: {  	[tilespmem:s0+$0x9E50] =	vst v2  }
0x3d: {  	[tilespmem:s0+$0x9E60] =	vst v2  }
0x3e: {  	[tilespmem:s0+$0x9E70] =	vst v2  }
0x3f: {  	[tilespmem:s0+$0x9E80] =	vst v2  }
0x40: {  	[tilespmem:s0+$0x9E90] =	vst v2  }
0x41: {  	[tilespmem:s0+$0x9EA0] =	vst v2;
	s0 =	simm.s32 $0x40;
	s7 =	simm.s32 $0x0  }
.LBB2_4:
0x42: {  	p0 =	sne.s32 s0, $0x1FC0;
	[tilespmem:s7+$0x11E40] =	vst v3;
	s7 =	smov.u32 s0;
	s0 =	sadd.s32 $0x40, s0  }
.Ltmp3:
0x43: {  	(pc) =	sbr.rel @p0 .LBB2_4-.Ltmp3, $2  }
0x44: {  	_ =	sdelay $0x2  }
0x45: {  	s7 =	sshra.s32 s7, $0x2  }
0x46: {  	[tilespmem:s7+$0x11E40] =	vst v3;
	s0 =	simm.s32 $0x40;
	s7 =	simm.s32 $0x0  }
.LBB2_6:
0x47: {  	p0 =	sne.s32 s0, $0x51C0;
	[tilespmem:s7+$0x12640] =	vst v2;
	s7 =	smov.u32 s0;
	s0 =	sadd.s32 $0x40, s0  }
.Ltmp4:
0x48: {  	(pc) =	sbr.rel @p0 .LBB2_6-.Ltmp4, $2  }
0x49: {  	_ =	sdelay $0x2  }
0x4a: {  	s7 =	sshra.s32 s7, $0x2  }
0x4b: {  	[tilespmem:s7+$0x12640] =	vst v2  }
0x4c: {  	[spmem:s6] =	stream.linear.scatter [tilespmem:s18], [sflag:$0x1], $0x4000, $0x38;
	[tilespmem:$0x1F350] =	vst v63  }
0x4d: {  	_ = 	snop  }
0x4e: {  	[spmem:s9] =	stream.linear.scatter [tilespmem:s18], [sflag:$0x1], $0x4000, $0x38;
	[tilespmem:$0x1F350] =	vst v63  }
0x4f: {  	_ = 	snop  }
0x50: {  	[spmem:s10] =	stream.linear.scatter [tilespmem:s18], [sflag:$0x1], $0x2400, $0x38;
	[tilespmem:$0x1F350] =	vst v63  }
0x51: {  	_ = 	snop  }
0x52: {  	[spmem:s11] =	stream.linear.scatter [tilespmem:s21], [sflag:$0x1], $0x1480, $0x38;
	[tilespmem:$0x1F350] =	vst v63  }
0x53: {  	s0 =	simm.s32 $0x0  }
0x54: {  	[tilespmem:s0], [sflag:$0x4] =	stream.linear.gather [hbm4b:s12+s0], $0x4E80, $0x38;
	[tilespmem:$0x1F350] =	vst v63  }
0x55: {  	_ =	swait.ge [sflag:s20], $0x4E80  }
0x56: {  	[sflag:s20] =	ssyncset.done $0x0  }
0x57: {  	[sflag:s20] =	ssyncadd.s32 $0xFFFFB180  }
0x58: {  	[tilespmem:s5], [sflag:$0x4] =	stream.linear.gather [hbm4b:s13+s0], $0x4E80, $0x38;
	[tilespmem:$0x1F350] =	vst v63  }
0x59: {  	_ =	swait.ge [sflag:s20], $0x4E80  }
0x5a: {  	[sflag:s20] =	ssyncset.done $0x0  }
0x5b: {  	s19 =	simm.s32 $0x0;
	[sflag:s20] =	ssyncadd.s32 $0xFFFFB180  }
0x5c: {  	v5 =	vld [tilespmem:s19+$0x4F20];
	_ =	sdelay $0x4  }
0x5d: {  	v5 =	vadd.s32 v1, v5  }
0x5e: {  	vm0 =	vlt.u32 v5, $0x1400  }
0x5f: {  	v6 =	vsel vm0, $0x1, v4  }
0x60: {  	(xrf0) =	vadd.scan.msk.s32 $0xffff, v6;
	_ =	sdelay $0x1  }
0x61: {  	v6 =	vld [tilespmem:s19+$0x0];
	_ =	sdelay $0x3  }
0x62: {  	v7, _, _ =	vpop (xrf0)  }
0x63: {  	[tilespmem:s0+$0x0] =	vst.msk vm0, v6;
	(v2sf) =	vpush v7, $0xF  }
0x64: {  	s7 =	simm.s32 $0x80;
	s19 =	simm.s32 $0x10;
	[tilespmem:s0+$0x4F20] =	vst.msk vm0, v5  }
.LBB2_8:
0x65: {  	p0 =	sne.s32 s7, $0x139C0;
	v5 =	vld [tilespmem:s19+$0x4F20];
	_ =	sdelay $0x4  }
0x66: {  	v5 =	vadd.s32 v1, v5  }
0x67: {  	vm0 =	vlt.u32 v5, $0x1400  }
0x68: {  	v6 =	vsel vm0, $0x1, v4  }
0x69: {  	(xrf0) =	vadd.scan.msk.s32 $0xffff, v6;
	_ =	sdelay $0x1  }
0x6a: {  	v6 =	vld [tilespmem:s19+$0x0];
	_ =	sdelay $0x1  }
.Ltmp5:
0x6b: {  	(pc) =	sbr.rel @p0 .LBB2_8-.Ltmp5, $4  }
0x6c: {  	s19 =	spop (v2sf)  }
0x6d: {  	v7, _, _ =	vpop (xrf0);
	s0 =	sadd.s32 s0, s19  }
0x6e: {  	[tilespmem:s0+$0x0] =	vst.msk vm0, v6;
	(v2sf) =	vpush v7, $0xF  }
0x6f: {  	s19 =	sshra.s32 s7, $0x2;
	s7 =	sadd.s32 $0x40, s7;
	[tilespmem:s0+$0x4F20] =	vst.msk vm0, v5  }
0x70: {  	v5 =	vld [tilespmem:s19+$0x4F20];
	_ =	sdelay $0x4  }
0x71: {  	v5 =	vadd.s32 v1, v5  }
0x72: {  	vm0 =	vlt.u32 v5, $0x1400  }
0x73: {  	v6 =	vsel vm0, $0x1, v4  }
0x74: {  	(xrf0) =	vadd.scan.msk.s32 $0xffff, v6;
	_ =	sdelay $0x5  }
0x75: {  	v6, _, _ =	vpop (xrf0)  }
0x76: {  	(v2sf) =	vpush v6, $0xF;
	_ =	sdelay $0x9  }
0x77: {  	v6 =	vld [tilespmem:s19+$0x0];
	_ =	sdelay $0x2  }
0x78: {  	s7 =	spop (v2sf)  }
0x79: {  	s0 =	sadd.s32 s0, s7  }
0x7a: {  	[tilespmem:s0+$0x0] =	vst.msk vm0, v6;
	s19 =	spop (v2sf)  }
0x7b: {  	[tilespmem:s0+$0x4F20] =	vst.msk vm0, v5;
	s0 =	sadd.s32 s0, s19  }
0x7c: {  	[tilespmem:s0+$0x0] =	vst v4  }
0x7d: {  	[tilespmem:s0+$0x4F20] =	vst v0  }
0x7e: {  	[tilespmem:s0+$0x10] =	vst v4  }
0x7f: {  	[tilespmem:s0+$0x4F30] =	vst v0  }
0x80: {  	[tilespmem:s0+$0x20] =	vst v4  }
0x81: {  	[tilespmem:s0+$0x4F40] =	vst v0  }
0x82: {  	[tilespmem:s0+$0x30] =	vst v4  }
0x83: {  	[tilespmem:s0+$0x4F50] =	vst v0  }
0x84: {  	[tilespmem:s0+$0x40] =	vst v4  }
0x85: {  	[tilespmem:s0+$0x4F60] =	vst v0  }
0x86: {  	[tilespmem:s0+$0x50] =	vst v4  }
0x87: {  	[tilespmem:s0+$0x4F70] =	vst v0  }
0x88: {  	[tilespmem:s0+$0x60] =	vst v4  }
0x89: {  	[tilespmem:s0+$0x4F80] =	vst v0  }
0x8a: {  	[tilespmem:s0+$0x70] =	vst v4  }
0x8b: {  	[tilespmem:s0+$0x4F90] =	vst v0  }
0x8c: {  	[hbm4b:s14+s24] =	stream.linear.scatter [tilespmem:s24], [sflag:$0x4], $0x4E80, $0x38;
	[tilespmem:$0x1F350] =	vst v63  }
0x8d: {  	_ =	swait.ge [sflag:s20], $0x4E80  }
0x8e: {  	[sflag:s20] =	ssyncset.done $0x0  }
0x8f: {  	[sflag:s20] =	ssyncadd.s32 $0xFFFFB180  }
0x90: {  	[hbm4b:s15+s24] =	stream.linear.scatter [tilespmem:s5], [sflag:$0x4], $0x4E80, $0x38;
	[tilespmem:$0x1F350] =	vst v63  }
0x91: {  	_ =	swait.ge [sflag:s20], $0x4E80  }
0x92: {  	[sflag:s20] =	ssyncset.done $0x0  }
0x93: {  	v5 =	vmov s0;
	[sflag:s20] =	ssyncadd.s32 $0xFFFFB180  }
0x94: {  	s19 =	simm.s32 $0x13AC0;
	[tilespmem:$0x13AC0] =	vst v5  }
0x95: {  	[hbm4b:s16+s24] =	stream.linear.scatter [tilespmem:s19], [sflag:$0x4], $0x10, $0x38;
	[tilespmem:$0x1F350] =	vst v63  }
0x96: {  	_ =	swait.ge [sflag:s20], $0x10  }
0x97: {  	[sflag:s20] =	ssyncset.done $0x0  }
0x98: {  	[sflag:s20] =	ssyncadd.s32 $0xFFFFFFF0  }
0x99: {  	_ =	swait.ge [sflag:s25], $0x4000  }
0x9a: {  	[sflag:s25] =	ssyncset.done $0x0  }
0x9b: {  	[sflag:s25] =	ssyncadd.s32 $0xFFFFC000  }
0x9c: {  	_ =	swait.ge [sflag:s25], $0x4000  }
0x9d: {  	[sflag:s25] =	ssyncset.done $0x0  }
0x9e: {  	[sflag:s25] =	ssyncadd.s32 $0xFFFFC000  }
0x9f: {  	_ =	swait.ge [sflag:s25], $0x2400  }
0xa0: {  	s7 =	sadd.s32 $0x7F, s0;
	[sflag:s25] =	ssyncset.done $0x0  }
0xa1: {  	p0 =	slt.s32 s7, $0x80;
	[sflag:s25] =	ssyncadd.s32 $0xFFFFDC00  }
.Ltmp6:
0xa2: {  	_ =	swait.ge [sflag:s25], $0x1480;
	(pc) =	sbr.rel @p0 .LBB2_15-.Ltmp6, $3  }
0xa3: {  	[sflag:s25] =	ssyncset.done $0x0  }
0xa4: {  	[sflag:s25] =	ssyncadd.s32 $0xFFFFEB80  }
0xa5: {  	[bflag:$0x0] =	sbarrier.arrive $0xFFFF;
	_ =	sdelay $0x1  }
0xa6: {  	[tilespmem:s18], [sflag:$0x1] =	stream.indirect.gather [hbm4b:s1+s26], $0x80, s24, s26, $0xb8;
	[tilespmem:$0x1F350] =	vst v63  }
0xa7: {  	_ =	swait.ge [sflag:s25], $0x4000  }
0xa8: {  	p0 =	slt.u32 s7, $0x100;
	[sflag:s25] =	ssyncset.done $0x0  }
0xa9: {  	s19 =	simm.s32 @!p0 $0x80;
	s24 =	simm.s32 @!p0 $0xDE40;
	[sflag:s25] =	ssyncadd.s32 $0xFFFFC000  }
0xaa: {  	[tilespmem:s24], [sflag:$0x1] =	stream.indirect.gather @!p0 [hbm4b:s1+s19], $0x80, s19, s19, $0xb8;
	[tilespmem:$0x1F350] =	vst v63  }
0xab: {  	s24 =	simm.s32 $0x4F20  }
0xac: {  	[spmem:s4] =	stream.indirect.scatter.add.f32 [tilespmem:s28], [sflag:$0x2], $0x10, s24, s26, $0xb8;
	[tilespmem:$0x1F350] =	vst v63  }
0xad: {  	_ = 	snop  }
0xae: {  	[spmem:s3] =	stream.indirect.scatter.add.f32 [tilespmem:s18], [sflag:$0x3], $0x80, s24, s29, $0xb8;
	[tilespmem:$0x1F350] =	vst v63  }
0xaf: {  	s19 =	simm.s32 $0x4F60;
	s24 =	simm.s32 $0xBE40  }
0xb0: {  	[spmem:s3] =	stream.indirect.scatter.add.f32 [tilespmem:s24], [sflag:$0x3], $0x80, s19, s29, $0xb8;
	[tilespmem:$0x1F350] =	vst v63  }
0xb1: {  	p0 =	slt.s32 s0, $0x81;
	_ =	swait.ge [sflag:s2], $0x2000  }
.Ltmp7:
0xb2: {  	[sflag:s2] =	ssyncset.done $0x0;
	(pc) =	sbr.rel @p0 .LBB2_14-.Ltmp7, $4  }
0xb3: {  	[sflag:s2] =	ssyncadd.s32 $0xFFFFE000  }
0xb4: {  	_ =	swait.ge [sflag:s2], $0x2000  }
0xb5: {  	[sflag:s2] =	ssyncset.done $0x0  }
0xb6: {  	s5 =	simm.s32 $0x4F20;
	[sflag:s2] =	ssyncadd.s32 $0xFFFFE000  }
0xb7: {  	s21 =	smov.u32 s23;
	s23 =	smov.u32 s22;
	s0 =	sshra.s32 s7, $0x1F  }
0xb8: {  	s22 =	smov.u32 s6;
	s6 =	smov.u32 s16;
	s0 =	sshrl.u32 s0, $0x19  }
0xb9: {  	s17 =	smov.u32 s15;
	s16 =	smov.u32 s14;
	s0 =	sadd.s32 s0, s7  }
0xba: {  	s15 =	smov.u32 s13;
	s8 =	simm.s32 $0x1;
	s19 =	sshra.s32 s0, $0x7  }
0xbb: {  	_ =	swait.ge [sflag:s25], $0x4000;
	s7 =	sand.u32 $0x1, s8;
	p0 =	sle.s32 s19, $0x2  }
0xbc: {  	s24 =	simm.s32 $0x100;
	[sflag:s25] =	ssyncset.done $0x0;
	s0 =	sshll.u32 @!p0 s7, $0xE  }
0xbd: {  	[sflag:s25] =	ssyncadd.s32 $0xFFFFC000;
	s8 =	simm.s32 @!p0 $0x80;
	s0 =	sxor.u32 @!p0 $0xDE40, s0  }
0xbe: {  	[tilespmem:s0], [sflag:$0x1] =	stream.indirect.gather @!p0 [hbm4b:s1+s8], $0x80, s24, s8, $0xb8;
	[tilespmem:$0x1F350] =	vst v63  }
0xbf: {  	s14 =	smov.u32 s12;
	s7 =	sshll.u32 s7, $0xE;
	s0 =	simm.s32 $0x4FA0  }
0xc0: {  	[spmem:s4] =	stream.indirect.scatter.add.f32 [tilespmem:s28], [sflag:$0x2], $0x10, s0, s26, $0xb8;
	[tilespmem:$0x1F350] =	vst v63  }
0xc1: {  	s13 =	smov.u32 s11;
	s11 =	smov.u32 s9;
	s9 =	sor.u32 $0x9E40, s7  }
0xc2: {  	[spmem:s3] =	stream.indirect.scatter.add.f32 [tilespmem:s9], [sflag:$0x3], $0x80, s0, s29, $0xb8;
	[tilespmem:$0x1F350] =	vst v63  }
0xc3: {  	s12 =	smov.u32 s10;
	s10 =	simm.s32 $0x4FE0;
	s7 =	sor.u32 $0xBE40, s7  }
0xc4: {  	[spmem:s3] =	stream.indirect.scatter.add.f32 [tilespmem:s7], [sflag:$0x3], $0x80, s10, s29, $0xb8;
	[tilespmem:$0x1F350] =	vst v63  }
0xc5: {  	_ =	swait.ge [sflag:s2], $0x2000  }
0xc6: {  	[sflag:s2] =	ssyncset.done $0x0  }
0xc7: {  	p0 =	sne.s32 s19, $0x2;
	[sflag:s2] =	ssyncadd.s32 $0xFFFFE000  }
.Ltmp8:
0xc8: {  	_ =	swait.ge [sflag:s2], $0x2000;
	(pc) =	sbr.rel @!p0 .LBB2_13-.Ltmp8, $4  }
0xc9: {  	[sflag:s2] =	ssyncset.done $0x0  }
0xca: {  	[sflag:s2] =	ssyncadd.s32 $0xFFFFE000  }
0xcb: {  	_ =	swait.ge [sflag:s30], $0x800  }
0xcc: {  	s7 =	simm.s32 $0x2;
	[sflag:s30] =	ssyncset.done $0x0  }
.LBB2_12:
0xcd: {  	[sflag:s30] =	ssyncadd.s32 $0xFFFFF800  }
0xce: {  	s24 =	sadd.s32 $0x80, s24;
	s8 =	smov.u32 s7;
	s7 =	sadd.s32 $0x1, s7  }
0xcf: {  	s8 =	sand.u32 $0x1, s8;
	_ =	swait.ge [sflag:s25], $0x4000;
	p0 =	sge.s32 s7, s19  }
0xd0: {  	[sflag:s25] =	ssyncset.done $0x0;
	s9 =	sshll.u32 @!p0 s8, $0xE;
	s8 =	sshll.u32 s8, $0xE  }
0xd1: {  	s10 =	simm.s32 @!p0 $0x80;
	[sflag:s25] =	ssyncadd.s32 $0xFFFFC000;
	s9 =	sxor.u32 @!p0 $0xDE40, s9  }
0xd2: {  	[tilespmem:s9], [sflag:$0x1] =	stream.indirect.gather @!p0 [hbm4b:s1+s10], $0x80, s24, s10, $0xb8;
	[tilespmem:$0x1F350] =	vst v63  }
0xd3: {  	s0 =	sadd.s32 $0x80, s0;
	p0 =	sne.s32 s19, s7  }
0xd4: {  	[spmem:s4] =	stream.indirect.scatter.add.f32 [tilespmem:s28], [sflag:$0x2], $0x10, s0, s26, $0xb8;
	[tilespmem:$0x1F350] =	vst v63  }
0xd5: {  	s9 =	sor.u32 $0x9E40, s8  }
0xd6: {  	[spmem:s3] =	stream.indirect.scatter.add.f32 [tilespmem:s9], [sflag:$0x3], $0x80, s0, s29, $0xb8;
	[tilespmem:$0x1F350] =	vst v63  }
0xd7: {  	s8 =	sor.u32 $0xBE40, s8;
	s9 =	sadd.s32 $0x40, s0  }
0xd8: {  	[spmem:s3] =	stream.indirect.scatter.add.f32 [tilespmem:s8], [sflag:$0x3], $0x80, s9, s29, $0xb8;
	[tilespmem:$0x1F350] =	vst v63  }
0xd9: {  	_ =	swait.ge [sflag:s2], $0x2000  }
0xda: {  	[sflag:s2] =	ssyncset.done $0x0  }
0xdb: {  	[sflag:s2] =	ssyncadd.s32 $0xFFFFE000  }
.Ltmp9:
0xdc: {  	_ =	swait.ge [sflag:s2], $0x2000;
	(pc) =	sbr.rel @p0 .LBB2_12-.Ltmp9, $4  }
0xdd: {  	[sflag:s2] =	ssyncset.done $0x0  }
0xde: {  	[sflag:s2] =	ssyncadd.s32 $0xFFFFE000  }
0xdf: {  	_ =	swait.ge [sflag:s30], $0x800  }
0xe0: {  	[sflag:s30] =	ssyncset.done $0x0  }
.Ltmp10:
0xe1: {  	_ = 	snop;
	(pc) =	sbr.rel .LBB2_13-.Ltmp10, $1  }
0xe2: {  	_ =	sdelay $0x3  }
.LBB2_16:
0xe3: {  	_ =	sfence.sel $0x180000  }
0xe4: {  	[bflag:$0x0] =	sbarrier.arrive $0xFFFF  }
0xe5: {  	_ =	strace $0x90000047  }
0xe6: {  	[bflag:$0x2] =	sbarrier.arrive $0xFFFF  }
0xe7: {  	p0 =	sne.s32 s8, $0x0;
	s0 =	rddreg [dreg:$0x5]  }
0xe8: {  	s0 =	sadd.s32 @!p0 $0x100000, s0  }
0xe9: {  	[sflag:s0] =	ssyncadd.tile.s32 @!p0 $0x1;
	_ =	shalt  }
.Lfunc_end2:
_tile_overlayer_lowered:
.L_overlay_start_2:
0xea: {  	(tag) =	ssettag $0x2  }
0xeb: {  	s0 =	rddreg [dreg:$0x0];
	s2 =	stileid.u32  }
0xec: {  	s1 =	rddreg [dreg:$0x1];
	p0 =	sne.s32 s2, $0x0  }
0xed: {  	s3 =	rddreg [dreg:$0x2];
	[bflag:$0x3] =	sbarrier.arrive $0xFFFF;
	s2 =	simm.s32 @!p0 $0x1C04  }
0xee: {  	[timem:s3], [sflag:s2] =	dma.local @!p0 [hbm:s0], s1  }
0xef: {  	s0 =	simm.s32 @!p0 $0x4  }
0xf0: {  	_ =	swait.ge @!p0 [sflag:s0], s1  }
0xf1: {  	s1 =	ssub.s32 @!p0 $0x0, s1;
	[sflag:s0] =	ssyncset.done @!p0 $0x0  }
0xf2: {  	[sflag:s0] =	ssyncadd.s32 @!p0 s1  }
0xf3: {  	[bflag:$0x3] =	sbarrier.arrive $0xFFFF  }
0xf4: {  	_ =	shalt  }

// kernel: kernel.9.cloned.1.call-start
scs
__scs_entry_jumppad:
0x0: {  	(pc) =	sbr.rel $0x88, $3  }
0x1: {  	(tag) =	ssettag $0x0;
	lr =	simm.s32 $0x1  }
0x2: {  	[smem:$0x3F99] =	sst lr;
	_ =	strace $0xD0000000  }
0x3: {  	_ = 	snop  }
0x4: {  	_ = 	snop  }
0x5: {  	_ = 	snop  }
0x6: {  	_ = 	snop  }
0x7: {  	_ = 	snop  }
__scs_overlays_trampoline_lowered:
0x8: {  	[smem:$0x3FA8] =	sst s0  }
0x9: {  	[smem:$0x3FA9] =	sst s1  }
0xa: {  	[smem:$0x3FAA] =	sst s2  }
0xb: {  	[smem:$0x3FAB] =	sst s3  }
0xc: {  	[smem:$0x3FAC] =	sst s4  }
0xd: {  	[smem:$0x3FAD] =	sst s5  }
0xe: {  	[smem:$0x3FAE] =	sst s6  }
0xf: {  	[smem:$0x3FAF] =	sst s7  }
0x10: {  	[smem:$0x3FB0] =	sst s8  }
0x11: {  	[smem:$0x3FB1] =	sst s9;
	s0 =	simm.s32 @!p0 $0x0  }
0x12: {  	s1 =	sld [smem:$0x3F97];
	s0 =	simm.s32 @p0 $0x1  }
0x13: {  	[smem:$0x3FB2] =	sst s0;
	s0 =	simm.s32 @!p1 $0x0  }
0x14: {  	s2 =	sld [smem:$0x3F96];
	s0 =	simm.s32 @p1 $0x1  }
0x15: {  	[smem:$0x3FB3] =	sst s0;
	s0 =	simm.s32 @!p2 $0x0  }
0x16: {  	s3 =	sld [smem:$0x3FDB];
	s0 =	simm.s32 @p2 $0x1  }
0x17: {  	s4 =	simm.s32 $0x1BF5;
	[smem:$0x3FB5] =	sst s0  }
0x18: {  	s0 =	sld [smem:$0x3F98];
	_ =	swait.ge [sflag:s4], $0x0  }
0x19: {  	s7 =	sld [smem:$0x3F99]  }
0x1a: {  	s8 =	sadd.s32 $0xFFFFE003, lr  }
0x1b: {  	s9 =	sadd.s32 $0xFFFFFEF7, lr;
	s5 =	simm.s32 $0xFFFFFFFF;
	p2 =	slt.u32 s8, $0xFFFFF086  }
0x1c: {  	p1 =	slt.u32 s9, $0xF7A;
	s5 =	simm.s32 @!p2 $0x0  }
0x1d: {  	s5 =	simm.s32 @p1 $0x1;
	p0 =	seq.s32 s7, s2  }
0x1e: {  	s7 =	smul.u32 @!p0 $0xF7A, s2;
	p2 =	seq.s32 @!p0 s5, $0x0  }
0x1f: {  	s9 =	smul.u32 $0xF7A, s1;
	s8 =	simm.s32 @!p0 $0x1BF5;
	p2 =	por !p2, p0  }
0x20: {  	[sflag:s8] =	ssyncset.s32 @!p0 $0xFFFFF086;
	s6 =	sadd.s32 @!p0 s3, s7;
	s7 =	simm.s32 @!p0 $0x108  }
0x21: {  	s3 =	sadd.s32 s3, s9;
	s6 =	sadd.s32 @!p0 $0x88, s6;
	s7 =	simm.s32 @p2 $0x1082  }
0x22: {  	[simem:s7], [sflag:s8] =	dma.local @!p0 [hbm:s6], $0xF7A  }
0x23: {  	s9 =	sor.u32 $0xD0000000, s2;
	s6 =	simm.s32 $0x108;
	_ =	swait.ge @!p0 [sflag:s8], $0x0  }
0x24: {  	s3 =	sadd.s32 $0x88, s3;
	s6 =	simm.s32 @!p1 $0x1082;
	[sflag:s4] =	ssyncset.s32 $0xFFFFF086  }
0x25: {  	[simem:s6], [sflag:s4] =	dma.local [hbm:s3], $0xF7A  }
0x26: {  	[smem:$0x3F99] =	sst s1;
	(tag) =	ssettag s2;
	_ =	strace s9  }
0x27: {  	s1 =	sld [smem:$0x3FA9]  }
0x28: {  	s2 =	sld [smem:$0x3FAA]  }
0x29: {  	s4 =	sld [smem:$0x3FAC]  }
0x2a: {  	p0 =	seq.s32 s5, $0x0;
	s5 =	sld [smem:$0x3FAD]  }
0x2b: {  	s6 =	sld [smem:$0x3FAE]  }
0x2c: {  	s7 =	sld [smem:$0x3FAF]  }
0x2d: {  	s3 =	simm.s32 $0x108;
	s8 =	sld [smem:$0x3FB0]  }
0x2e: {  	s3 =	simm.s32 @!p0 $0x1082;
	s9 =	sld [smem:$0x3FB1]  }
0x2f: {  	lr =	sadd.s32 s0, s3;
	s0 =	sld [smem:$0x3FA8]  }
0x30: {  	s3 =	sld [smem:$0x3FAB]  }
0x31: {  	[smem:$0x3FB4] =	sst s10  }
0x32: {  	s10 =	sld [smem:$0x3FB2];
	_ =	sdelay $0x3  }
0x33: {  	p0 =	seq.s32 s10, $0x1;
	s10 =	sld [smem:$0x3FB4];
	_ =	sdelay $0x3  }
0x34: {  	[smem:$0x3FB4] =	sst s10  }
0x35: {  	s10 =	sld [smem:$0x3FB3];
	_ =	sdelay $0x3  }
0x36: {  	p1 =	seq.s32 s10, $0x1;
	s10 =	sld [smem:$0x3FB4];
	_ =	sdelay $0x3  }
0x37: {  	[smem:$0x3FB4] =	sst s10  }
0x38: {  	s10 =	sld [smem:$0x3FB5]  }
0x39: {  	_ = 	snop;
	(pc) =	sbr.ind lr, $3  }
0x3a: {  	_ = 	snop  }
0x3b: {  	_ = 	snop  }
0x3c: {  	p2 =	seq.s32 s10, $0x1;
	s10 =	sld [smem:$0x3FB4]  }
0x3d: {  	_ =	shalt  }
0x3e: {  	_ =	shalt  }
0x3f: {  	_ =	shalt  }
0x40: {  	_ =	shalt  }
0x41: {  	_ =	shalt  }
0x42: {  	_ =	shalt  }
0x43: {  	_ =	shalt  }
0x44: {  	_ =	shalt  }
0x45: {  	_ =	shalt  }
0x46: {  	_ =	shalt  }
0x47: {  	_ =	shalt  }
0x48: {  	_ =	shalt  }
0x49: {  	_ =	shalt  }
0x4a: {  	_ =	shalt  }
0x4b: {  	_ =	shalt  }
0x4c: {  	_ =	shalt  }
0x4d: {  	_ =	shalt  }
0x4e: {  	_ =	shalt  }
0x4f: {  	_ =	shalt  }
0x50: {  	_ =	shalt  }
0x51: {  	_ =	shalt  }
0x52: {  	_ =	shalt  }
0x53: {  	_ =	shalt  }
0x54: {  	_ =	shalt  }
0x55: {  	_ =	shalt  }
0x56: {  	_ =	shalt  }
0x57: {  	_ =	shalt  }
0x58: {  	_ =	shalt  }
0x59: {  	_ =	shalt  }
0x5a: {  	_ =	shalt  }
0x5b: {  	_ =	shalt  }
0x5c: {  	_ =	shalt  }
0x5d: {  	_ =	shalt  }
0x5e: {  	_ =	shalt  }
0x5f: {  	_ =	shalt  }
0x60: {  	_ =	shalt  }
0x61: {  	_ =	shalt  }
0x62: {  	_ =	shalt  }
0x63: {  	_ =	shalt  }
0x64: {  	_ =	shalt  }
0x65: {  	_ =	shalt  }
0x66: {  	_ =	shalt  }
0x67: {  	_ =	shalt  }
0x68: {  	_ =	shalt  }
0x69: {  	_ =	shalt  }
0x6a: {  	_ =	shalt  }
0x6b: {  	_ =	shalt  }
0x6c: {  	_ =	shalt  }
0x6d: {  	_ =	shalt  }
0x6e: {  	_ =	shalt  }
0x6f: {  	_ =	shalt  }
0x70: {  	_ =	shalt  }
0x71: {  	_ =	shalt  }
0x72: {  	_ =	shalt  }
0x73: {  	_ =	shalt  }
0x74: {  	_ =	shalt  }
0x75: {  	_ =	shalt  }
0x76: {  	_ =	shalt  }
0x77: {  	_ =	shalt  }
0x78: {  	_ =	shalt  }
0x79: {  	_ =	shalt  }
0x7a: {  	_ =	shalt  }
0x7b: {  	_ =	shalt  }
0x7c: {  	_ =	shalt  }
0x7d: {  	_ =	shalt  }
0x7e: {  	_ =	shalt  }
0x7f: {  	_ =	shalt  }
0x80: {  	_ =	shalt  }
0x81: {  	_ =	shalt  }
0x82: {  	_ =	shalt  }
0x83: {  	_ =	shalt  }
0x84: {  	_ =	shalt  }
0x85: {  	_ =	shalt  }
0x86: {  	_ =	shalt  }
0x87: {  	_ =	shalt  }
.Lfunc_end0:
.L_simem_size_0:
called_computation.1_lowered:
.L_overlay_start_0:
0x88: {  	s2 =	sld [smem:$0x3FD9]  }
0x89: {  	s3 =	sld [smem:$0x3FFE];
	_ =	sdelay $0x1  }
0x8a: {  	s1 =	srdreg.scid  }
0x8b: {  	s0 =	sand.u32 $0x1, s1  }
0x8c: {  	s17 =	sshll.u32 s0, $0xA;
	s2 =	sadd.s32 s3, s2  }
0x8d: {  	s2 =	sadd.s32 s2, s17  }
0x8e: {  	[smem:$0x3FC0] =	sst s2  }
0x8f: {  	_ = 	snop  }
0x90: {  	s2 =	sld [smem:$0x3FD0];
	(tm) =	ssettm $0x1  }
0x91: {  	s18 =	sld [smem:$0x3FFB];
	_ =	sdelay $0x3  }
0x92: {  	_ =	strace s18  }
0x93: {  	s3 =	sld [smem:$0x3FFC];
	_ =	sdelay $0x3  }
0x94: {  	_ =	strace s3  }
0x95: {  	s3 =	sld [smem:$0x3FFD];
	_ =	sdelay $0x3  }
0x96: {  	_ =	strace s3  }
0x97: {  	_ =	strace $0x8FFFFFFF  }
0x98: {  	s19 =	sld [smem:$0x3FDB];
	_ =	sdelay $0x1  }
0x99: {  	s4 =	simm.s32 $_scs_section_size  }
0x9a: {  	s5 =	simm.s32 $_size__tile_overlayer_lowered;
	s6 =	simm.s32 $_tile_overlayer_lowered  }
0x9b: {  	s22 =	simm.s32 $0x1BFF;
	s21 =	sshll.u32 s6, $0x1;
	s3 =	sadd.s32 s4, s19  }
0x9c: {  	s7 =	simm.s32 $0x0;
	s20 =	sshll.u32 s5, $0x1;
	s5 =	sadd.s32 s21, s3  }
0x9d: {  	[timem:s7], [sflag:s22] =	dma.local [hbm:s5], s20  }
0x9e: {  	_ =	swait.ge [sflag:s22], s20  }
0x9f: {  	s4 =	ssub.s32 $0x0, s20;
	[sflag:s22] =	ssyncset.done $0x0  }
0xa0: {  	[sflag:s22] =	ssyncadd.s32 s4;
	_ =	sdelay $0x1  }
0xa1: {  	s23 =	simm.s32 $0x1B8B  }
0xa2: {  	_ =	swait.ge [sflag:s23], $0x1  }
0xa3: {  	[sflag:s23] =	ssyncset.done $0x0  }
0xa4: {  	s25 =	simm.s32 $0x1B8E;
	s24 =	sld [smem:$0x3FFE];
	[sflag:s23] =	ssyncadd.s32 $0xFFFFFFFF  }
0xa5: {  	s26 =	simm.s32 $execute0_lowered;
	[smem:$0x3FD2] =	sst s25  }
0xa6: {  	s5 =	sshll.u32 s26, $0x1;
	_ =	strace $0x80000049;
	[dreg:$0x1] =	wrdreg $0xFFFFFFFF  }
0xa7: {  	s28 =	simm.s32 $_size_execute0_lowered;
	s3 =	sadd.s32 s3, s5;
	[dreg:$0x0] =	wrdreg $0x0  }
0xa8: {  	s5 =	sshll.u32 s28, $0x1;
	[dreg:$0x2] =	wrdreg s3  }
0xa9: {  	[dreg:$0x3] =	wrdreg s5  }
0xaa: {  	[dreg:$0x4] =	wrdreg $0xC0  }
0xab: {  	_ =	task [dreg:s7], $0x5FFFF  }
0xac: {  	[dreg:$0x1] =	wrdreg $0xFFFFFFFF  }
0xad: {  	[dreg:$0x0] =	wrdreg $0x60  }
0xae: {  	[dreg:$0x2] =	wrdreg s24  }
0xaf: {  	[dreg:$0x3] =	wrdreg s2  }
0xb0: {  	[dreg:$0x4] =	wrdreg $0x11E500  }
0xb1: {  	[dreg:$0x5] =	wrdreg $0x9  }
0xb2: {  	_ =	task.clear_ibuf [dreg:s7], $0x6FFFF;
	_ =	strace $0x90000049  }
0xb3: {  	s29 =	simm.s32 $0x9;
	_ =	strace $0x8000004B  }
0xb4: {  	_ =	swait.ge [sflag:s29], $0x1  }
0xb5: {  	[sflag:s29] =	ssyncadd.s32 $0xFFFFFFFF  }
0xb6: {  	_ =	strace $0x9000004B  }
0xb7: {  	_ =	sfence  }
0xb8: {  	s30 =	sld [smem:$0x0];
	_ =	sdelay $0x2  }
0xb9: {  	s31 =	sshll.u32 s1, $0xD;
	s1 =	sshrl.u32 s1, $0x2  }
0xba: {  	s3 =	sand.u32 $0x4000, s31;
	s1 =	sadd.s32 s1, s30  }
0xbb: {  	s0 =	sor.u32 s3, s0;
	s1 =	sshll.u32 s1, $0x11  }
0xbc: {  	s0 =	sor.u32 s1, s0  }
0xbd: {  	s0 =	sadd.s32 $0x8F2B, s0  }
0xbe: {  	[sflag:s0] =	ssyncadd.remote.s32 $0x1  }
0xbf: {  	_ =	sfence.sel $0xFFFF  }
0xc0: {  	[dreg:$0x0] =	wrdreg $0xFFFFFFFF;
	(pc) =	sbr.abs _section_cstart, $3  }
0xc1: {  	[dreg:$0x1] =	wrdreg $0xFFFFFFFF  }
0xc2: {  	_ =	task.clear_ibuf [dreg:s7], $0x2FFFF;
	_ =	strace $0x9FFFFFFF  }
0xc3: {  	(tm) =	ssettm $0x7FFFFFFF  }
tec
execute0_lowered:
.L_overlay_start_1:
0x0: {  	(tag) =	ssettag $0x1  }
0x1: {  	s5 =	rddreg [dreg:$0x0]  }
0x2: {  	s2 =	rddreg [dreg:$0x1]  }
0x3: {  	s0 =	srdreg.scid;
	s3 =	rddreg [dreg:$0x2]  }
0x4: {  	s1 =	rddreg [dreg:$0x3];
	s6 =	sand.u32 $0x1, s0  }
0x5: {  	s0 =	stileid.u32;
	s7 =	smul.u32 $0x4E800, s6  }
0x6: {  	s4 =	simm.s32 $0x0;
	s16 =	simm.s32 $0x11E40;
	s8 =	smul.u32 $0x4E80, s0  }
0x7: {  	s17 =	simm.s32 $0x1;
	s18 =	simm.s32 $0x40;
	s9 =	smul.u32 $0xA0000, s6  }
0x8: {  	s21 =	simm.s32 $0x0;
	[smem:$0x7FF] =	sst s4;
	s12 =	smul.u32 $0xA000, s0  }
0x9: {  	_ =	strace $0x8000004A;
	s23 =	sshll.u32 s0, $0x1;
	s25 =	ssub.s32 $0x2, s6  }
0xa: {  	s11 =	smul.u32 $0x29000, s0;
	s28 =	sshll.u32 s0, $0x3;
	s30 =	sshll.u32 s6, $0x5  }
0xb: {  	s13 =	sadd.s32 s23, s5;
	s26 =	sshrl.u32 s25, $0x1;
	s19 =	sor.u32 $0x1400, s28  }
0xc: {  	v0 =	vlaneseq.u32;
	s7 =	sadd.s32 s8, s7;
	s24 =	sadd.s32 s12, s9;
	s15 =	ssub.s32 s25, s26  }
0xd: {  	v0 =	vand.u32 $0x7, v0;
	s29 =	sshrl.u32 s11, $0x2;
	s31 =	sadd.s32 s30, s13;
	s20 =	sadd.s32 s12, s3  }
0xe: {  	s13 =	simm.s32 $0x9E40;
	v0 =	vor.u32 s19, v0;
	s19 =	simm.s32 $0x2;
	s7 =	sshrl.u32 s7, $0x3  }
.Ltmp0:
0xf: {  	s8 =	sshrl.u32 s24, $0x3;
	s12 =	smax.u32 s15, $0x1;
	(pc) =	sbr.rel .LBB2_1-.Ltmp0, $4  }
0x10: {  	s10 =	sadd.s32 s7, s5;
	s14 =	sadd.s32 s8, s5;
	s5 =	sadd.s32 s29, s3  }
0x11: {  	s15 =	simm.s32 $0x4F20;
	s20 =	sshrl.u32 s20, $0x3;
	s6 =	sadd.s32 $0x4000, s5  }
0x12: {  	s7 =	sadd.s32 $0x8000, s5;
	s8 =	sadd.s32 $0x39400, s10;
	s9 =	sadd.s32 $0x4CE00, s10  }
0x13: {  	v1 =	vimm.f32 $0.0e+00;
	v2 =	vimm.s32 $0x0;
	s10 =	sadd.s32 $0x60800, s31;
	s11 =	sadd.s32 $0x2600, s14;
	s14 =	simm.s32 $0x3  }
.LBB2_6:
0x14: {  	[sflag:s19] =	ssyncadd.s32 $0xFFFFE000  }
.LBB2_7:
0x15: {  	s21 =	sadd.s32 $0x1, s21  }
0x16: {  	s22 =	sshll.u32 s0, $0x6;
	p0 =	sne.s32 s21, s12  }
.Ltmp1:
0x17: {  	[bflag:$0x0] =	sbarrier.arrive $0xFFFF;
	s22 =	sor.u32 $0x1C03, s22;
	(pc) =	sbr.rel @!p0 .LBB2_8-.Ltmp1, $4  }
0x18: {  	[hbm:s11], [sflag:s22] =	dma.local [spmem:s20], $0x1400  }
0x19: {  	_ =	swait.ge [sflag:s14], $0x1400  }
0x1a: {  	[sflag:s14] =	ssyncset.done $0x0  }
0x1b: {  	[sflag:s14] =	ssyncadd.s32 $0xFFFFEC00  }
.LBB2_1:
0x1c: {  	s22 =	simm.s32 $0x0;
	s23 =	simm.s32 $0x200  }
.LBB2_2:
0x1d: {  	p0 =	sne.s32 s23, $0xFE00;
	[tilespmem:s22+$0x9EB0] =	vst v1  }
0x1e: {  	[tilespmem:s22+$0x9E40] =	vst v1  }
0x1f: {  	[tilespmem:s22+$0x9E50] =	vst v1  }
.Ltmp2:
0x20: {  	[tilespmem:s22+$0x9E60] =	vst v1;
	(pc) =	sbr.rel @p0 .LBB2_2-.Ltmp2, $4  }
0x21: {  	[tilespmem:s22+$0x9E70] =	vst v1  }
0x22: {  	[tilespmem:s22+$0x9E80] =	vst v1  }
0x23: {  	[tilespmem:s22+$0x9E90] =	vst v1  }
0x24: {  	[tilespmem:s22+$0x9EA0] =	vst v1;
	s22 =	sshra.s32 s23, $0x2;
	s23 =	sadd.s32 $0x200, s23  }
0x25: {  	[tilespmem:s22+$0x9EB0] =	vst v1  }
0x26: {  	[tilespmem:s22+$0x9E40] =	vst v1  }
0x27: {  	[tilespmem:s22+$0x9E50] =	vst v1  }
0x28: {  	[tilespmem:s22+$0x9E60] =	vst v1  }
0x29: {  	[tilespmem:s22+$0x9E70] =	vst v1  }
0x2a: {  	[tilespmem:s22+$0x9E80] =	vst v1  }
0x2b: {  	[tilespmem:s22+$0x9E90] =	vst v1  }
0x2c: {  	[tilespmem:s22+$0x9EA0] =	vst v1  }
0x2d: {  	[spmem:s5] =	stream.linear.scatter [tilespmem:s13], [sflag:$0x1], $0x4000, $0x38;
	[tilespmem:$0x1C250] =	vst v63  }
0x2e: {  	_ = 	snop  }
0x2f: {  	[spmem:s6] =	stream.linear.scatter [tilespmem:s13], [sflag:$0x1], $0x4000, $0x38;
	[tilespmem:$0x1C250] =	vst v63  }
0x30: {  	_ = 	snop  }
0x31: {  	[spmem:s7] =	stream.linear.scatter [tilespmem:s13], [sflag:$0x1], $0x2400, $0x38;
	[tilespmem:$0x1C250] =	vst v63  }
0x32: {  	_ = 	snop  }
0x33: {  	[tilespmem:s4], [sflag:$0x3] =	stream.linear.gather [hbm4b:s8+s4], $0x4E80, $0x38;
	[tilespmem:$0x1C250] =	vst v63  }
0x34: {  	_ =	swait.ge [sflag:s14], $0x4E80  }
0x35: {  	[sflag:s14] =	ssyncset.done $0x0  }
0x36: {  	[sflag:s14] =	ssyncadd.s32 $0xFFFFB180  }
0x37: {  	[tilespmem:s15], [sflag:$0x3] =	stream.linear.gather [hbm4b:s9+s4], $0x4E80, $0x38;
	[tilespmem:$0x1C250] =	vst v63  }
0x38: {  	_ =	swait.ge [sflag:s14], $0x4E80  }
0x39: {  	[sflag:s14] =	ssyncset.done $0x0  }
0x3a: {  	[sflag:s14] =	ssyncadd.s32 $0xFFFFB180  }
0x3b: {  	[tilespmem:s16], [sflag:$0x3] =	stream.linear.gather [hbm4b:s10+s4], $0x10, $0x38;
	[tilespmem:$0x1C250] =	vst v63  }
0x3c: {  	_ =	swait.ge [sflag:s14], $0x10  }
0x3d: {  	[sflag:s14] =	ssyncset.done $0x0  }
0x3e: {  	[sflag:s14] =	ssyncadd.s32 $0xFFFFFFF0  }
0x3f: {  	v3 =	vld [tilespmem:$0x11E40];
	_ =	sdelay $0x4  }
0x40: {  	(xrf0) =	vadd.scan.msk.s32 $0xffff, v3;
	_ =	sdelay $0x5  }
0x41: {  	v3, _, _ =	vpop (xrf0)  }
0x42: {  	(v2sf) =	vpush v3, $0xF;
	_ =	sdelay $0xe  }
0x43: {  	s23 =	spop (v2sf)  }
0x44: {  	s31 =	sshra.s32 s23, $0x1F  }
0x45: {  	s22 =	sshrl.u32 s31, $0x1C  }
0x46: {  	s22 =	sadd.s32 s22, s23  }
0x47: {  	s22 =	sshra.s32 s22, $0x4  }
0x48: {  	[tilespmem:s22+$0x0] =	vst v2  }
0x49: {  	[tilespmem:s22+$0x4F20] =	vst v0  }
0x4a: {  	[tilespmem:s22+$0x10] =	vst v2  }
0x4b: {  	[tilespmem:s22+$0x4F30] =	vst v0  }
0x4c: {  	[tilespmem:s22+$0x20] =	vst v2  }
0x4d: {  	[tilespmem:s22+$0x4F40] =	vst v0  }
0x4e: {  	[tilespmem:s22+$0x30] =	vst v2  }
0x4f: {  	[tilespmem:s22+$0x4F50] =	vst v0  }
0x50: {  	[tilespmem:s22+$0x40] =	vst v2  }
0x51: {  	[tilespmem:s22+$0x4F60] =	vst v0  }
0x52: {  	[tilespmem:s22+$0x50] =	vst v2  }
0x53: {  	[tilespmem:s22+$0x4F70] =	vst v0  }
0x54: {  	[tilespmem:s22+$0x60] =	vst v2  }
0x55: {  	[tilespmem:s22+$0x4F80] =	vst v0  }
0x56: {  	[tilespmem:s22+$0x70] =	vst v2  }
0x57: {  	[tilespmem:s22+$0x4F90] =	vst v0  }
0x58: {  	_ =	swait.ge [sflag:s17], $0x4000  }
0x59: {  	[sflag:s17] =	ssyncset.done $0x0  }
0x5a: {  	[sflag:s17] =	ssyncadd.s32 $0xFFFFC000  }
0x5b: {  	_ =	swait.ge [sflag:s17], $0x4000  }
0x5c: {  	[sflag:s17] =	ssyncset.done $0x0  }
0x5d: {  	p0 =	slt.s32 s23, $0x10;
	[sflag:s17] =	ssyncadd.s32 $0xFFFFC000  }
.Ltmp3:
0x5e: {  	_ =	swait.ge [sflag:s17], $0x2400;
	(pc) =	sbr.rel @p0 .LBB2_7-.Ltmp3, $3  }
0x5f: {  	[sflag:s17] =	ssyncset.done $0x0  }
0x60: {  	[sflag:s17] =	ssyncadd.s32 $0xFFFFDC00  }
0x61: {  	[bflag:$0x0] =	sbarrier.arrive $0xFFFF;
	_ =	sdelay $0x1  }
0x62: {  	s22 =	sadd.s32 $0x7F, s22  }
0x63: {  	s23 =	sshra.s32 s22, $0x1F  }
0x64: {  	s23 =	sshrl.u32 s23, $0x19  }
0x65: {  	s22 =	sadd.s32 s23, s22  }
0x66: {  	s24 =	simm.s32 $0x0;
	s23 =	simm.s32 $0x80;
	s22 =	sshra.s32 s22, $0x7  }
0x67: {  	[tilespmem:s13], [sflag:$0x1] =	stream.indirect.gather [hbm4b:s2+s23], $0x80, s24, s23, $0xb8;
	[tilespmem:$0x1C250] =	vst v63  }
0x68: {  	s24 =	sand.u32 $0x1, s24;
	_ =	swait.ge [sflag:s17], $0x4000;
	p0 =	sle.s32 s22, $0x1  }
0x69: {  	s26 =	sshll.u32 s24, $0xE;
	[sflag:s17] =	ssyncset.done $0x0;
	s25 =	sshll.u32 @!p0 s24, $0xE  }
0x6a: {  	[sflag:s17] =	ssyncadd.s32 $0xFFFFC000;
	s24 =	sxor.u32 @!p0 $0xDE40, s25;
	s25 =	simm.s32 @!p0 $0x80  }
0x6b: {  	[tilespmem:s24], [sflag:$0x1] =	stream.indirect.gather @!p0 [hbm4b:s2+s25], $0x80, s23, s25, $0xb8;
	[tilespmem:$0x1C250] =	vst v63  }
0x6c: {  	p0 =	sgt.s32 s22, $0x1;
	s25 =	smov.u32 s22  }
0x6d: {  	s29 =	sor.u32 $0x9E40, s26;
	s24 =	simm.s32 $0x4F20;
	s25 =	simm.s32 @!p0 $0x1  }
0x6e: {  	[spmem:s3] =	stream.indirect.scatter.add.f32 [tilespmem:s29], [sflag:$0x2], $0x80, s24, s18, $0xb8;
	[tilespmem:$0x1C250] =	vst v63  }
0x6f: {  	s31 =	simm.s32 $0x4F60;
	s30 =	sor.u32 $0xBE40, s26;
	p0 =	sne.s32 s25, $0x1  }
0x70: {  	[spmem:s3] =	stream.indirect.scatter.add.f32 [tilespmem:s30], [sflag:$0x2], $0x80, s31, s18, $0xb8;
	[tilespmem:$0x1C250] =	vst v63  }
.Ltmp4:
0x71: {  	_ =	swait.ge [sflag:s19], $0x2000;
	(pc) =	sbr.rel @!p0 .LBB2_6-.Ltmp4, $4  }
0x72: {  	[sflag:s19] =	ssyncset.done $0x0  }
0x73: {  	[sflag:s19] =	ssyncadd.s32 $0xFFFFE000  }
0x74: {  	_ =	swait.ge [sflag:s19], $0x2000  }
0x75: {  	s26 =	simm.s32 $0x1;
	[sflag:s19] =	ssyncset.done $0x0  }
.LBB2_5:
0x76: {  	[sflag:s19] =	ssyncadd.s32 $0xFFFFE000  }
0x77: {  	s23 =	sadd.s32 $0x80, s23;
	s28 =	smov.u32 s26;
	s26 =	sadd.s32 $0x1, s26  }
0x78: {  	s28 =	sand.u32 $0x1, s28;
	_ =	swait.ge [sflag:s17], $0x4000;
	p0 =	sge.s32 s26, s22  }
0x79: {  	[sflag:s17] =	ssyncset.done $0x0;
	s29 =	sshll.u32 @!p0 s28, $0xE;
	s28 =	sshll.u32 s28, $0xE  }
0x7a: {  	s30 =	simm.s32 @!p0 $0x80;
	[sflag:s17] =	ssyncadd.s32 $0xFFFFC000;
	s29 =	sxor.u32 @!p0 $0xDE40, s29  }
0x7b: {  	[tilespmem:s29], [sflag:$0x1] =	stream.indirect.gather @!p0 [hbm4b:s2+s30], $0x80, s23, s30, $0xb8;
	[tilespmem:$0x1C250] =	vst v63  }
0x7c: {  	s24 =	sadd.s32 $0x80, s24;
	s29 =	sor.u32 $0x9E40, s28;
	p0 =	sne.s32 s25, s26  }
0x7d: {  	[spmem:s3] =	stream.indirect.scatter.add.f32 [tilespmem:s29], [sflag:$0x2], $0x80, s24, s18, $0xb8;
	[tilespmem:$0x1C250] =	vst v63  }
0x7e: {  	s28 =	sor.u32 $0xBE40, s28;
	s29 =	sadd.s32 $0x40, s24  }
0x7f: {  	[spmem:s3] =	stream.indirect.scatter.add.f32 [tilespmem:s28], [sflag:$0x2], $0x80, s29, s18, $0xb8;
	[tilespmem:$0x1C250] =	vst v63  }
.Ltmp5:
0x80: {  	_ =	swait.ge [sflag:s19], $0x2000;
	(pc) =	sbr.rel @p0 .LBB2_5-.Ltmp5, $4  }
0x81: {  	[sflag:s19] =	ssyncset.done $0x0  }
0x82: {  	[sflag:s19] =	ssyncadd.s32 $0xFFFFE000  }
0x83: {  	_ =	swait.ge [sflag:s19], $0x2000  }
0x84: {  	[sflag:s19] =	ssyncset.done $0x0  }
.Ltmp6:
0x85: {  	_ = 	snop;
	(pc) =	sbr.rel .LBB2_6-.Ltmp6, $1  }
0x86: {  	_ =	sdelay $0x3  }
.LBB2_8:
0x87: {  	_ =	sfence.sel $0x180000  }
0x88: {  	[bflag:$0x0] =	sbarrier.arrive $0xFFFF  }
0x89: {  	p0 =	sne.s32 s0, $0x0;
	_ =	strace $0x9000004A  }
0x8a: {  	s0 =	sadd.s32 @!p0 $0x100000, s1;
	[bflag:$0x2] =	sbarrier.arrive $0xFFFF  }
0x8b: {  	[sflag:s0] =	ssyncadd.tile.s32 @!p0 $0x1;
	_ =	shalt  }
.Lfunc_end2:
_tile_overlayer_lowered:
.L_overlay_start_2:
0x8c: {  	(tag) =	ssettag $0x2  }
0x8d: {  	s0 =	rddreg [dreg:$0x0];
	s2 =	stileid.u32  }
0x8e: {  	s1 =	rddreg [dreg:$0x1];
	p0 =	sne.s32 s2, $0x0  }
0x8f: {  	s3 =	rddreg [dreg:$0x2];
	[bflag:$0x3] =	sbarrier.arrive $0xFFFF;
	s2 =	simm.s32 @!p0 $0x1C03  }
0x90: {  	[timem:s3], [sflag:s2] =	dma.local @!p0 [hbm:s0], s1  }
0x91: {  	s0 =	simm.s32 @!p0 $0x3  }
0x92: {  	_ =	swait.ge @!p0 [sflag:s0], s1  }
0x93: {  	s1 =	ssub.s32 @!p0 $0x0, s1;
	[sflag:s0] =	ssyncset.done @!p0 $0x0  }
0x94: {  	[sflag:s0] =	ssyncadd.s32 @!p0 s1  }
0x95: {  	[bflag:$0x3] =	sbarrier.arrive $0xFFFF  }
0x96: {  	_ =	shalt  }

</sc_bundles>
